<compile_context>
chip_gen: v7x
topology: tpu7x:2x2x1
jax: 0.10.2.dev20260603
libtpu: 0.0.44.dev20260713+nightly
codegen_flags: <defaults>
</compile_context>

<pallas_src>
import functools

import jax
import jax.numpy as jnp
from jax import lax
from jax.experimental import pallas as pl
from jax.experimental.pallas import tpu as pltpu
from jax.experimental.pallas import tpu_sc as plsc

_VOCAB = 64
_IN = 64
_HID = 13
_N = 1024
_SEQ = 16
_E = 16384
_G = 4 * _HID

_HP = lax.Precision.DEFAULT


def _dot(a, b):
    return jnp.dot(a, b, precision=_HP, preferred_element_type=jnp.float32)


def _cell(g, c):
    i = jax.nn.sigmoid(g[:, 0:_HID])
    f = jax.nn.sigmoid(g[:, _HID:2 * _HID])
    gg = jnp.tanh(g[:, 2 * _HID:3 * _HID])
    o = jax.nn.sigmoid(g[:, 3 * _HID:4 * _HID])
    c2 = f * c + i * gg
    return o * jnp.tanh(c2), c2


def _cell_t(g, c):
    i = jax.nn.sigmoid(g[0:32])
    f = jax.nn.sigmoid(g[32:64])
    gg = jnp.tanh(g[64:96])
    o = jax.nn.sigmoid(g[96:128])
    c2 = f * c + i * gg
    return o * jnp.tanh(c2), c2


def _cell_t52(g, c):
    i = jax.nn.sigmoid(g[0:_HID])
    f = jax.nn.sigmoid(g[_HID:2 * _HID])
    gg = jnp.tanh(g[2 * _HID:3 * _HID])
    o = jax.nn.sigmoid(g[3 * _HID:4 * _HID])
    c2 = f * c + i * gg
    return o * jnp.tanh(c2)


def _leaky(v):
    return jnp.where(v >= 0, v, 0.01 * v)



def _sc_counts(edge_index):
    info = plsc.get_sparse_core_info()
    nc, ns = info.num_cores, info.num_subcores
    ntiles = nc * ns
    e_per = _E // ntiles
    chunk = 128
    nchunk = e_per // chunk
    words_per_tile = (_N * _N) // ns
    zb = 2048

    mesh = plsc.VectorSubcoreMesh(core_axis_name="c", subcore_axis_name="s")

    @functools.partial(
        pl.kernel,
        out_type=jax.ShapeDtypeStruct((nc, _N * _N), jnp.float32),
        mesh=mesh,
        scratch_types=[
            pltpu.VMEM((e_per,), jnp.int32),
            pltpu.VMEM((e_per,), jnp.int32),
            pltpu.VMEM((nchunk, chunk), jnp.int32),
            pltpu.VMEM((chunk,), jnp.float32),
            pltpu.VMEM((zb,), jnp.float32),
            pltpu.VMEM_SHARED((_N * _N,), jnp.float32),
        ],
    )
    def counts_kernel(edges, out, src_v, dst_v, idx_v, ones_v, zb_v, acc):
        cid = lax.axis_index("c")
        sid = lax.axis_index("s")
        gid = cid * ns + sid

        zeros16 = jnp.zeros((16,), jnp.float32)
        ones16 = jnp.ones((16,), jnp.float32)
        for k in range(zb // 16):
            zb_v[pl.ds(k * 16, 16)] = zeros16
        for k in range(chunk // 16):
            ones_v[pl.ds(k * 16, 16)] = ones16

        base = gid * e_per
        pltpu.sync_copy(edges.at[0, pl.ds(base, e_per)], src_v)
        pltpu.sync_copy(edges.at[1, pl.ds(base, e_per)], dst_v)
        for j in range(nchunk):
            for k in range(chunk // 16):
                o = j * chunk + k * 16
                s16 = src_v[pl.ds(o, 16)]
                d16 = dst_v[pl.ds(o, 16)]
                idx_v[j, pl.ds(k * 16, 16)] = s16 * _N + d16

        zbase = sid * words_per_tile
        for j in range(words_per_tile // zb):
            pltpu.sync_copy(zb_v, acc.at[pl.ds(zbase + j * zb, zb)])
        plsc.subcore_barrier()

        for j in range(nchunk):
            pltpu.sync_copy(ones_v, acc.at[idx_v.at[j]], add=True)
        plsc.subcore_barrier()

        pltpu.sync_copy(acc.at[pl.ds(zbase, words_per_tile)],
                        out.at[cid, pl.ds(zbase, words_per_tile)])

    return counts_kernel(edge_index)



def _enc_body(xr_ref, xt_ref, embt_ref, wf0_ref, wb0_ref, whh0_ref, b0_ref,
              w1f_ref, w1b_ref, whh1_ref, b1_ref,
              p1w0_ref, p1w1_ref, p1b_ref, p2w0_ref, p2w1_ref, p2b_ref,
              dwih_ref, db_ref, ow_ref, ob_ref,
              tail_ref, sht_ref, sct_ref, hs_ref):
    iota_t = lax.broadcasted_iota(jnp.int32, (_VOCAB, _N), 0)

    def oh_t(t):
        return (xr_ref[t] == iota_t).astype(jnp.float32)

    embt = embt_ref[...]
    ewf = _dot(wf0_ref[...], embt)
    ewb = _dot(wb0_ref[...], embt)
    whh0 = whh0_ref[...]
    b0 = b0_ref[...]
    z = jnp.zeros((2 * _HID + 6, _N), jnp.float32)

    def step0(s, hc):
        h, c = hc
        g = _dot(ewf, oh_t(s)) + _dot(ewb, oh_t(_SEQ - 1 - s))
        g = g + b0 + _dot(whh0, h)
        h, c = _cell_t(g, c)
        hs_ref[s] = h
        return (h, c)

    h0, c0 = lax.fori_loop(0, _SEQ, step0, (z, z))

    whh1 = whh1_ref[...]
    b1 = b1_ref[...]

    def step1(s, hc):
        h, c = hc
        g = _dot(w1f_ref[...], hs_ref[s]) + _dot(w1b_ref[...],
                                                 hs_ref[_SEQ - 1 - s])
        g = g + b1 + _dot(whh1, h)
        return _cell_t(g, c)

    h1, c1 = lax.fori_loop(0, _SEQ, step1, (z, z))

    sht_ref[...] = _dot(p1w0_ref[...], h0) + _dot(p1w1_ref[...], h1) \
        + p1b_ref[...]
    sct_ref[...] = _dot(p2w0_ref[...], c0) + _dot(p2w1_ref[...], c1) \
        + p2b_ref[...]

    vs = lax.broadcasted_iota(jnp.int32, (_VOCAB, 1), 0).astype(jnp.float32)
    zc = jnp.zeros((_VOCAB, _HID), jnp.float32)
    h2s = []
    for d in range(2):
        g = vs * dwih_ref[d] + db_ref[d]
        h2, _ = _cell(g, zc)
        h2s.append(h2)
    table = _dot(jnp.concatenate(h2s, axis=1), ow_ref[...]) + ob_ref[...]
    zt = jnp.zeros((_VOCAB, _VOCAB), jnp.float32)
    table2 = jnp.concatenate(
        [jnp.concatenate([table, zt], axis=1),
         jnp.concatenate([zt, table], axis=1)], axis=0)
    iota2 = lax.broadcasted_iota(jnp.int32, (_N, 2 * _VOCAB), 1)
    im = iota2 & (_VOCAB - 1)
    hi = iota2 >= _VOCAB
    for p in range(_SEQ // 2):
        tok = jnp.where(hi, xt_ref[2 * p], xt_ref[max(2 * p - 1, 0)])
        ohn2 = (im == tok).astype(jnp.float32)
        tail_ref[:, pl.ds(2 * _VOCAB * p, 2 * _VOCAB)] = _dot(ohn2, table2)



def _gnn_dec_body(ct_ref, sht_ref, sct_ref,
                  hw1_ref, hb1_ref, hw2_ref, hb2_ref, hfw_ref, hfb_ref,
                  cw1_ref, cb1_ref, cw2_ref, cb2_ref, cfw_ref, cfb_ref,
                  dwf_ref, dhf_ref, dbf_ref, dwb_ref, dhb_ref, dbb_ref,
                  owt_ref, obt_ref, headt_ref):
    ct = ct_ref[0] + ct_ref[1]
    deg = jnp.sum(ct, axis=0, keepdims=True) + 1.0
    dinv = lax.rsqrt(deg)
    d2 = dinv * dinv

    def conv2(hat, hct, wa_ref, ba_ref, wc_ref, bc_ref):
        wa = wa_ref[...]
        hwt = jnp.concatenate([_dot(wa, hat), _dot(wc_ref[...], hct)], axis=0)
        aggt = dinv * _dot(hwt * dinv, ct) + d2 * hwt
        k = wa.shape[0]
        return aggt[:k] + ba_ref[...], aggt[k:] + bc_ref[...]

    a1, c1 = conv2(sht_ref[...], sct_ref[...], hw1_ref, hb1_ref,
                   cw1_ref, cb1_ref)
    a2, c2 = conv2(_leaky(a1), _leaky(c1), hw2_ref, hb2_ref,
                   cw2_ref, cb2_ref)
    shgt = _dot(hfw_ref[...], _leaky(a2)) + hfb_ref[...]
    scgt = _dot(cfw_ref[...], _leaky(c2)) + cfb_ref[...]

    h2f = _cell_t52(-dwf_ref[...] + _dot(dhf_ref[...], shgt[:_HID])
                    + dbf_ref[...], scgt[:_HID])
    h2b = _cell_t52(-dwb_ref[...] + _dot(dhb_ref[...], shgt[_HID:])
                    + dbb_ref[...], scgt[_HID:])
    headt_ref[...] = _dot(owt_ref[...], jnp.concatenate([h2f, h2b], axis=0)) \
        + obt_ref[...]




def _blk_half(w, off):
    out = jnp.zeros((4 * 32, w.shape[1]), jnp.float32)
    for j in range(4):
        out = out.at[32 * j + off:32 * j + off + _HID].set(
            w[_HID * j:_HID * (j + 1)])
    return out


def _blk_rec(wf, wb):
    out = jnp.zeros((128, 32), jnp.float32)
    for j in range(4):
        out = out.at[32 * j:32 * j + _HID, 0:_HID].set(
            wf[_HID * j:_HID * (j + 1)])
        out = out.at[32 * j + 16:32 * j + 16 + _HID, 16:16 + _HID].set(
            wb[_HID * j:_HID * (j + 1)])
    return out


def _blk_in2(wf, wb):
    ws = jnp.zeros((128, 32), jnp.float32)
    wr = jnp.zeros((128, 32), jnp.float32)
    for j in range(4):
        r = slice(_HID * j, _HID * (j + 1))
        ws = ws.at[32 * j:32 * j + _HID, 0:_HID].set(wf[r, 0:_HID])
        ws = ws.at[32 * j + 16:32 * j + 16 + _HID, 16:16 + _HID].set(
            wb[r, _HID:2 * _HID])
        wr = wr.at[32 * j:32 * j + _HID, 16:16 + _HID].set(
            wf[r, _HID:2 * _HID])
        wr = wr.at[32 * j + 16:32 * j + 16 + _HID, 0:_HID].set(wb[r, 0:_HID])
    return ws, wr


def _blk_bias(bf, bb):
    out = jnp.zeros((128, 1), jnp.float32)
    for j in range(4):
        out = out.at[32 * j:32 * j + _HID, 0].set(bf[_HID * j:_HID * (j + 1)])
        out = out.at[32 * j + 16:32 * j + 16 + _HID, 0].set(
            bb[_HID * j:_HID * (j + 1)])
    return out


def _proj_half(w):
    out = jnp.zeros((2 * _HID, 32), jnp.float32)
    out = out.at[:, 0:_HID].set(w[0:_HID].T)
    out = out.at[:, 16:16 + _HID].set(w[_HID:2 * _HID].T)
    return out


def _prep(params):
    enc = params['enc']

    def pack(l):
        lf, lb = enc[l][0], enc[l][1]
        whh = _blk_rec(lf['Whh'], lb['Whh'])
        b = _blk_bias(lf['bih'] + lf['bhh'], lb['bih'] + lb['bhh'])
        return whh, b

    whh0, b0 = pack(0)
    whh1, b1 = pack(1)
    w1s, w1r = _blk_in2(enc[1][0]['Wih'], enc[1][1]['Wih'])
    dec = params['dec']
    return dict(
        embt=params['emb'][:_VOCAB].T,
        wf0=_blk_half(enc[0][0]['Wih'], 0),
        wb0=_blk_half(enc[0][1]['Wih'], 16),
        whh0=whh0, b0=b0,
        w1f=w1s, w1b=w1r,
        whh1=whh1, b1=b1,
        p1w0=_proj_half(params['proj1_w'][:2 * _HID]),
        p1w1=_proj_half(params['proj1_w'][2 * _HID:]),
        p1b=params['proj1_b'][:, None],
        p2w0=_proj_half(params['proj2_w'][:2 * _HID]),
        p2w1=_proj_half(params['proj2_w'][2 * _HID:]),
        p2b=params['proj2_b'][:, None],
        dwih=jnp.stack([dec[k]['Wih'].T for k in ('f', 'b')]),
        db=jnp.stack([(dec[k]['bih'] + dec[k]['bhh'])[None, :]
                      for k in ('f', 'b')]),
        ow=params['out_w'], ob=params['out_b'][None, :],
        dwf=dec['f']['Wih'], dhf=dec['f']['Whh'],
        dbf=(dec['f']['bih'] + dec['f']['bhh'])[:, None],
        dwb=dec['b']['Wih'], dhb=dec['b']['Whh'],
        dbb=(dec['b']['bih'] + dec['b']['bhh'])[:, None],
        owt=params['out_w'].T, obt=params['out_b'][:, None],
    )


def _gp(g):
    return (g['w1'].T, g['b1'][:, None], g['w2'].T, g['b2'][:, None],
            g['fc_w'].T, g['fc_b'][:, None])


def kernel(params, x, edge_index):
    p = _prep(params)
    counts = _sc_counts(edge_index).reshape(2, _N, _N)

    xc = x.T
    xr = xc[:, None, :]
    xt = xc[:, :, None]
    tail, sht, sct = pl.pallas_call(
        _enc_body,
        out_shape=[
            jax.ShapeDtypeStruct((_N, _SEQ * _VOCAB), jnp.float32),
            jax.ShapeDtypeStruct((2 * _HID, _N), jnp.float32),
            jax.ShapeDtypeStruct((2 * _HID, _N), jnp.float32),
        ],
        scratch_shapes=[pltpu.VMEM((_SEQ, 2 * _HID + 6, _N), jnp.float32)],
    )(xr, xt, p['embt'], p['wf0'], p['wb0'], p['whh0'], p['b0'],
      p['w1f'], p['w1b'], p['whh1'], p['b1'],
      p['p1w0'], p['p1w1'], p['p1b'], p['p2w0'], p['p2w1'], p['p2b'],
      p['dwih'], p['db'], p['ow'], p['ob'])

    gh = _gp(params['gnn_h'])
    gc = _gp(params['gnn_c'])
    headt = pl.pallas_call(
        _gnn_dec_body,
        out_shape=jax.ShapeDtypeStruct((_VOCAB, _N), jnp.float32),
    )(counts, sht, sct, *gh[:2], *gh[2:4], *gh[4:], *gc[:2], *gc[2:4],
      *gc[4:],
      p['dwf'], p['dhf'], p['dbf'], p['dwb'], p['dhb'], p['dbb'],
      p['owt'], p['obt'])

    return tail.reshape(_N, _SEQ, _VOCAB).at[:, 0, :].set(headt.T)

# --- scband reference (transcript-rebuilt; emitter-appended) ---
"""Pipeline reference for scband-ae-gnnrnn-57002805953277 (READ-ONLY COPY).

The authoritative reference and input builder live on the scoring server;
editing this copy changes nothing except your own understanding.
"""

import jax, jax.numpy as jnp
import numpy as np

VOCAB = 64
IN_DIM = 64
HID = 13
NLAYERS = 2
N_NODES = 1024
SEQ = 16
N_EDGES = 16384


def _nrm(key, shape):
    return jax.random.normal(key, shape, dtype=jnp.float32) * 0.1


def setup_inputs(seed: int = 0):
    key = jax.random.key(seed)
    c = [0]
    def nk():
        c[0] += 1
        return jax.random.fold_in(key, c[0])
    x = jax.random.randint(nk(), (N_NODES, SEQ), 0, VOCAB, dtype=jnp.int32)
    edge_index = jax.random.randint(nk(), (2, N_EDGES), 0, N_NODES, dtype=jnp.int32)
    # nn.Embedding(vocab+1, in_dim, padding_idx=-1): row VOCAB is the (zeroed) padding row
    emb = _nrm(nk(), (VOCAB + 1, IN_DIM)).at[VOCAB].set(0.0)
    enc = []
    for l in range(NLAYERS):
        in_size = IN_DIM if l == 0 else 2 * HID
        layer = []
        for d in range(2):
            layer.append({
                'Wih': _nrm(nk(), (4 * HID, in_size)),
                'Whh': _nrm(nk(), (4 * HID, HID)),
                'bih': _nrm(nk(), (4 * HID,)),
                'bhh': _nrm(nk(), (4 * HID,)),
            })
        enc.append(layer)
    def gnn_params():
        return {
            'w1': _nrm(nk(), (2 * HID, 16)), 'b1': _nrm(nk(), (16,)),
            'w2': _nrm(nk(), (16, 32)), 'b2': _nrm(nk(), (32,)),
            'fc_w': _nrm(nk(), (32, 2 * HID)), 'fc_b': _nrm(nk(), (2 * HID,)),
        }
    params = {
        'emb': emb,
        'enc': enc,
        'proj1_w': _nrm(nk(), (NLAYERS * 2 * HID, 2 * HID)), 'proj1_b': _nrm(nk(), (2 * HID,)),
        'proj2_w': _nrm(nk(), (NLAYERS * 2 * HID, 2 * HID)), 'proj2_b': _nrm(nk(), (2 * HID,)),
        'gnn_h': gnn_params(),
        'gnn_c': gnn_params(),
        'dec': {
            'f': {'Wih': _nrm(nk(), (4 * HID, 1)), 'Whh': _nrm(nk(), (4 * HID, HID)), 'bih': _nrm(nk(), (4 * HID,)), 'bhh': _nrm(nk(), (4 * HID,))},
            'b': {'Wih': _nrm(nk(), (4 * HID, 1)), 'Whh': _nrm(nk(), (4 * HID, HID)), 'bih': _nrm(nk(), (4 * HID,)), 'bhh': _nrm(nk(), (4 * HID,))},
        },
        'out_w': _nrm(nk(), (2 * HID, VOCAB)), 'out_b': _nrm(nk(), (VOCAB,)),
    }
    return {'params': params, 'x': x, 'edge_index': edge_index}


def _lstm_cell(x_t, h, c, p):
    g = x_t @ p['Wih'].T + h @ p['Whh'].T + p['bih'] + p['bhh']
    i, f, gg, o = jnp.split(g, 4, axis=-1)
    i = jax.nn.sigmoid(i); f = jax.nn.sigmoid(f); o = jax.nn.sigmoid(o); gg = jnp.tanh(gg)
    c2 = f * c + i * gg
    return o * jnp.tanh(c2), c2


def _leaky(v):
    return jnp.where(v >= 0, v, 0.01 * v)


def _bilstm(xs, layers):
    # xs: [L, N, in]; returns h_n, c_n stacked in PyTorch order (l0_fwd, l0_bwd, l1_fwd, l1_bwd)
    hns, cns = [], []
    cur = xs
    for layer in layers:
        outs = []
        for d in range(2):
            p = layer[d]
            seq = cur[::-1] if d == 1 else cur
            B = cur.shape[1]
            def step(carry, x_t, p=p):
                h, c = carry
                h2, c2 = _lstm_cell(x_t, h, c, p)
                return (h2, c2), h2
            (hT, cT), hs = jax.lax.scan(step, (jnp.zeros((B, HID), jnp.float32), jnp.zeros((B, HID), jnp.float32)), seq)
            if d == 1:
                hs = hs[::-1]
            outs.append(hs); hns.append(hT); cns.append(cT)
        cur = jnp.concatenate(outs, axis=-1)
    return jnp.stack(hns), jnp.stack(cns)


def _gnn(x, src, dst, gp):
    # GCNConv(26->16) -> leaky -> GCNConv(16->32) -> leaky -> Linear(32->26)
    n = x.shape[0]
    deg = jnp.zeros((n,), jnp.float32).at[dst].add(1.0)
    dinv = jax.lax.rsqrt(deg)
    norm = (dinv[src] * dinv[dst])[:, None]
    def conv(h, W, b):
        hw = h @ W
        agg = jnp.zeros((n, W.shape[1]), jnp.float32).at[dst].add(hw[src] * norm)
        return agg + b
    h = _leaky(conv(x, gp['w1'], gp['b1']))
    h = _leaky(conv(h, gp['w2'], gp['b2']))
    return h @ gp['fc_w'] + gp['fc_b']


def _forward(params, x, edge_index):
    n, L = x.shape
    embs = jnp.take(params['emb'], x, axis=0)  # [n, L, IN_DIM]
    hn, cn = _bilstm(jnp.transpose(embs, (1, 0, 2)), params['enc'])  # [4, n, HID]
    h_cat = jnp.transpose(hn, (1, 0, 2)).reshape(n, -1)  # h_n.reshape(1,-1) per node
    c_cat = jnp.transpose(cn, (1, 0, 2)).reshape(n, -1)
    sh = h_cat @ params['proj1_w'] + params['proj1_b']  # [n, 26]
    sc = c_cat @ params['proj2_w'] + params['proj2_b']
    src = jnp.concatenate([edge_index[0], jnp.arange(n, dtype=edge_index.dtype)])
    dst = jnp.concatenate([edge_index[1], jnp.arange(n, dtype=edge_index.dtype)])
    shg = _gnn(sh, src, dst, params['gnn_h']).reshape(n, 2, HID)
    scg = _gnn(sc, src, dst, params['gnn_c']).reshape(n, 2, HID)
    # decoder: step 0 seeds state with graph state, steps i>0 start from zero state (faithful to torch code)
    prev = jnp.concatenate([-jnp.ones((n, 1), jnp.float32), x[:, :-1].astype(jnp.float32)], axis=1)  # [n, L]
    mask0 = (jnp.arange(L) == 0).astype(jnp.float32)[None, :, None]
    hf0 = mask0 * shg[:, None, 0, :]; cf0 = mask0 * scg[:, None, 0, :]
    hb0 = mask0 * shg[:, None, 1, :]; cb0 = mask0 * scg[:, None, 1, :]
    dec = params['dec']
    def dec_one(v, hf, cf, hb, cb):
        xt = v[None]  # [1] -> input_size 1
        h2f, _ = _lstm_cell(xt, hf, cf, dec['f'])
        h2b, _ = _lstm_cell(xt, hb, cb, dec['b'])
        return jnp.concatenate([h2f, h2b]) @ params['out_w'] + params['out_b']
    return jax.vmap(jax.vmap(dec_one))(prev, hf0, cf0, hb0, cb0)  # [n, L, VOCAB]


def reference(params, x, edge_index):
    return _forward(params, x, edge_index)

if __name__ == "__main__":
    import jax
    _d = setup_inputs()
    print(jax.jit(kernel)(*tuple(_d.values())))

</pallas_src>

<mosaic_0001>
#map = affine_map<(d0, d1) -> (0, 0)>
module attributes {stable_mosaic.version = 14 : i64} {
  func.func @counts_kernel(%arg0: i32, %arg1: i32, %arg2: memref<2x16384xi32, #tpu.memory_space<hbm>>, %arg3: memref<2x1048576xf32, #tpu.memory_space<hbm>>, %arg4: memref<512xi32, #tpu.memory_space<vmem>>, %arg5: memref<512xi32, #tpu.memory_space<vmem>>, %arg6: memref<4x128xi32, #tpu.memory_space<vmem>>, %arg7: memref<128xf32, #tpu.memory_space<vmem>>, %arg8: memref<2048xf32, #tpu.memory_space<vmem>>, %arg9: memref<1048576xf32, #tpu.memory_space<vmem_shared>>) attributes {dimension_semantics = [#tpu.dimension_semantics<core_parallel>, #tpu.dimension_semantics<subcore_parallel>], iteration_bounds = array<i64: 2, 16>, scalar_prefetch = 0 : i64, scratch_operands = 6 : i64, tpu.core_type = #tpu.core_type<sc_vector_subcore>, window_params = [{transform_indices = #map}, {transform_indices = #map}]} {
    %mul3A = arith.constant 16 : i32
    %mul3A_0 = arith.muli %arg0, %mul3A : i32
    %add3A = arith.addi %mul3A_0, %arg1 : i32
    %broadcast_in_dim3A = arith.constant 0.000000e+00 : f32
    %broadcast_in_dim3A_1 = vector.broadcast %broadcast_in_dim3A : f32 to vector<16xf32>
    %broadcast_in_dim3A_2 = arith.constant 1.000000e+00 : f32
    %broadcast_in_dim3A_3 = vector.broadcast %broadcast_in_dim3A_2 : f32 to vector<16xf32>
    %swap3A = arith.constant 0 : index
    %swap3A_4 = tpu.vector_load %arg8[%swap3A] {strides = array<i32>} : memref<2048xf32, #tpu.memory_space<vmem>>, vector<16xf32>,
    %swap3A_5 = vector.shape_cast %swap3A_4 : vector<16xf32> to vector<16xf32>
    %swap3A_6 = vector.shape_cast %broadcast_in_dim3A_1 : vector<16xf32> to vector<16xf32>
    tpu.vector_store %arg8[%swap3A], %swap3A_6 {strides = array<i32>} : memref<2048xf32, #tpu.memory_space<vmem>>, vector<16xf32>,
    %swap3A_7 = arith.constant 16 : index
    %swap3A_8 = tpu.vector_load %arg8[%swap3A_7] {strides = array<i32>} : memref<2048xf32, #tpu.memory_space<vmem>>, vector<16xf32>,
    %swap3A_9 = vector.shape_cast %swap3A_8 : vector<16xf32> to vector<16xf32>
    %swap3A_10 = vector.shape_cast %broadcast_in_dim3A_1 : vector<16xf32> to vector<16xf32>
    tpu.vector_store %arg8[%swap3A_7], %swap3A_10 {strides = array<i32>} : memref<2048xf32, #tpu.memory_space<vmem>>, vector<16xf32>,
    %swap3A_11 = arith.constant 32 : index
    %swap3A_12 = tpu.vector_load %arg8[%swap3A_11] {strides = array<i32>} : memref<2048xf32, #tpu.memory_space<vmem>>, vector<16xf32>,
    %swap3A_13 = vector.shape_cast %swap3A_12 : vector<16xf32> to vector<16xf32>
    %swap3A_14 = vector.shape_cast %broadcast_in_dim3A_1 : vector<16xf32> to vector<16xf32>
    tpu.vector_store %arg8[%swap3A_11], %swap3A_14 {strides = array<i32>} : memref<2048xf32, #tpu.memory_space<vmem>>, vector<16xf32>,
    %swap3A_15 = arith.constant 48 : index
    %swap3A_16 = tpu.vector_load %arg8[%swap3A_15] {strides = array<i32>} : memref<2048xf32, #tpu.memory_space<vmem>>, vector<16xf32>,
    %swap3A_17 = vector.shape_cast %swap3A_16 : vector<16xf32> to vector<16xf32>
    %swap3A_18 = vector.shape_cast %broadcast_in_dim3A_1 : vector<16xf32> to vector<16xf32>
    tpu.vector_store %arg8[%swap3A_15], %swap3A_18 {strides = array<i32>} : memref<2048xf32, #tpu.memory_space<vmem>>, vector<16xf32>,
    %swap3A_19 = arith.constant 64 : index
    %swap3A_20 = tpu.vector_load %arg8[%swap3A_19] {strides = array<i32>} : memref<2048xf32, #tpu.memory_space<vmem>>, vector<16xf32>,
    %swap3A_21 = vector.shape_cast %swap3A_20 : vector<16xf32> to vector<16xf32>
    %swap3A_22 = vector.shape_cast %broadcast_in_dim3A_1 : vector<16xf32> to vector<16xf32>
    tpu.vector_store %arg8[%swap3A_19], %swap3A_22 {strides = array<i32>} : memref<2048xf32, #tpu.memory_space<vmem>>, vector<16xf32>,
    %swap3A_23 = arith.constant 80 : index
    %swap3A_24 = tpu.vector_load %arg8[%swap3A_23] {strides = array<i32>} : memref<2048xf32, #tpu.memory_space<vmem>>, vector<16xf32>,
    %swap3A_25 = vector.shape_cast %swap3A_24 : vector<16xf32> to vector<16xf32>
    %swap3A_26 = vector.shape_cast %broadcast_in_dim3A_1 : vector<16xf32> to vector<16xf32>
    tpu.vector_store %arg8[%swap3A_23], %swap3A_26 {strides = array<i32>} : memref<2048xf32, #tpu.memory_space<vmem>>, vector<16xf32>,
    %swap3A_27 = arith.constant 96 : index
    %swap3A_28 = tpu.vector_load %arg8[%swap3A_27] {strides = array<i32>} : memref<2048xf32, #tpu.memory_space<vmem>>, vector<16xf32>,
    %swap3A_29 = vector.shape_cast %swap3A_28 : vector<16xf32> to vector<16xf32>
    %swap3A_30 = vector.shape_cast %broadcast_in_dim3A_1 : vector<16xf32> to vector<16xf32>
    tpu.vector_store %arg8[%swap3A_27], %swap3A_30 {strides = array<i32>} : memref<2048xf32, #tpu.memory_space<vmem>>, vector<16xf32>,
    %swap3A_31 = arith.constant 112 : index
    %swap3A_32 = tpu.vector_load %arg8[%swap3A_31] {strides = array<i32>} : memref<2048xf32, #tpu.memory_space<vmem>>, vector<16xf32>,
    %swap3A_33 = vector.shape_cast %swap3A_32 : vector<16xf32> to vector<16xf32>
    %swap3A_34 = vector.shape_cast %broadcast_in_dim3A_1 : vector<16xf32> to vector<16xf32>
    tpu.vector_store %arg8[%swap3A_31], %swap3A_34 {strides = array<i32>} : memref<2048xf32, #tpu.memory_space<vmem>>, vector<16xf32>,
    %swap3A_35 = arith.constant 128 : index
    %swap3A_36 = tpu.vector_load %arg8[%swap3A_35] {strides = array<i32>} : memref<2048xf32, #tpu.memory_space<vmem>>, vector<16xf32>,
    %swap3A_37 = vector.shape_cast %swap3A_36 : vector<16xf32> to vector<16xf32>
    %swap3A_38 = vector.shape_cast %broadcast_in_dim3A_1 : vector<16xf32> to vector<16xf32>
    tpu.vector_store %arg8[%swap3A_35], %swap3A_38 {strides = array<i32>} : memref<2048xf32, #tpu.memory_space<vmem>>, vector<16xf32>,
    %swap3A_39 = arith.constant 144 : index
    %swap3A_40 = tpu.vector_load %arg8[%swap3A_39] {strides = array<i32>} : memref<2048xf32, #tpu.memory_space<vmem>>, vector<16xf32>,
    %swap3A_41 = vector.shape_cast %swap3A_40 : vector<16xf32> to vector<16xf32>
    %swap3A_42 = vector.shape_cast %broadcast_in_dim3A_1 : vector<16xf32> to vector<16xf32>
    tpu.vector_store %arg8[%swap3A_39], %swap3A_42 {strides = array<i32>} : memref<2048xf32, #tpu.memory_space<vmem>>, vector<16xf32>,
    %swap3A_43 = arith.constant 160 : index
    %swap3A_44 = tpu.vector_load %arg8[%swap3A_43] {strides = array<i32>} : memref<2048xf32, #tpu.memory_space<vmem>>, vector<16xf32>,
    %swap3A_45 = vector.shape_cast %swap3A_44 : vector<16xf32> to vector<16xf32>
    %swap3A_46 = vector.shape_cast %broadcast_in_dim3A_1 : vector<16xf32> to vector<16xf32>
    tpu.vector_store %arg8[%swap3A_43], %swap3A_46 {strides = array<i32>} : memref<2048xf32, #tpu.memory_space<vmem>>, vector<16xf32>,
    %swap3A_47 = arith.constant 176 : index
    %swap3A_48 = tpu.vector_load %arg8[%swap3A_47] {strides = array<i32>} : memref<2048xf32, #tpu.memory_space<vmem>>, vector<16xf32>,
    %swap3A_49 = vector.shape_cast %swap3A_48 : vector<16xf32> to vector<16xf32>
    %swap3A_50 = vector.shape_cast %broadcast_in_dim3A_1 : vector<16xf32> to vector<16xf32>
    tpu.vector_store %arg8[%swap3A_47], %swap3A_50 {strides = array<i32>} : memref<2048xf32, #tpu.memory_space<vmem>>, vector<16xf32>,
    %swap3A_51 = arith.constant 192 : index
    %swap3A_52 = tpu.vector_load %arg8[%swap3A_51] {strides = array<i32>} : memref<2048xf32, #tpu.memory_space<vmem>>, vector<16xf32>,
    %swap3A_53 = vector.shape_cast %swap3A_52 : vector<16xf32> to vector<16xf32>
    %swap3A_54 = vector.shape_cast %broadcast_in_dim3A_1 : vector<16xf32> to vector<16xf32>
    tpu.vector_store %arg8[%swap3A_51], %swap3A_54 {strides = array<i32>} : memref<2048xf32, #tpu.memory_space<vmem>>, vector<16xf32>,
    %swap3A_55 = arith.constant 208 : index
    %swap3A_56 = tpu.vector_load %arg8[%swap3A_55] {strides = array<i32>} : memref<2048xf32, #tpu.memory_space<vmem>>, vector<16xf32>,
    %swap3A_57 = vector.shape_cast %swap3A_56 : vector<16xf32> to vector<16xf32>
    %swap3A_58 = vector.shape_cast %broadcast_in_dim3A_1 : vector<16xf32> to vector<16xf32>
    tpu.vector_store %arg8[%swap3A_55], %swap3A_58 {strides = array<i32>} : memref<2048xf32, #tpu.memory_space<vmem>>, vector<16xf32>,
    %swap3A_59 = arith.constant 224 : index
    %swap3A_60 = tpu.vector_load %arg8[%swap3A_59] {strides = array<i32>} : memref<2048xf32, #tpu.memory_space<vmem>>, vector<16xf32>,
    %swap3A_61 = vector.shape_cast %swap3A_60 : vector<16xf32> to vector<16xf32>
    %swap3A_62 = vector.shape_cast %broadcast_in_dim3A_1 : vector<16xf32> to vector<16xf32>
    tpu.vector_store %arg8[%swap3A_59], %swap3A_62 {strides = array<i32>} : memref<2048xf32, #tpu.memory_space<vmem>>, vector<16xf32>,
    %swap3A_63 = arith.constant 240 : index
    %swap3A_64 = tpu.vector_load %arg8[%swap3A_63] {strides = array<i32>} : memref<2048xf32, #tpu.memory_space<vmem>>, vector<16xf32>,
    %swap3A_65 = vector.shape_cast %swap3A_64 : vector<16xf32> to vector<16xf32>
    %swap3A_66 = vector.shape_cast %broadcast_in_dim3A_1 : vector<16xf32> to vector<16xf32>
    tpu.vector_store %arg8[%swap3A_63], %swap3A_66 {strides = array<i32>} : memref<2048xf32, #tpu.memory_space<vmem>>, vector<16xf32>,
    %swap3A_67 = arith.constant 256 : index
    %swap3A_68 = tpu.vector_load %arg8[%swap3A_67] {strides = array<i32>} : memref<2048xf32, #tpu.memory_space<vmem>>, vector<16xf32>,
    %swap3A_69 = vector.shape_cast %swap3A_68 : vector<16xf32> to vector<16xf32>
    %swap3A_70 = vector.shape_cast %broadcast_in_dim3A_1 : vector<16xf32> to vector<16xf32>
    tpu.vector_store %arg8[%swap3A_67], %swap3A_70 {strides = array<i32>} : memref<2048xf32, #tpu.memory_space<vmem>>, vector<16xf32>,
    %swap3A_71 = arith.constant 272 : index
    %swap3A_72 = tpu.vector_load %arg8[%swap3A_71] {strides = array<i32>} : memref<2048xf32, #tpu.memory_space<vmem>>, vector<16xf32>,
    %swap3A_73 = vector.shape_cast %swap3A_72 : vector<16xf32> to vector<16xf32>
    %swap3A_74 = vector.shape_cast %broadcast_in_dim3A_1 : vector<16xf32> to vector<16xf32>
    tpu.vector_store %arg8[%swap3A_71], %swap3A_74 {strides = array<i32>} : memref<2048xf32, #tpu.memory_space<vmem>>, vector<16xf32>,
    %swap3A_75 = arith.constant 288 : index
    %swap3A_76 = tpu.vector_load %arg8[%swap3A_75] {strides = array<i32>} : memref<2048xf32, #tpu.memory_space<vmem>>, vector<16xf32>,
    %swap3A_77 = vector.shape_cast %swap3A_76 : vector<16xf32> to vector<16xf32>
    %swap3A_78 = vector.shape_cast %broadcast_in_dim3A_1 : vector<16xf32> to vector<16xf32>
    tpu.vector_store %arg8[%swap3A_75], %swap3A_78 {strides = array<i32>} : memref<2048xf32, #tpu.memory_space<vmem>>, vector<16xf32>,
    %swap3A_79 = arith.constant 304 : index
    %swap3A_80 = tpu.vector_load %arg8[%swap3A_79] {strides = array<i32>} : memref<2048xf32, #tpu.memory_space<vmem>>, vector<16xf32>,
    %swap3A_81 = vector.shape_cast %swap3A_80 : vector<16xf32> to vector<16xf32>
    %swap3A_82 = vector.shape_cast %broadcast_in_dim3A_1 : vector<16xf32> to vector<16xf32>
    tpu.vector_store %arg8[%swap3A_79], %swap3A_82 {strides = array<i32>} : memref<2048xf32, #tpu.memory_space<vmem>>, vector<16xf32>,
    %swap3A_83 = arith.constant 320 : index
    %swap3A_84 = tpu.vector_load %arg8[%swap3A_83] {strides = array<i32>} : memref<2048xf32, #tpu.memory_space<vmem>>, vector<16xf32>,
    %swap3A_85 = vector.shape_cast %swap3A_84 : vector<16xf32> to vector<16xf32>
    %swap3A_86 = vector.shape_cast %broadcast_in_dim3A_1 : vector<16xf32> to vector<16xf32>
    tpu.vector_store %arg8[%swap3A_83], %swap3A_86 {strides = array<i32>} : memref<2048xf32, #tpu.memory_space<vmem>>, vector<16xf32>,
    %swap3A_87 = arith.constant 336 : index
    %swap3A_88 = tpu.vector_load %arg8[%swap3A_87] {strides = array<i32>} : memref<2048xf32, #tpu.memory_space<vmem>>, vector<16xf32>,
    %swap3A_89 = vector.shape_cast %swap3A_88 : vector<16xf32> to vector<16xf32>
    %swap3A_90 = vector.shape_cast %broadcast_in_dim3A_1 : vector<16xf32> to vector<16xf32>
    tpu.vector_store %arg8[%swap3A_87], %swap3A_90 {strides = array<i32>} : memref<2048xf32, #tpu.memory_space<vmem>>, vector<16xf32>,
    %swap3A_91 = arith.constant 352 : index
    %swap3A_92 = tpu.vector_load %arg8[%swap3A_91] {strides = array<i32>} : memref<2048xf32, #tpu.memory_space<vmem>>, vector<16xf32>,
    %swap3A_93 = vector.shape_cast %swap3A_92 : vector<16xf32> to vector<16xf32>
    %swap3A_94 = vector.shape_cast %broadcast_in_dim3A_1 : vector<16xf32> to vector<16xf32>
    tpu.vector_store %arg8[%swap3A_91], %swap3A_94 {strides = array<i32>} : memref<2048xf32, #tpu.memory_space<vmem>>, vector<16xf32>,
    %swap3A_95 = arith.constant 368 : index
    %swap3A_96 = tpu.vector_load %arg8[%swap3A_95] {strides = array<i32>} : memref<2048xf32, #tpu.memory_space<vmem>>, vector<16xf32>,
    %swap3A_97 = vector.shape_cast %swap3A_96 : vector<16xf32> to vector<16xf32>
    %swap3A_98 = vector.shape_cast %broadcast_in_dim3A_1 : vector<16xf32> to vector<16xf32>
    tpu.vector_store %arg8[%swap3A_95], %swap3A_98 {strides = array<i32>} : memref<2048xf32, #tpu.memory_space<vmem>>, vector<16xf32>,
    %swap3A_99 = arith.constant 384 : index
    %swap3A_100 = tpu.vector_load %arg8[%swap3A_99] {strides = array<i32>} : memref<2048xf32, #tpu.memory_space<vmem>>, vector<16xf32>,
    %swap3A_101 = vector.shape_cast %swap3A_100 : vector<16xf32> to vector<16xf32>
    %swap3A_102 = vector.shape_cast %broadcast_in_dim3A_1 : vector<16xf32> to vector<16xf32>
    tpu.vector_store %arg8[%swap3A_99], %swap3A_102 {strides = array<i32>} : memref<2048xf32, #tpu.memory_space<vmem>>, vector<16xf32>,
    %swap3A_103 = arith.constant 400 : index
    %swap3A_104 = tpu.vector_load %arg8[%swap3A_103] {strides = array<i32>} : memref<2048xf32, #tpu.memory_space<vmem>>, vector<16xf32>,
    %swap3A_105 = vector.shape_cast %swap3A_104 : vector<16xf32> to vector<16xf32>
    %swap3A_106 = vector.shape_cast %broadcast_in_dim3A_1 : vector<16xf32> to vector<16xf32>
    tpu.vector_store %arg8[%swap3A_103], %swap3A_106 {strides = array<i32>} : memref<2048xf32, #tpu.memory_space<vmem>>, vector<16xf32>,
    %swap3A_107 = arith.constant 416 : index
    %swap3A_108 = tpu.vector_load %arg8[%swap3A_107] {strides = array<i32>} : memref<2048xf32, #tpu.memory_space<vmem>>, vector<16xf32>,
    %swap3A_109 = vector.shape_cast %swap3A_108 : vector<16xf32> to vector<16xf32>
    %swap3A_110 = vector.shape_cast %broadcast_in_dim3A_1 : vector<16xf32> to vector<16xf32>
    tpu.vector_store %arg8[%swap3A_107], %swap3A_110 {strides = array<i32>} : memref<2048xf32, #tpu.memory_space<vmem>>, vector<16xf32>,
    %swap3A_111 = arith.constant 432 : index
    %swap3A_112 = tpu.vector_load %arg8[%swap3A_111] {strides = array<i32>} : memref<2048xf32, #tpu.memory_space<vmem>>, vector<16xf32>,
    %swap3A_113 = vector.shape_cast %swap3A_112 : vector<16xf32> to vector<16xf32>
    %swap3A_114 = vector.shape_cast %broadcast_in_dim3A_1 : vector<16xf32> to vector<16xf32>
    tpu.vector_store %arg8[%swap3A_111], %swap3A_114 {strides = array<i32>} : memref<2048xf32, #tpu.memory_space<vmem>>, vector<16xf32>,
    %swap3A_115 = arith.constant 448 : index
    %swap3A_116 = tpu.vector_load %arg8[%swap3A_115] {strides = array<i32>} : memref<2048xf32, #tpu.memory_space<vmem>>, vector<16xf32>,
    %swap3A_117 = vector.shape_cast %swap3A_116 : vector<16xf32> to vector<16xf32>
    %swap3A_118 = vector.shape_cast %broadcast_in_dim3A_1 : vector<16xf32> to vector<16xf32>
    tpu.vector_store %arg8[%swap3A_115], %swap3A_118 {strides = array<i32>} : memref<2048xf32, #tpu.memory_space<vmem>>, vector<16xf32>,
    %swap3A_119 = arith.constant 464 : index
    %swap3A_120 = tpu.vector_load %arg8[%swap3A_119] {strides = array<i32>} : memref<2048xf32, #tpu.memory_space<vmem>>, vector<16xf32>,
    %swap3A_121 = vector.shape_cast %swap3A_120 : vector<16xf32> to vector<16xf32>
    %swap3A_122 = vector.shape_cast %broadcast_in_dim3A_1 : vector<16xf32> to vector<16xf32>
    tpu.vector_store %arg8[%swap3A_119], %swap3A_122 {strides = array<i32>} : memref<2048xf32, #tpu.memory_space<vmem>>, vector<16xf32>,
    %swap3A_123 = arith.constant 480 : index
    %swap3A_124 = tpu.vector_load %arg8[%swap3A_123] {strides = array<i32>} : memref<2048xf32, #tpu.memory_space<vmem>>, vector<16xf32>,
    %swap3A_125 = vector.shape_cast %swap3A_124 : vector<16xf32> to vector<16xf32>
    %swap3A_126 = vector.shape_cast %broadcast_in_dim3A_1 : vector<16xf32> to vector<16xf32>
    tpu.vector_store %arg8[%swap3A_123], %swap3A_126 {strides = array<i32>} : memref<2048xf32, #tpu.memory_space<vmem>>, vector<16xf32>,
    %swap3A_127 = arith.constant 496 : index
    %swap3A_128 = tpu.vector_load %arg8[%swap3A_127] {strides = array<i32>} : memref<2048xf32, #tpu.memory_space<vmem>>, vector<16xf32>,
    %swap3A_129 = vector.shape_cast %swap3A_128 : vector<16xf32> to vector<16xf32>
    %swap3A_130 = vector.shape_cast %broadcast_in_dim3A_1 : vector<16xf32> to vector<16xf32>
    tpu.vector_store %arg8[%swap3A_127], %swap3A_130 {strides = array<i32>} : memref<2048xf32, #tpu.memory_space<vmem>>, vector<16xf32>,
    %swap3A_131 = arith.constant 512 : index
    %swap3A_132 = tpu.vector_load %arg8[%swap3A_131] {strides = array<i32>} : memref<2048xf32, #tpu.memory_space<vmem>>, vector<16xf32>,
    %swap3A_133 = vector.shape_cast %swap3A_132 : vector<16xf32> to vector<16xf32>
    %swap3A_134 = vector.shape_cast %broadcast_in_dim3A_1 : vector<16xf32> to vector<16xf32>
    tpu.vector_store %arg8[%swap3A_131], %swap3A_134 {strides = array<i32>} : memref<2048xf32, #tpu.memory_space<vmem>>, vector<16xf32>,
    %swap3A_135 = arith.constant 528 : index
    %swap3A_136 = tpu.vector_load %arg8[%swap3A_135] {strides = array<i32>} : memref<2048xf32, #tpu.memory_space<vmem>>, vector<16xf32>,
    %swap3A_137 = vector.shape_cast %swap3A_136 : vector<16xf32> to vector<16xf32>
    %swap3A_138 = vector.shape_cast %broadcast_in_dim3A_1 : vector<16xf32> to vector<16xf32>
    tpu.vector_store %arg8[%swap3A_135], %swap3A_138 {strides = array<i32>} : memref<2048xf32, #tpu.memory_space<vmem>>, vector<16xf32>,
    %swap3A_139 = arith.constant 544 : index
    %swap3A_140 = tpu.vector_load %arg8[%swap3A_139] {strides = array<i32>} : memref<2048xf32, #tpu.memory_space<vmem>>, vector<16xf32>,
    %swap3A_141 = vector.shape_cast %swap3A_140 : vector<16xf32> to vector<16xf32>
    %swap3A_142 = vector.shape_cast %broadcast_in_dim3A_1 : vector<16xf32> to vector<16xf32>
    tpu.vector_store %arg8[%swap3A_139], %swap3A_142 {strides = array<i32>} : memref<2048xf32, #tpu.memory_space<vmem>>, vector<16xf32>,
    %swap3A_143 = arith.constant 560 : index
    %swap3A_144 = tpu.vector_load %arg8[%swap3A_143] {strides = array<i32>} : memref<2048xf32, #tpu.memory_space<vmem>>, vector<16xf32>,
    %swap3A_145 = vector.shape_cast %swap3A_144 : vector<16xf32> to vector<16xf32>
    %swap3A_146 = vector.shape_cast %broadcast_in_dim3A_1 : vector<16xf32> to vector<16xf32>
    tpu.vector_store %arg8[%swap3A_143], %swap3A_146 {strides = array<i32>} : memref<2048xf32, #tpu.memory_space<vmem>>, vector<16xf32>,
    %swap3A_147 = arith.constant 576 : index
    %swap3A_148 = tpu.vector_load %arg8[%swap3A_147] {strides = array<i32>} : memref<2048xf32, #tpu.memory_space<vmem>>, vector<16xf32>,
    %swap3A_149 = vector.shape_cast %swap3A_148 : vector<16xf32> to vector<16xf32>
    %swap3A_150 = vector.shape_cast %broadcast_in_dim3A_1 : vector<16xf32> to vector<16xf32>
    tpu.vector_store %arg8[%swap3A_147], %swap3A_150 {strides = array<i32>} : memref<2048xf32, #tpu.memory_space<vmem>>, vector<16xf32>,
    %swap3A_151 = arith.constant 592 : index
    %swap3A_152 = tpu.vector_load %arg8[%swap3A_151] {strides = array<i32>} : memref<2048xf32, #tpu.memory_space<vmem>>, vector<16xf32>,
    %swap3A_153 = vector.shape_cast %swap3A_152 : vector<16xf32> to vector<16xf32>
    %swap3A_154 = vector.shape_cast %broadcast_in_dim3A_1 : vector<16xf32> to vector<16xf32>
    tpu.vector_store %arg8[%swap3A_151], %swap3A_154 {strides = array<i32>} : memref<2048xf32, #tpu.memory_space<vmem>>, vector<16xf32>,
    %swap3A_155 = arith.constant 608 : index
    %swap3A_156 = tpu.vector_load %arg8[%swap3A_155] {strides = array<i32>} : memref<2048xf32, #tpu.memory_space<vmem>>, vector<16xf32>,
    %swap3A_157 = vector.shape_cast %swap3A_156 : vector<16xf32> to vector<16xf32>
    %swap3A_158 = vector.shape_cast %broadcast_in_dim3A_1 : vector<16xf32> to vector<16xf32>
    tpu.vector_store %arg8[%swap3A_155], %swap3A_158 {strides = array<i32>} : memref<2048xf32, #tpu.memory_space<vmem>>, vector<16xf32>,
    %swap3A_159 = arith.constant 624 : index
    %swap3A_160 = tpu.vector_load %arg8[%swap3A_159] {strides = array<i32>} : memref<2048xf32, #tpu.memory_space<vmem>>, vector<16xf32>,
    %swap3A_161 = vector.shape_cast %swap3A_160 : vector<16xf32> to vector<16xf32>
    %swap3A_162 = vector.shape_cast %broadcast_in_dim3A_1 : vector<16xf32> to vector<16xf32>
    tpu.vector_store %arg8[%swap3A_159], %swap3A_162 {strides = array<i32>} : memref<2048xf32, #tpu.memory_space<vmem>>, vector<16xf32>,
    %swap3A_163 = arith.constant 640 : index
    %swap3A_164 = tpu.vector_load %arg8[%swap3A_163] {strides = array<i32>} : memref<2048xf32, #tpu.memory_space<vmem>>, vector<16xf32>,
    %swap3A_165 = vector.shape_cast %swap3A_164 : vector<16xf32> to vector<16xf32>
    %swap3A_166 = vector.shape_cast %broadcast_in_dim3A_1 : vector<16xf32> to vector<16xf32>
    tpu.vector_store %arg8[%swap3A_163], %swap3A_166 {strides = array<i32>} : memref<2048xf32, #tpu.memory_space<vmem>>, vector<16xf32>,
    %swap3A_167 = arith.constant 656 : index
    %swap3A_168 = tpu.vector_load %arg8[%swap3A_167] {strides = array<i32>} : memref<2048xf32, #tpu.memory_space<vmem>>, vector<16xf32>,
    %swap3A_169 = vector.shape_cast %swap3A_168 : vector<16xf32> to vector<16xf32>
    %swap3A_170 = vector.shape_cast %broadcast_in_dim3A_1 : vector<16xf32> to vector<16xf32>
    tpu.vector_store %arg8[%swap3A_167], %swap3A_170 {strides = array<i32>} : memref<2048xf32, #tpu.memory_space<vmem>>, vector<16xf32>,
    %swap3A_171 = arith.constant 672 : index
    %swap3A_172 = tpu.vector_load %arg8[%swap3A_171] {strides = array<i32>} : memref<2048xf32, #tpu.memory_space<vmem>>, vector<16xf32>,
    %swap3A_173 = vector.shape_cast %swap3A_172 : vector<16xf32> to vector<16xf32>
    %swap3A_174 = vector.shape_cast %broadcast_in_dim3A_1 : vector<16xf32> to vector<16xf32>
    tpu.vector_store %arg8[%swap3A_171], %swap3A_174 {strides = array<i32>} : memref<2048xf32, #tpu.memory_space<vmem>>, vector<16xf32>,
    %swap3A_175 = arith.constant 688 : index
    %swap3A_176 = tpu.vector_load %arg8[%swap3A_175] {strides = array<i32>} : memref<2048xf32, #tpu.memory_space<vmem>>, vector<16xf32>,
    %swap3A_177 = vector.shape_cast %swap3A_176 : vector<16xf32> to vector<16xf32>
    %swap3A_178 = vector.shape_cast %broadcast_in_dim3A_1 : vector<16xf32> to vector<16xf32>
    tpu.vector_store %arg8[%swap3A_175], %swap3A_178 {strides = array<i32>} : memref<2048xf32, #tpu.memory_space<vmem>>, vector<16xf32>,
    %swap3A_179 = arith.constant 704 : index
    %swap3A_180 = tpu.vector_load %arg8[%swap3A_179] {strides = array<i32>} : memref<2048xf32, #tpu.memory_space<vmem>>, vector<16xf32>,
    %swap3A_181 = vector.shape_cast %swap3A_180 : vector<16xf32> to vector<16xf32>
    %swap3A_182 = vector.shape_cast %broadcast_in_dim3A_1 : vector<16xf32> to vector<16xf32>
    tpu.vector_store %arg8[%swap3A_179], %swap3A_182 {strides = array<i32>} : memref<2048xf32, #tpu.memory_space<vmem>>, vector<16xf32>,
    %swap3A_183 = arith.constant 720 : index
    %swap3A_184 = tpu.vector_load %arg8[%swap3A_183] {strides = array<i32>} : memref<2048xf32, #tpu.memory_space<vmem>>, vector<16xf32>,
    %swap3A_185 = vector.shape_cast %swap3A_184 : vector<16xf32> to vector<16xf32>
    %swap3A_186 = vector.shape_cast %broadcast_in_dim3A_1 : vector<16xf32> to vector<16xf32>
    tpu.vector_store %arg8[%swap3A_183], %swap3A_186 {strides = array<i32>} : memref<2048xf32, #tpu.memory_space<vmem>>, vector<16xf32>,
    %swap3A_187 = arith.constant 736 : index
    %swap3A_188 = tpu.vector_load %arg8[%swap3A_187] {strides = array<i32>} : memref<2048xf32, #tpu.memory_space<vmem>>, vector<16xf32>,
    %swap3A_189 = vector.shape_cast %swap3A_188 : vector<16xf32> to vector<16xf32>
    %swap3A_190 = vector.shape_cast %broadcast_in_dim3A_1 : vector<16xf32> to vector<16xf32>
    tpu.vector_store %arg8[%swap3A_187], %swap3A_190 {strides = array<i32>} : memref<2048xf32, #tpu.memory_space<vmem>>, vector<16xf32>,
    %swap3A_191 = arith.constant 752 : index
    %swap3A_192 = tpu.vector_load %arg8[%swap3A_191] {strides = array<i32>} : memref<2048xf32, #tpu.memory_space<vmem>>, vector<16xf32>,
    %swap3A_193 = vector.shape_cast %swap3A_192 : vector<16xf32> to vector<16xf32>
    %swap3A_194 = vector.shape_cast %broadcast_in_dim3A_1 : vector<16xf32> to vector<16xf32>
    tpu.vector_store %arg8[%swap3A_191], %swap3A_194 {strides = array<i32>} : memref<2048xf32, #tpu.memory_space<vmem>>, vector<16xf32>,
    %swap3A_195 = arith.constant 768 : index
    %swap3A_196 = tpu.vector_load %arg8[%swap3A_195] {strides = array<i32>} : memref<2048xf32, #tpu.memory_space<vmem>>, vector<16xf32>,
    %swap3A_197 = vector.shape_cast %swap3A_196 : vector<16xf32> to vector<16xf32>
    %swap3A_198 = vector.shape_cast %broadcast_in_dim3A_1 : vector<16xf32> to vector<16xf32>
    tpu.vector_store %arg8[%swap3A_195], %swap3A_198 {strides = array<i32>} : memref<2048xf32, #tpu.memory_space<vmem>>, vector<16xf32>,
    %swap3A_199 = arith.constant 784 : index
    %swap3A_200 = tpu.vector_load %arg8[%swap3A_199] {strides = array<i32>} : memref<2048xf32, #tpu.memory_space<vmem>>, vector<16xf32>,
    %swap3A_201 = vector.shape_cast %swap3A_200 : vector<16xf32> to vector<16xf32>
    %swap3A_202 = vector.shape_cast %broadcast_in_dim3A_1 : vector<16xf32> to vector<16xf32>
    tpu.vector_store %arg8[%swap3A_199], %swap3A_202 {strides = array<i32>} : memref<2048xf32, #tpu.memory_space<vmem>>, vector<16xf32>,
    %swap3A_203 = arith.constant 800 : index
    %swap3A_204 = tpu.vector_load %arg8[%swap3A_203] {strides = array<i32>} : memref<2048xf32, #tpu.memory_space<vmem>>, vector<16xf32>,
    %swap3A_205 = vector.shape_cast %swap3A_204 : vector<16xf32> to vector<16xf32>
    %swap3A_206 = vector.shape_cast %broadcast_in_dim3A_1 : vector<16xf32> to vector<16xf32>
    tpu.vector_store %arg8[%swap3A_203], %swap3A_206 {strides = array<i32>} : memref<2048xf32, #tpu.memory_space<vmem>>, vector<16xf32>,
    %swap3A_207 = arith.constant 816 : index
    %swap3A_208 = tpu.vector_load %arg8[%swap3A_207] {strides = array<i32>} : memref<2048xf32, #tpu.memory_space<vmem>>, vector<16xf32>,
    %swap3A_209 = vector.shape_cast %swap3A_208 : vector<16xf32> to vector<16xf32>
    %swap3A_210 = vector.shape_cast %broadcast_in_dim3A_1 : vector<16xf32> to vector<16xf32>
    tpu.vector_store %arg8[%swap3A_207], %swap3A_210 {strides = array<i32>} : memref<2048xf32, #tpu.memory_space<vmem>>, vector<16xf32>,
    %swap3A_211 = arith.constant 832 : index
    %swap3A_212 = tpu.vector_load %arg8[%swap3A_211] {strides = array<i32>} : memref<2048xf32, #tpu.memory_space<vmem>>, vector<16xf32>,
    %swap3A_213 = vector.shape_cast %swap3A_212 : vector<16xf32> to vector<16xf32>
    %swap3A_214 = vector.shape_cast %broadcast_in_dim3A_1 : vector<16xf32> to vector<16xf32>
    tpu.vector_store %arg8[%swap3A_211], %swap3A_214 {strides = array<i32>} : memref<2048xf32, #tpu.memory_space<vmem>>, vector<16xf32>,
    %swap3A_215 = arith.constant 848 : index
    %swap3A_216 = tpu.vector_load %arg8[%swap3A_215] {strides = array<i32>} : memref<2048xf32, #tpu.memory_space<vmem>>, vector<16xf32>,
    %swap3A_217 = vector.shape_cast %swap3A_216 : vector<16xf32> to vector<16xf32>
    %swap3A_218 = vector.shape_cast %broadcast_in_dim3A_1 : vector<16xf32> to vector<16xf32>
    tpu.vector_store %arg8[%swap3A_215], %swap3A_218 {strides = array<i32>} : memref<2048xf32, #tpu.memory_space<vmem>>, vector<16xf32>,
    %swap3A_219 = arith.constant 864 : index
    %swap3A_220 = tpu.vector_load %arg8[%swap3A_219] {strides = array<i32>} : memref<2048xf32, #tpu.memory_space<vmem>>, vector<16xf32>,
    %swap3A_221 = vector.shape_cast %swap3A_220 : vector<16xf32> to vector<16xf32>
    %swap3A_222 = vector.shape_cast %broadcast_in_dim3A_1 : vector<16xf32> to vector<16xf32>
    tpu.vector_store %arg8[%swap3A_219], %swap3A_222 {strides = array<i32>} : memref<2048xf32, #tpu.memory_space<vmem>>, vector<16xf32>,
    %swap3A_223 = arith.constant 880 : index
    %swap3A_224 = tpu.vector_load %arg8[%swap3A_223] {strides = array<i32>} : memref<2048xf32, #tpu.memory_space<vmem>>, vector<16xf32>,
    %swap3A_225 = vector.shape_cast %swap3A_224 : vector<16xf32> to vector<16xf32>
    %swap3A_226 = vector.shape_cast %broadcast_in_dim3A_1 : vector<16xf32> to vector<16xf32>
    tpu.vector_store %arg8[%swap3A_223], %swap3A_226 {strides = array<i32>} : memref<2048xf32, #tpu.memory_space<vmem>>, vector<16xf32>,
    %swap3A_227 = arith.constant 896 : index
    %swap3A_228 = tpu.vector_load %arg8[%swap3A_227] {strides = array<i32>} : memref<2048xf32, #tpu.memory_space<vmem>>, vector<16xf32>,
    %swap3A_229 = vector.shape_cast %swap3A_228 : vector<16xf32> to vector<16xf32>
    %swap3A_230 = vector.shape_cast %broadcast_in_dim3A_1 : vector<16xf32> to vector<16xf32>
    tpu.vector_store %arg8[%swap3A_227], %swap3A_230 {strides = array<i32>} : memref<2048xf32, #tpu.memory_space<vmem>>, vector<16xf32>,
    %swap3A_231 = arith.constant 912 : index
    %swap3A_232 = tpu.vector_load %arg8[%swap3A_231] {strides = array<i32>} : memref<2048xf32, #tpu.memory_space<vmem>>, vector<16xf32>,
    %swap3A_233 = vector.shape_cast %swap3A_232 : vector<16xf32> to vector<16xf32>
    %swap3A_234 = vector.shape_cast %broadcast_in_dim3A_1 : vector<16xf32> to vector<16xf32>
    tpu.vector_store %arg8[%swap3A_231], %swap3A_234 {strides = array<i32>} : memref<2048xf32, #tpu.memory_space<vmem>>, vector<16xf32>,
    %swap3A_235 = arith.constant 928 : index
    %swap3A_236 = tpu.vector_load %arg8[%swap3A_235] {strides = array<i32>} : memref<2048xf32, #tpu.memory_space<vmem>>, vector<16xf32>,
    %swap3A_237 = vector.shape_cast %swap3A_236 : vector<16xf32> to vector<16xf32>
    %swap3A_238 = vector.shape_cast %broadcast_in_dim3A_1 : vector<16xf32> to vector<16xf32>
    tpu.vector_store %arg8[%swap3A_235], %swap3A_238 {strides = array<i32>} : memref<2048xf32, #tpu.memory_space<vmem>>, vector<16xf32>,
    %swap3A_239 = arith.constant 944 : index
    %swap3A_240 = tpu.vector_load %arg8[%swap3A_239] {strides = array<i32>} : memref<2048xf32, #tpu.memory_space<vmem>>, vector<16xf32>,
    %swap3A_241 = vector.shape_cast %swap3A_240 : vector<16xf32> to vector<16xf32>
    %swap3A_242 = vector.shape_cast %broadcast_in_dim3A_1 : vector<16xf32> to vector<16xf32>
    tpu.vector_store %arg8[%swap3A_239], %swap3A_242 {strides = array<i32>} : memref<2048xf32, #tpu.memory_space<vmem>>, vector<16xf32>,
    %swap3A_243 = arith.constant 960 : index
    %swap3A_244 = tpu.vector_load %arg8[%swap3A_243] {strides = array<i32>} : memref<2048xf32, #tpu.memory_space<vmem>>, vector<16xf32>,
    %swap3A_245 = vector.shape_cast %swap3A_244 : vector<16xf32> to vector<16xf32>
    %swap3A_246 = vector.shape_cast %broadcast_in_dim3A_1 : vector<16xf32> to vector<16xf32>
    tpu.vector_store %arg8[%swap3A_243], %swap3A_246 {strides = array<i32>} : memref<2048xf32, #tpu.memory_space<vmem>>, vector<16xf32>,
    %swap3A_247 = arith.constant 976 : index
    %swap3A_248 = tpu.vector_load %arg8[%swap3A_247] {strides = array<i32>} : memref<2048xf32, #tpu.memory_space<vmem>>, vector<16xf32>,
    %swap3A_249 = vector.shape_cast %swap3A_248 : vector<16xf32> to vector<16xf32>
    %swap3A_250 = vector.shape_cast %broadcast_in_dim3A_1 : vector<16xf32> to vector<16xf32>
    tpu.vector_store %arg8[%swap3A_247], %swap3A_250 {strides = array<i32>} : memref<2048xf32, #tpu.memory_space<vmem>>, vector<16xf32>,
    %swap3A_251 = arith.constant 992 : index
    %swap3A_252 = tpu.vector_load %arg8[%swap3A_251] {strides = array<i32>} : memref<2048xf32, #tpu.memory_space<vmem>>, vector<16xf32>,
    %swap3A_253 = vector.shape_cast %swap3A_252 : vector<16xf32> to vector<16xf32>
    %swap3A_254 = vector.shape_cast %broadcast_in_dim3A_1 : vector<16xf32> to vector<16xf32>
    tpu.vector_store %arg8[%swap3A_251], %swap3A_254 {strides = array<i32>} : memref<2048xf32, #tpu.memory_space<vmem>>, vector<16xf32>,
    %swap3A_255 = arith.constant 1008 : index
    %swap3A_256 = tpu.vector_load %arg8[%swap3A_255] {strides = array<i32>} : memref<2048xf32, #tpu.memory_space<vmem>>, vector<16xf32>,
    %swap3A_257 = vector.shape_cast %swap3A_256 : vector<16xf32> to vector<16xf32>
    %swap3A_258 = vector.shape_cast %broadcast_in_dim3A_1 : vector<16xf32> to vector<16xf32>
    tpu.vector_store %arg8[%swap3A_255], %swap3A_258 {strides = array<i32>} : memref<2048xf32, #tpu.memory_space<vmem>>, vector<16xf32>,
    %swap3A_259 = arith.constant 1024 : index
    %swap3A_260 = tpu.vector_load %arg8[%swap3A_259] {strides = array<i32>} : memref<2048xf32, #tpu.memory_space<vmem>>, vector<16xf32>,
    %swap3A_261 = vector.shape_cast %swap3A_260 : vector<16xf32> to vector<16xf32>
    %swap3A_262 = vector.shape_cast %broadcast_in_dim3A_1 : vector<16xf32> to vector<16xf32>
    tpu.vector_store %arg8[%swap3A_259], %swap3A_262 {strides = array<i32>} : memref<2048xf32, #tpu.memory_space<vmem>>, vector<16xf32>,
    %swap3A_263 = arith.constant 1040 : index
    %swap3A_264 = tpu.vector_load %arg8[%swap3A_263] {strides = array<i32>} : memref<2048xf32, #tpu.memory_space<vmem>>, vector<16xf32>,
    %swap3A_265 = vector.shape_cast %swap3A_264 : vector<16xf32> to vector<16xf32>
    %swap3A_266 = vector.shape_cast %broadcast_in_dim3A_1 : vector<16xf32> to vector<16xf32>
    tpu.vector_store %arg8[%swap3A_263], %swap3A_266 {strides = array<i32>} : memref<2048xf32, #tpu.memory_space<vmem>>, vector<16xf32>,
    %swap3A_267 = arith.constant 1056 : index
    %swap3A_268 = tpu.vector_load %arg8[%swap3A_267] {strides = array<i32>} : memref<2048xf32, #tpu.memory_space<vmem>>, vector<16xf32>,
    %swap3A_269 = vector.shape_cast %swap3A_268 : vector<16xf32> to vector<16xf32>
    %swap3A_270 = vector.shape_cast %broadcast_in_dim3A_1 : vector<16xf32> to vector<16xf32>
    tpu.vector_store %arg8[%swap3A_267], %swap3A_270 {strides = array<i32>} : memref<2048xf32, #tpu.memory_space<vmem>>, vector<16xf32>,
    %swap3A_271 = arith.constant 1072 : index
    %swap3A_272 = tpu.vector_load %arg8[%swap3A_271] {strides = array<i32>} : memref<2048xf32, #tpu.memory_space<vmem>>, vector<16xf32>,
    %swap3A_273 = vector.shape_cast %swap3A_272 : vector<16xf32> to vector<16xf32>
    %swap3A_274 = vector.shape_cast %broadcast_in_dim3A_1 : vector<16xf32> to vector<16xf32>
    tpu.vector_store %arg8[%swap3A_271], %swap3A_274 {strides = array<i32>} : memref<2048xf32, #tpu.memory_space<vmem>>, vector<16xf32>,
    %swap3A_275 = arith.constant 1088 : index
    %swap3A_276 = tpu.vector_load %arg8[%swap3A_275] {strides = array<i32>} : memref<2048xf32, #tpu.memory_space<vmem>>, vector<16xf32>,
    %swap3A_277 = vector.shape_cast %swap3A_276 : vector<16xf32> to vector<16xf32>
    %swap3A_278 = vector.shape_cast %broadcast_in_dim3A_1 : vector<16xf32> to vector<16xf32>
    tpu.vector_store %arg8[%swap3A_275], %swap3A_278 {strides = array<i32>} : memref<2048xf32, #tpu.memory_space<vmem>>, vector<16xf32>,
    %swap3A_279 = arith.constant 1104 : index
    %swap3A_280 = tpu.vector_load %arg8[%swap3A_279] {strides = array<i32>} : memref<2048xf32, #tpu.memory_space<vmem>>, vector<16xf32>,
    %swap3A_281 = vector.shape_cast %swap3A_280 : vector<16xf32> to vector<16xf32>
    %swap3A_282 = vector.shape_cast %broadcast_in_dim3A_1 : vector<16xf32> to vector<16xf32>
    tpu.vector_store %arg8[%swap3A_279], %swap3A_282 {strides = array<i32>} : memref<2048xf32, #tpu.memory_space<vmem>>, vector<16xf32>,
    %swap3A_283 = arith.constant 1120 : index
    %swap3A_284 = tpu.vector_load %arg8[%swap3A_283] {strides = array<i32>} : memref<2048xf32, #tpu.memory_space<vmem>>, vector<16xf32>,
    %swap3A_285 = vector.shape_cast %swap3A_284 : vector<16xf32> to vector<16xf32>
    %swap3A_286 = vector.shape_cast %broadcast_in_dim3A_1 : vector<16xf32> to vector<16xf32>
    tpu.vector_store %arg8[%swap3A_283], %swap3A_286 {strides = array<i32>} : memref<2048xf32, #tpu.memory_space<vmem>>, vector<16xf32>,
    %swap3A_287 = arith.constant 1136 : index
    %swap3A_288 = tpu.vector_load %arg8[%swap3A_287] {strides = array<i32>} : memref<2048xf32, #tpu.memory_space<vmem>>, vector<16xf32>,
    %swap3A_289 = vector.shape_cast %swap3A_288 : vector<16xf32> to vector<16xf32>
    %swap3A_290 = vector.shape_cast %broadcast_in_dim3A_1 : vector<16xf32> to vector<16xf32>
    tpu.vector_store %arg8[%swap3A_287], %swap3A_290 {strides = array<i32>} : memref<2048xf32, #tpu.memory_space<vmem>>, vector<16xf32>,
    %swap3A_291 = arith.constant 1152 : index
    %swap3A_292 = tpu.vector_load %arg8[%swap3A_291] {strides = array<i32>} : memref<2048xf32, #tpu.memory_space<vmem>>, vector<16xf32>,
    %swap3A_293 = vector.shape_cast %swap3A_292 : vector<16xf32> to vector<16xf32>
    %swap3A_294 = vector.shape_cast %broadcast_in_dim3A_1 : vector<16xf32> to vector<16xf32>
    tpu.vector_store %arg8[%swap3A_291], %swap3A_294 {strides = array<i32>} : memref<2048xf32, #tpu.memory_space<vmem>>, vector<16xf32>,
    %swap3A_295 = arith.constant 1168 : index
    %swap3A_296 = tpu.vector_load %arg8[%swap3A_295] {strides = array<i32>} : memref<2048xf32, #tpu.memory_space<vmem>>, vector<16xf32>,
    %swap3A_297 = vector.shape_cast %swap3A_296 : vector<16xf32> to vector<16xf32>
    %swap3A_298 = vector.shape_cast %broadcast_in_dim3A_1 : vector<16xf32> to vector<16xf32>
    tpu.vector_store %arg8[%swap3A_295], %swap3A_298 {strides = array<i32>} : memref<2048xf32, #tpu.memory_space<vmem>>, vector<16xf32>,
    %swap3A_299 = arith.constant 1184 : index
    %swap3A_300 = tpu.vector_load %arg8[%swap3A_299] {strides = array<i32>} : memref<2048xf32, #tpu.memory_space<vmem>>, vector<16xf32>,
    %swap3A_301 = vector.shape_cast %swap3A_300 : vector<16xf32> to vector<16xf32>
    %swap3A_302 = vector.shape_cast %broadcast_in_dim3A_1 : vector<16xf32> to vector<16xf32>
    tpu.vector_store %arg8[%swap3A_299], %swap3A_302 {strides = array<i32>} : memref<2048xf32, #tpu.memory_space<vmem>>, vector<16xf32>,
    %swap3A_303 = arith.constant 1200 : index
    %swap3A_304 = tpu.vector_load %arg8[%swap3A_303] {strides = array<i32>} : memref<2048xf32, #tpu.memory_space<vmem>>, vector<16xf32>,
    %swap3A_305 = vector.shape_cast %swap3A_304 : vector<16xf32> to vector<16xf32>
    %swap3A_306 = vector.shape_cast %broadcast_in_dim3A_1 : vector<16xf32> to vector<16xf32>
    tpu.vector_store %arg8[%swap3A_303], %swap3A_306 {strides = array<i32>} : memref<2048xf32, #tpu.memory_space<vmem>>, vector<16xf32>,
    %swap3A_307 = arith.constant 1216 : index
    %swap3A_308 = tpu.vector_load %arg8[%swap3A_307] {strides = array<i32>} : memref<2048xf32, #tpu.memory_space<vmem>>, vector<16xf32>,
    %swap3A_309 = vector.shape_cast %swap3A_308 : vector<16xf32> to vector<16xf32>
    %swap3A_310 = vector.shape_cast %broadcast_in_dim3A_1 : vector<16xf32> to vector<16xf32>
    tpu.vector_store %arg8[%swap3A_307], %swap3A_310 {strides = array<i32>} : memref<2048xf32, #tpu.memory_space<vmem>>, vector<16xf32>,
    %swap3A_311 = arith.constant 1232 : index
    %swap3A_312 = tpu.vector_load %arg8[%swap3A_311] {strides = array<i32>} : memref<2048xf32, #tpu.memory_space<vmem>>, vector<16xf32>,
    %swap3A_313 = vector.shape_cast %swap3A_312 : vector<16xf32> to vector<16xf32>
    %swap3A_314 = vector.shape_cast %broadcast_in_dim3A_1 : vector<16xf32> to vector<16xf32>
    tpu.vector_store %arg8[%swap3A_311], %swap3A_314 {strides = array<i32>} : memref<2048xf32, #tpu.memory_space<vmem>>, vector<16xf32>,
    %swap3A_315 = arith.constant 1248 : index
    %swap3A_316 = tpu.vector_load %arg8[%swap3A_315] {strides = array<i32>} : memref<2048xf32, #tpu.memory_space<vmem>>, vector<16xf32>,
    %swap3A_317 = vector.shape_cast %swap3A_316 : vector<16xf32> to vector<16xf32>
    %swap3A_318 = vector.shape_cast %broadcast_in_dim3A_1 : vector<16xf32> to vector<16xf32>
    tpu.vector_store %arg8[%swap3A_315], %swap3A_318 {strides = array<i32>} : memref<2048xf32, #tpu.memory_space<vmem>>, vector<16xf32>,
    %swap3A_319 = arith.constant 1264 : index
    %swap3A_320 = tpu.vector_load %arg8[%swap3A_319] {strides = array<i32>} : memref<2048xf32, #tpu.memory_space<vmem>>, vector<16xf32>,
    %swap3A_321 = vector.shape_cast %swap3A_320 : vector<16xf32> to vector<16xf32>
    %swap3A_322 = vector.shape_cast %broadcast_in_dim3A_1 : vector<16xf32> to vector<16xf32>
    tpu.vector_store %arg8[%swap3A_319], %swap3A_322 {strides = array<i32>} : memref<2048xf32, #tpu.memory_space<vmem>>, vector<16xf32>,
    %swap3A_323 = arith.constant 1280 : index
    %swap3A_324 = tpu.vector_load %arg8[%swap3A_323] {strides = array<i32>} : memref<2048xf32, #tpu.memory_space<vmem>>, vector<16xf32>,
    %swap3A_325 = vector.shape_cast %swap3A_324 : vector<16xf32> to vector<16xf32>
    %swap3A_326 = vector.shape_cast %broadcast_in_dim3A_1 : vector<16xf32> to vector<16xf32>
    tpu.vector_store %arg8[%swap3A_323], %swap3A_326 {strides = array<i32>} : memref<2048xf32, #tpu.memory_space<vmem>>, vector<16xf32>,
    %swap3A_327 = arith.constant 1296 : index
    %swap3A_328 = tpu.vector_load %arg8[%swap3A_327] {strides = array<i32>} : memref<2048xf32, #tpu.memory_space<vmem>>, vector<16xf32>,
    %swap3A_329 = vector.shape_cast %swap3A_328 : vector<16xf32> to vector<16xf32>
    %swap3A_330 = vector.shape_cast %broadcast_in_dim3A_1 : vector<16xf32> to vector<16xf32>
    tpu.vector_store %arg8[%swap3A_327], %swap3A_330 {strides = array<i32>} : memref<2048xf32, #tpu.memory_space<vmem>>, vector<16xf32>,
    %swap3A_331 = arith.constant 1312 : index
    %swap3A_332 = tpu.vector_load %arg8[%swap3A_331] {strides = array<i32>} : memref<2048xf32, #tpu.memory_space<vmem>>, vector<16xf32>,
    %swap3A_333 = vector.shape_cast %swap3A_332 : vector<16xf32> to vector<16xf32>
    %swap3A_334 = vector.shape_cast %broadcast_in_dim3A_1 : vector<16xf32> to vector<16xf32>
    tpu.vector_store %arg8[%swap3A_331], %swap3A_334 {strides = array<i32>} : memref<2048xf32, #tpu.memory_space<vmem>>, vector<16xf32>,
    %swap3A_335 = arith.constant 1328 : index
    %swap3A_336 = tpu.vector_load %arg8[%swap3A_335] {strides = array<i32>} : memref<2048xf32, #tpu.memory_space<vmem>>, vector<16xf32>,
    %swap3A_337 = vector.shape_cast %swap3A_336 : vector<16xf32> to vector<16xf32>
    %swap3A_338 = vector.shape_cast %broadcast_in_dim3A_1 : vector<16xf32> to vector<16xf32>
    tpu.vector_store %arg8[%swap3A_335], %swap3A_338 {strides = array<i32>} : memref<2048xf32, #tpu.memory_space<vmem>>, vector<16xf32>,
    %swap3A_339 = arith.constant 1344 : index
    %swap3A_340 = tpu.vector_load %arg8[%swap3A_339] {strides = array<i32>} : memref<2048xf32, #tpu.memory_space<vmem>>, vector<16xf32>,
    %swap3A_341 = vector.shape_cast %swap3A_340 : vector<16xf32> to vector<16xf32>
    %swap3A_342 = vector.shape_cast %broadcast_in_dim3A_1 : vector<16xf32> to vector<16xf32>
    tpu.vector_store %arg8[%swap3A_339], %swap3A_342 {strides = array<i32>} : memref<2048xf32, #tpu.memory_space<vmem>>, vector<16xf32>,
    %swap3A_343 = arith.constant 1360 : index
    %swap3A_344 = tpu.vector_load %arg8[%swap3A_343] {strides = array<i32>} : memref<2048xf32, #tpu.memory_space<vmem>>, vector<16xf32>,
    %swap3A_345 = vector.shape_cast %swap3A_344 : vector<16xf32> to vector<16xf32>
    %swap3A_346 = vector.shape_cast %broadcast_in_dim3A_1 : vector<16xf32> to vector<16xf32>
    tpu.vector_store %arg8[%swap3A_343], %swap3A_346 {strides = array<i32>} : memref<2048xf32, #tpu.memory_space<vmem>>, vector<16xf32>,
    %swap3A_347 = arith.constant 1376 : index
    %swap3A_348 = tpu.vector_load %arg8[%swap3A_347] {strides = array<i32>} : memref<2048xf32, #tpu.memory_space<vmem>>, vector<16xf32>,
    %swap3A_349 = vector.shape_cast %swap3A_348 : vector<16xf32> to vector<16xf32>
    %swap3A_350 = vector.shape_cast %broadcast_in_dim3A_1 : vector<16xf32> to vector<16xf32>
    tpu.vector_store %arg8[%swap3A_347], %swap3A_350 {strides = array<i32>} : memref<2048xf32, #tpu.memory_space<vmem>>, vector<16xf32>,
    %swap3A_351 = arith.constant 1392 : index
    %swap3A_352 = tpu.vector_load %arg8[%swap3A_351] {strides = array<i32>} : memref<2048xf32, #tpu.memory_space<vmem>>, vector<16xf32>,
    %swap3A_353 = vector.shape_cast %swap3A_352 : vector<16xf32> to vector<16xf32>
    %swap3A_354 = vector.shape_cast %broadcast_in_dim3A_1 : vector<16xf32> to vector<16xf32>
    tpu.vector_store %arg8[%swap3A_351], %swap3A_354 {strides = array<i32>} : memref<2048xf32, #tpu.memory_space<vmem>>, vector<16xf32>,
    %swap3A_355 = arith.constant 1408 : index
    %swap3A_356 = tpu.vector_load %arg8[%swap3A_355] {strides = array<i32>} : memref<2048xf32, #tpu.memory_space<vmem>>, vector<16xf32>,
    %swap3A_357 = vector.shape_cast %swap3A_356 : vector<16xf32> to vector<16xf32>
    %swap3A_358 = vector.shape_cast %broadcast_in_dim3A_1 : vector<16xf32> to vector<16xf32>
    tpu.vector_store %arg8[%swap3A_355], %swap3A_358 {strides = array<i32>} : memref<2048xf32, #tpu.memory_space<vmem>>, vector<16xf32>,
    %swap3A_359 = arith.constant 1424 : index
    %swap3A_360 = tpu.vector_load %arg8[%swap3A_359] {strides = array<i32>} : memref<2048xf32, #tpu.memory_space<vmem>>, vector<16xf32>,
    %swap3A_361 = vector.shape_cast %swap3A_360 : vector<16xf32> to vector<16xf32>
    %swap3A_362 = vector.shape_cast %broadcast_in_dim3A_1 : vector<16xf32> to vector<16xf32>
    tpu.vector_store %arg8[%swap3A_359], %swap3A_362 {strides = array<i32>} : memref<2048xf32, #tpu.memory_space<vmem>>, vector<16xf32>,
    %swap3A_363 = arith.constant 1440 : index
    %swap3A_364 = tpu.vector_load %arg8[%swap3A_363] {strides = array<i32>} : memref<2048xf32, #tpu.memory_space<vmem>>, vector<16xf32>,
    %swap3A_365 = vector.shape_cast %swap3A_364 : vector<16xf32> to vector<16xf32>
    %swap3A_366 = vector.shape_cast %broadcast_in_dim3A_1 : vector<16xf32> to vector<16xf32>
    tpu.vector_store %arg8[%swap3A_363], %swap3A_366 {strides = array<i32>} : memref<2048xf32, #tpu.memory_space<vmem>>, vector<16xf32>,
    %swap3A_367 = arith.constant 1456 : index
    %swap3A_368 = tpu.vector_load %arg8[%swap3A_367] {strides = array<i32>} : memref<2048xf32, #tpu.memory_space<vmem>>, vector<16xf32>,
    %swap3A_369 = vector.shape_cast %swap3A_368 : vector<16xf32> to vector<16xf32>
    %swap3A_370 = vector.shape_cast %broadcast_in_dim3A_1 : vector<16xf32> to vector<16xf32>
    tpu.vector_store %arg8[%swap3A_367], %swap3A_370 {strides = array<i32>} : memref<2048xf32, #tpu.memory_space<vmem>>, vector<16xf32>,
    %swap3A_371 = arith.constant 1472 : index
    %swap3A_372 = tpu.vector_load %arg8[%swap3A_371] {strides = array<i32>} : memref<2048xf32, #tpu.memory_space<vmem>>, vector<16xf32>,
    %swap3A_373 = vector.shape_cast %swap3A_372 : vector<16xf32> to vector<16xf32>
    %swap3A_374 = vector.shape_cast %broadcast_in_dim3A_1 : vector<16xf32> to vector<16xf32>
    tpu.vector_store %arg8[%swap3A_371], %swap3A_374 {strides = array<i32>} : memref<2048xf32, #tpu.memory_space<vmem>>, vector<16xf32>,
    %swap3A_375 = arith.constant 1488 : index
    %swap3A_376 = tpu.vector_load %arg8[%swap3A_375] {strides = array<i32>} : memref<2048xf32, #tpu.memory_space<vmem>>, vector<16xf32>,
    %swap3A_377 = vector.shape_cast %swap3A_376 : vector<16xf32> to vector<16xf32>
    %swap3A_378 = vector.shape_cast %broadcast_in_dim3A_1 : vector<16xf32> to vector<16xf32>
    tpu.vector_store %arg8[%swap3A_375], %swap3A_378 {strides = array<i32>} : memref<2048xf32, #tpu.memory_space<vmem>>, vector<16xf32>,
    %swap3A_379 = arith.constant 1504 : index
    %swap3A_380 = tpu.vector_load %arg8[%swap3A_379] {strides = array<i32>} : memref<2048xf32, #tpu.memory_space<vmem>>, vector<16xf32>,
    %swap3A_381 = vector.shape_cast %swap3A_380 : vector<16xf32> to vector<16xf32>
    %swap3A_382 = vector.shape_cast %broadcast_in_dim3A_1 : vector<16xf32> to vector<16xf32>
    tpu.vector_store %arg8[%swap3A_379], %swap3A_382 {strides = array<i32>} : memref<2048xf32, #tpu.memory_space<vmem>>, vector<16xf32>,
    %swap3A_383 = arith.constant 1520 : index
    %swap3A_384 = tpu.vector_load %arg8[%swap3A_383] {strides = array<i32>} : memref<2048xf32, #tpu.memory_space<vmem>>, vector<16xf32>,
    %swap3A_385 = vector.shape_cast %swap3A_384 : vector<16xf32> to vector<16xf32>
    %swap3A_386 = vector.shape_cast %broadcast_in_dim3A_1 : vector<16xf32> to vector<16xf32>
    tpu.vector_store %arg8[%swap3A_383], %swap3A_386 {strides = array<i32>} : memref<2048xf32, #tpu.memory_space<vmem>>, vector<16xf32>,
    %swap3A_387 = arith.constant 1536 : index
    %swap3A_388 = tpu.vector_load %arg8[%swap3A_387] {strides = array<i32>} : memref<2048xf32, #tpu.memory_space<vmem>>, vector<16xf32>,
    %swap3A_389 = vector.shape_cast %swap3A_388 : vector<16xf32> to vector<16xf32>
    %swap3A_390 = vector.shape_cast %broadcast_in_dim3A_1 : vector<16xf32> to vector<16xf32>
    tpu.vector_store %arg8[%swap3A_387], %swap3A_390 {strides = array<i32>} : memref<2048xf32, #tpu.memory_space<vmem>>, vector<16xf32>,
    %swap3A_391 = arith.constant 1552 : index
    %swap3A_392 = tpu.vector_load %arg8[%swap3A_391] {strides = array<i32>} : memref<2048xf32, #tpu.memory_space<vmem>>, vector<16xf32>,
    %swap3A_393 = vector.shape_cast %swap3A_392 : vector<16xf32> to vector<16xf32>
    %swap3A_394 = vector.shape_cast %broadcast_in_dim3A_1 : vector<16xf32> to vector<16xf32>
    tpu.vector_store %arg8[%swap3A_391], %swap3A_394 {strides = array<i32>} : memref<2048xf32, #tpu.memory_space<vmem>>, vector<16xf32>,
    %swap3A_395 = arith.constant 1568 : index
    %swap3A_396 = tpu.vector_load %arg8[%swap3A_395] {strides = array<i32>} : memref<2048xf32, #tpu.memory_space<vmem>>, vector<16xf32>,
    %swap3A_397 = vector.shape_cast %swap3A_396 : vector<16xf32> to vector<16xf32>
    %swap3A_398 = vector.shape_cast %broadcast_in_dim3A_1 : vector<16xf32> to vector<16xf32>
    tpu.vector_store %arg8[%swap3A_395], %swap3A_398 {strides = array<i32>} : memref<2048xf32, #tpu.memory_space<vmem>>, vector<16xf32>,
    %swap3A_399 = arith.constant 1584 : index
    %swap3A_400 = tpu.vector_load %arg8[%swap3A_399] {strides = array<i32>} : memref<2048xf32, #tpu.memory_space<vmem>>, vector<16xf32>,
    %swap3A_401 = vector.shape_cast %swap3A_400 : vector<16xf32> to vector<16xf32>
    %swap3A_402 = vector.shape_cast %broadcast_in_dim3A_1 : vector<16xf32> to vector<16xf32>
    tpu.vector_store %arg8[%swap3A_399], %swap3A_402 {strides = array<i32>} : memref<2048xf32, #tpu.memory_space<vmem>>, vector<16xf32>,
    %swap3A_403 = arith.constant 1600 : index
    %swap3A_404 = tpu.vector_load %arg8[%swap3A_403] {strides = array<i32>} : memref<2048xf32, #tpu.memory_space<vmem>>, vector<16xf32>,
    %swap3A_405 = vector.shape_cast %swap3A_404 : vector<16xf32> to vector<16xf32>
    %swap3A_406 = vector.shape_cast %broadcast_in_dim3A_1 : vector<16xf32> to vector<16xf32>
    tpu.vector_store %arg8[%swap3A_403], %swap3A_406 {strides = array<i32>} : memref<2048xf32, #tpu.memory_space<vmem>>, vector<16xf32>,
    %swap3A_407 = arith.constant 1616 : index
    %swap3A_408 = tpu.vector_load %arg8[%swap3A_407] {strides = array<i32>} : memref<2048xf32, #tpu.memory_space<vmem>>, vector<16xf32>,
    %swap3A_409 = vector.shape_cast %swap3A_408 : vector<16xf32> to vector<16xf32>
    %swap3A_410 = vector.shape_cast %broadcast_in_dim3A_1 : vector<16xf32> to vector<16xf32>
    tpu.vector_store %arg8[%swap3A_407], %swap3A_410 {strides = array<i32>} : memref<2048xf32, #tpu.memory_space<vmem>>, vector<16xf32>,
    %swap3A_411 = arith.constant 1632 : index
    %swap3A_412 = tpu.vector_load %arg8[%swap3A_411] {strides = array<i32>} : memref<2048xf32, #tpu.memory_space<vmem>>, vector<16xf32>,
    %swap3A_413 = vector.shape_cast %swap3A_412 : vector<16xf32> to vector<16xf32>
    %swap3A_414 = vector.shape_cast %broadcast_in_dim3A_1 : vector<16xf32> to vector<16xf32>
    tpu.vector_store %arg8[%swap3A_411], %swap3A_414 {strides = array<i32>} : memref<2048xf32, #tpu.memory_space<vmem>>, vector<16xf32>,
    %swap3A_415 = arith.constant 1648 : index
    %swap3A_416 = tpu.vector_load %arg8[%swap3A_415] {strides = array<i32>} : memref<2048xf32, #tpu.memory_space<vmem>>, vector<16xf32>,
    %swap3A_417 = vector.shape_cast %swap3A_416 : vector<16xf32> to vector<16xf32>
    %swap3A_418 = vector.shape_cast %broadcast_in_dim3A_1 : vector<16xf32> to vector<16xf32>
    tpu.vector_store %arg8[%swap3A_415], %swap3A_418 {strides = array<i32>} : memref<2048xf32, #tpu.memory_space<vmem>>, vector<16xf32>,
    %swap3A_419 = arith.constant 1664 : index
    %swap3A_420 = tpu.vector_load %arg8[%swap3A_419] {strides = array<i32>} : memref<2048xf32, #tpu.memory_space<vmem>>, vector<16xf32>,
    %swap3A_421 = vector.shape_cast %swap3A_420 : vector<16xf32> to vector<16xf32>
    %swap3A_422 = vector.shape_cast %broadcast_in_dim3A_1 : vector<16xf32> to vector<16xf32>
    tpu.vector_store %arg8[%swap3A_419], %swap3A_422 {strides = array<i32>} : memref<2048xf32, #tpu.memory_space<vmem>>, vector<16xf32>,
    %swap3A_423 = arith.constant 1680 : index
    %swap3A_424 = tpu.vector_load %arg8[%swap3A_423] {strides = array<i32>} : memref<2048xf32, #tpu.memory_space<vmem>>, vector<16xf32>,
    %swap3A_425 = vector.shape_cast %swap3A_424 : vector<16xf32> to vector<16xf32>
    %swap3A_426 = vector.shape_cast %broadcast_in_dim3A_1 : vector<16xf32> to vector<16xf32>
    tpu.vector_store %arg8[%swap3A_423], %swap3A_426 {strides = array<i32>} : memref<2048xf32, #tpu.memory_space<vmem>>, vector<16xf32>,
    %swap3A_427 = arith.constant 1696 : index
    %swap3A_428 = tpu.vector_load %arg8[%swap3A_427] {strides = array<i32>} : memref<2048xf32, #tpu.memory_space<vmem>>, vector<16xf32>,
    %swap3A_429 = vector.shape_cast %swap3A_428 : vector<16xf32> to vector<16xf32>
    %swap3A_430 = vector.shape_cast %broadcast_in_dim3A_1 : vector<16xf32> to vector<16xf32>
    tpu.vector_store %arg8[%swap3A_427], %swap3A_430 {strides = array<i32>} : memref<2048xf32, #tpu.memory_space<vmem>>, vector<16xf32>,
    %swap3A_431 = arith.constant 1712 : index
    %swap3A_432 = tpu.vector_load %arg8[%swap3A_431] {strides = array<i32>} : memref<2048xf32, #tpu.memory_space<vmem>>, vector<16xf32>,
    %swap3A_433 = vector.shape_cast %swap3A_432 : vector<16xf32> to vector<16xf32>
    %swap3A_434 = vector.shape_cast %broadcast_in_dim3A_1 : vector<16xf32> to vector<16xf32>
    tpu.vector_store %arg8[%swap3A_431], %swap3A_434 {strides = array<i32>} : memref<2048xf32, #tpu.memory_space<vmem>>, vector<16xf32>,
    %swap3A_435 = arith.constant 1728 : index
    %swap3A_436 = tpu.vector_load %arg8[%swap3A_435] {strides = array<i32>} : memref<2048xf32, #tpu.memory_space<vmem>>, vector<16xf32>,
    %swap3A_437 = vector.shape_cast %swap3A_436 : vector<16xf32> to vector<16xf32>
    %swap3A_438 = vector.shape_cast %broadcast_in_dim3A_1 : vector<16xf32> to vector<16xf32>
    tpu.vector_store %arg8[%swap3A_435], %swap3A_438 {strides = array<i32>} : memref<2048xf32, #tpu.memory_space<vmem>>, vector<16xf32>,
    %swap3A_439 = arith.constant 1744 : index
    %swap3A_440 = tpu.vector_load %arg8[%swap3A_439] {strides = array<i32>} : memref<2048xf32, #tpu.memory_space<vmem>>, vector<16xf32>,
    %swap3A_441 = vector.shape_cast %swap3A_440 : vector<16xf32> to vector<16xf32>
    %swap3A_442 = vector.shape_cast %broadcast_in_dim3A_1 : vector<16xf32> to vector<16xf32>
    tpu.vector_store %arg8[%swap3A_439], %swap3A_442 {strides = array<i32>} : memref<2048xf32, #tpu.memory_space<vmem>>, vector<16xf32>,
    %swap3A_443 = arith.constant 1760 : index
    %swap3A_444 = tpu.vector_load %arg8[%swap3A_443] {strides = array<i32>} : memref<2048xf32, #tpu.memory_space<vmem>>, vector<16xf32>,
    %swap3A_445 = vector.shape_cast %swap3A_444 : vector<16xf32> to vector<16xf32>
    %swap3A_446 = vector.shape_cast %broadcast_in_dim3A_1 : vector<16xf32> to vector<16xf32>
    tpu.vector_store %arg8[%swap3A_443], %swap3A_446 {strides = array<i32>} : memref<2048xf32, #tpu.memory_space<vmem>>, vector<16xf32>,
    %swap3A_447 = arith.constant 1776 : index
    %swap3A_448 = tpu.vector_load %arg8[%swap3A_447] {strides = array<i32>} : memref<2048xf32, #tpu.memory_space<vmem>>, vector<16xf32>,
    %swap3A_449 = vector.shape_cast %swap3A_448 : vector<16xf32> to vector<16xf32>
    %swap3A_450 = vector.shape_cast %broadcast_in_dim3A_1 : vector<16xf32> to vector<16xf32>
    tpu.vector_store %arg8[%swap3A_447], %swap3A_450 {strides = array<i32>} : memref<2048xf32, #tpu.memory_space<vmem>>, vector<16xf32>,
    %swap3A_451 = arith.constant 1792 : index
    %swap3A_452 = tpu.vector_load %arg8[%swap3A_451] {strides = array<i32>} : memref<2048xf32, #tpu.memory_space<vmem>>, vector<16xf32>,
    %swap3A_453 = vector.shape_cast %swap3A_452 : vector<16xf32> to vector<16xf32>
    %swap3A_454 = vector.shape_cast %broadcast_in_dim3A_1 : vector<16xf32> to vector<16xf32>
    tpu.vector_store %arg8[%swap3A_451], %swap3A_454 {strides = array<i32>} : memref<2048xf32, #tpu.memory_space<vmem>>, vector<16xf32>,
    %swap3A_455 = arith.constant 1808 : index
    %swap3A_456 = tpu.vector_load %arg8[%swap3A_455] {strides = array<i32>} : memref<2048xf32, #tpu.memory_space<vmem>>, vector<16xf32>,
    %swap3A_457 = vector.shape_cast %swap3A_456 : vector<16xf32> to vector<16xf32>
    %swap3A_458 = vector.shape_cast %broadcast_in_dim3A_1 : vector<16xf32> to vector<16xf32>
    tpu.vector_store %arg8[%swap3A_455], %swap3A_458 {strides = array<i32>} : memref<2048xf32, #tpu.memory_space<vmem>>, vector<16xf32>,
    %swap3A_459 = arith.constant 1824 : index
    %swap3A_460 = tpu.vector_load %arg8[%swap3A_459] {strides = array<i32>} : memref<2048xf32, #tpu.memory_space<vmem>>, vector<16xf32>,
    %swap3A_461 = vector.shape_cast %swap3A_460 : vector<16xf32> to vector<16xf32>
    %swap3A_462 = vector.shape_cast %broadcast_in_dim3A_1 : vector<16xf32> to vector<16xf32>
    tpu.vector_store %arg8[%swap3A_459], %swap3A_462 {strides = array<i32>} : memref<2048xf32, #tpu.memory_space<vmem>>, vector<16xf32>,
    %swap3A_463 = arith.constant 1840 : index
    %swap3A_464 = tpu.vector_load %arg8[%swap3A_463] {strides = array<i32>} : memref<2048xf32, #tpu.memory_space<vmem>>, vector<16xf32>,
    %swap3A_465 = vector.shape_cast %swap3A_464 : vector<16xf32> to vector<16xf32>
    %swap3A_466 = vector.shape_cast %broadcast_in_dim3A_1 : vector<16xf32> to vector<16xf32>
    tpu.vector_store %arg8[%swap3A_463], %swap3A_466 {strides = array<i32>} : memref<2048xf32, #tpu.memory_space<vmem>>, vector<16xf32>,
    %swap3A_467 = arith.constant 1856 : index
    %swap3A_468 = tpu.vector_load %arg8[%swap3A_467] {strides = array<i32>} : memref<2048xf32, #tpu.memory_space<vmem>>, vector<16xf32>,
    %swap3A_469 = vector.shape_cast %swap3A_468 : vector<16xf32> to vector<16xf32>
    %swap3A_470 = vector.shape_cast %broadcast_in_dim3A_1 : vector<16xf32> to vector<16xf32>
    tpu.vector_store %arg8[%swap3A_467], %swap3A_470 {strides = array<i32>} : memref<2048xf32, #tpu.memory_space<vmem>>, vector<16xf32>,
    %swap3A_471 = arith.constant 1872 : index
    %swap3A_472 = tpu.vector_load %arg8[%swap3A_471] {strides = array<i32>} : memref<2048xf32, #tpu.memory_space<vmem>>, vector<16xf32>,
    %swap3A_473 = vector.shape_cast %swap3A_472 : vector<16xf32> to vector<16xf32>
    %swap3A_474 = vector.shape_cast %broadcast_in_dim3A_1 : vector<16xf32> to vector<16xf32>
    tpu.vector_store %arg8[%swap3A_471], %swap3A_474 {strides = array<i32>} : memref<2048xf32, #tpu.memory_space<vmem>>, vector<16xf32>,
    %swap3A_475 = arith.constant 1888 : index
    %swap3A_476 = tpu.vector_load %arg8[%swap3A_475] {strides = array<i32>} : memref<2048xf32, #tpu.memory_space<vmem>>, vector<16xf32>,
    %swap3A_477 = vector.shape_cast %swap3A_476 : vector<16xf32> to vector<16xf32>
    %swap3A_478 = vector.shape_cast %broadcast_in_dim3A_1 : vector<16xf32> to vector<16xf32>
    tpu.vector_store %arg8[%swap3A_475], %swap3A_478 {strides = array<i32>} : memref<2048xf32, #tpu.memory_space<vmem>>, vector<16xf32>,
    %swap3A_479 = arith.constant 1904 : index
    %swap3A_480 = tpu.vector_load %arg8[%swap3A_479] {strides = array<i32>} : memref<2048xf32, #tpu.memory_space<vmem>>, vector<16xf32>,
    %swap3A_481 = vector.shape_cast %swap3A_480 : vector<16xf32> to vector<16xf32>
    %swap3A_482 = vector.shape_cast %broadcast_in_dim3A_1 : vector<16xf32> to vector<16xf32>
    tpu.vector_store %arg8[%swap3A_479], %swap3A_482 {strides = array<i32>} : memref<2048xf32, #tpu.memory_space<vmem>>, vector<16xf32>,
    %swap3A_483 = arith.constant 1920 : index
    %swap3A_484 = tpu.vector_load %arg8[%swap3A_483] {strides = array<i32>} : memref<2048xf32, #tpu.memory_space<vmem>>, vector<16xf32>,
    %swap3A_485 = vector.shape_cast %swap3A_484 : vector<16xf32> to vector<16xf32>
    %swap3A_486 = vector.shape_cast %broadcast_in_dim3A_1 : vector<16xf32> to vector<16xf32>
    tpu.vector_store %arg8[%swap3A_483], %swap3A_486 {strides = array<i32>} : memref<2048xf32, #tpu.memory_space<vmem>>, vector<16xf32>,
    %swap3A_487 = arith.constant 1936 : index
    %swap3A_488 = tpu.vector_load %arg8[%swap3A_487] {strides = array<i32>} : memref<2048xf32, #tpu.memory_space<vmem>>, vector<16xf32>,
    %swap3A_489 = vector.shape_cast %swap3A_488 : vector<16xf32> to vector<16xf32>
    %swap3A_490 = vector.shape_cast %broadcast_in_dim3A_1 : vector<16xf32> to vector<16xf32>
    tpu.vector_store %arg8[%swap3A_487], %swap3A_490 {strides = array<i32>} : memref<2048xf32, #tpu.memory_space<vmem>>, vector<16xf32>,
    %swap3A_491 = arith.constant 1952 : index
    %swap3A_492 = tpu.vector_load %arg8[%swap3A_491] {strides = array<i32>} : memref<2048xf32, #tpu.memory_space<vmem>>, vector<16xf32>,
    %swap3A_493 = vector.shape_cast %swap3A_492 : vector<16xf32> to vector<16xf32>
    %swap3A_494 = vector.shape_cast %broadcast_in_dim3A_1 : vector<16xf32> to vector<16xf32>
    tpu.vector_store %arg8[%swap3A_491], %swap3A_494 {strides = array<i32>} : memref<2048xf32, #tpu.memory_space<vmem>>, vector<16xf32>,
    %swap3A_495 = arith.constant 1968 : index
    %swap3A_496 = tpu.vector_load %arg8[%swap3A_495] {strides = array<i32>} : memref<2048xf32, #tpu.memory_space<vmem>>, vector<16xf32>,
    %swap3A_497 = vector.shape_cast %swap3A_496 : vector<16xf32> to vector<16xf32>
    %swap3A_498 = vector.shape_cast %broadcast_in_dim3A_1 : vector<16xf32> to vector<16xf32>
    tpu.vector_store %arg8[%swap3A_495], %swap3A_498 {strides = array<i32>} : memref<2048xf32, #tpu.memory_space<vmem>>, vector<16xf32>,
    %swap3A_499 = arith.constant 1984 : index
    %swap3A_500 = tpu.vector_load %arg8[%swap3A_499] {strides = array<i32>} : memref<2048xf32, #tpu.memory_space<vmem>>, vector<16xf32>,
    %swap3A_501 = vector.shape_cast %swap3A_500 : vector<16xf32> to vector<16xf32>
    %swap3A_502 = vector.shape_cast %broadcast_in_dim3A_1 : vector<16xf32> to vector<16xf32>
    tpu.vector_store %arg8[%swap3A_499], %swap3A_502 {strides = array<i32>} : memref<2048xf32, #tpu.memory_space<vmem>>, vector<16xf32>,
    %swap3A_503 = arith.constant 2000 : index
    %swap3A_504 = tpu.vector_load %arg8[%swap3A_503] {strides = array<i32>} : memref<2048xf32, #tpu.memory_space<vmem>>, vector<16xf32>,
    %swap3A_505 = vector.shape_cast %swap3A_504 : vector<16xf32> to vector<16xf32>
    %swap3A_506 = vector.shape_cast %broadcast_in_dim3A_1 : vector<16xf32> to vector<16xf32>
    tpu.vector_store %arg8[%swap3A_503], %swap3A_506 {strides = array<i32>} : memref<2048xf32, #tpu.memory_space<vmem>>, vector<16xf32>,
    %swap3A_507 = arith.constant 2016 : index
    %swap3A_508 = tpu.vector_load %arg8[%swap3A_507] {strides = array<i32>} : memref<2048xf32, #tpu.memory_space<vmem>>, vector<16xf32>,
    %swap3A_509 = vector.shape_cast %swap3A_508 : vector<16xf32> to vector<16xf32>
    %swap3A_510 = vector.shape_cast %broadcast_in_dim3A_1 : vector<16xf32> to vector<16xf32>
    tpu.vector_store %arg8[%swap3A_507], %swap3A_510 {strides = array<i32>} : memref<2048xf32, #tpu.memory_space<vmem>>, vector<16xf32>,
    %swap3A_511 = arith.constant 2032 : index
    %swap3A_512 = tpu.vector_load %arg8[%swap3A_511] {strides = array<i32>} : memref<2048xf32, #tpu.memory_space<vmem>>, vector<16xf32>,
    %swap3A_513 = vector.shape_cast %swap3A_512 : vector<16xf32> to vector<16xf32>
    %swap3A_514 = vector.shape_cast %broadcast_in_dim3A_1 : vector<16xf32> to vector<16xf32>
    tpu.vector_store %arg8[%swap3A_511], %swap3A_514 {strides = array<i32>} : memref<2048xf32, #tpu.memory_space<vmem>>, vector<16xf32>,
    %swap3A_515 = arith.constant 0 : index
    %swap3A_516 = tpu.vector_load %arg7[%swap3A_515] {strides = array<i32>} : memref<128xf32, #tpu.memory_space<vmem>>, vector<16xf32>,
    %swap3A_517 = vector.shape_cast %swap3A_516 : vector<16xf32> to vector<16xf32>
    %swap3A_518 = vector.shape_cast %broadcast_in_dim3A_3 : vector<16xf32> to vector<16xf32>
    tpu.vector_store %arg7[%swap3A_515], %swap3A_518 {strides = array<i32>} : memref<128xf32, #tpu.memory_space<vmem>>, vector<16xf32>,
    %swap3A_519 = arith.constant 16 : index
    %swap3A_520 = tpu.vector_load %arg7[%swap3A_519] {strides = array<i32>} : memref<128xf32, #tpu.memory_space<vmem>>, vector<16xf32>,
    %swap3A_521 = vector.shape_cast %swap3A_520 : vector<16xf32> to vector<16xf32>
    %swap3A_522 = vector.shape_cast %broadcast_in_dim3A_3 : vector<16xf32> to vector<16xf32>
    tpu.vector_store %arg7[%swap3A_519], %swap3A_522 {strides = array<i32>} : memref<128xf32, #tpu.memory_space<vmem>>, vector<16xf32>,
    %swap3A_523 = arith.constant 32 : index
    %swap3A_524 = tpu.vector_load %arg7[%swap3A_523] {strides = array<i32>} : memref<128xf32, #tpu.memory_space<vmem>>, vector<16xf32>,
    %swap3A_525 = vector.shape_cast %swap3A_524 : vector<16xf32> to vector<16xf32>
    %swap3A_526 = vector.shape_cast %broadcast_in_dim3A_3 : vector<16xf32> to vector<16xf32>
    tpu.vector_store %arg7[%swap3A_523], %swap3A_526 {strides = array<i32>} : memref<128xf32, #tpu.memory_space<vmem>>, vector<16xf32>,
    %swap3A_527 = arith.constant 48 : index
    %swap3A_528 = tpu.vector_load %arg7[%swap3A_527] {strides = array<i32>} : memref<128xf32, #tpu.memory_space<vmem>>, vector<16xf32>,
    %swap3A_529 = vector.shape_cast %swap3A_528 : vector<16xf32> to vector<16xf32>
    %swap3A_530 = vector.shape_cast %broadcast_in_dim3A_3 : vector<16xf32> to vector<16xf32>
    tpu.vector_store %arg7[%swap3A_527], %swap3A_530 {strides = array<i32>} : memref<128xf32, #tpu.memory_space<vmem>>, vector<16xf32>,
    %swap3A_531 = arith.constant 64 : index
    %swap3A_532 = tpu.vector_load %arg7[%swap3A_531] {strides = array<i32>} : memref<128xf32, #tpu.memory_space<vmem>>, vector<16xf32>,
    %swap3A_533 = vector.shape_cast %swap3A_532 : vector<16xf32> to vector<16xf32>
    %swap3A_534 = vector.shape_cast %broadcast_in_dim3A_3 : vector<16xf32> to vector<16xf32>
    tpu.vector_store %arg7[%swap3A_531], %swap3A_534 {strides = array<i32>} : memref<128xf32, #tpu.memory_space<vmem>>, vector<16xf32>,
    %swap3A_535 = arith.constant 80 : index
    %swap3A_536 = tpu.vector_load %arg7[%swap3A_535] {strides = array<i32>} : memref<128xf32, #tpu.memory_space<vmem>>, vector<16xf32>,
    %swap3A_537 = vector.shape_cast %swap3A_536 : vector<16xf32> to vector<16xf32>
    %swap3A_538 = vector.shape_cast %broadcast_in_dim3A_3 : vector<16xf32> to vector<16xf32>
    tpu.vector_store %arg7[%swap3A_535], %swap3A_538 {strides = array<i32>} : memref<128xf32, #tpu.memory_space<vmem>>, vector<16xf32>,
    %swap3A_539 = arith.constant 96 : index
    %swap3A_540 = tpu.vector_load %arg7[%swap3A_539] {strides = array<i32>} : memref<128xf32, #tpu.memory_space<vmem>>, vector<16xf32>,
    %swap3A_541 = vector.shape_cast %swap3A_540 : vector<16xf32> to vector<16xf32>
    %swap3A_542 = vector.shape_cast %broadcast_in_dim3A_3 : vector<16xf32> to vector<16xf32>
    tpu.vector_store %arg7[%swap3A_539], %swap3A_542 {strides = array<i32>} : memref<128xf32, #tpu.memory_space<vmem>>, vector<16xf32>,
    %swap3A_543 = arith.constant 112 : index
    %swap3A_544 = tpu.vector_load %arg7[%swap3A_543] {strides = array<i32>} : memref<128xf32, #tpu.memory_space<vmem>>, vector<16xf32>,
    %swap3A_545 = vector.shape_cast %swap3A_544 : vector<16xf32> to vector<16xf32>
    %swap3A_546 = vector.shape_cast %broadcast_in_dim3A_3 : vector<16xf32> to vector<16xf32>
    tpu.vector_store %arg7[%swap3A_543], %swap3A_546 {strides = array<i32>} : memref<128xf32, #tpu.memory_space<vmem>>, vector<16xf32>,
    %mul3A_547 = arith.constant 512 : i32
    %mul3A_548 = arith.muli %add3A, %mul3A_547 : i32
    %run_scoped3A = arith.constant 0 : i32
    "tpu.region"() ({
      %run_scoped3A_1132 = tpu.sem_alloc : memref<!tpu.dma_semaphore, #tpu.memory_space<semaphore_mem>>
      %dma_start3A = tpu.memref_slice %arg2[%run_scoped3A, %mul3A_548] : memref<2x16384xi32, #tpu.memory_space<hbm>> -> memref<1x512xi32, #tpu.memory_space<hbm>>
      %dma_start3A_1133 = tpu.memref_squeeze %dma_start3A : memref<1x512xi32, #tpu.memory_space<hbm>> -> memref<512xi32, #tpu.memory_space<hbm>>
      %dma_start3A_1134 = tpu.memref_slice %arg2[%run_scoped3A, %mul3A_548] : memref<2x16384xi32, #tpu.memory_space<hbm>> -> memref<1x512xi32, #tpu.memory_space<hbm>>
      %dma_start3A_1135 = tpu.memref_squeeze %dma_start3A_1134 : memref<1x512xi32, #tpu.memory_space<hbm>> -> memref<512xi32, #tpu.memory_space<hbm>>
      tpu.enqueue_dma source(%dma_start3A_1135 : memref<512xi32, #tpu.memory_space<hbm>>) target(%arg4 : memref<512xi32, #tpu.memory_space<vmem>>) target_semaphore(%run_scoped3A_1132 : memref<!tpu.dma_semaphore, #tpu.memory_space<semaphore_mem>>)
      %dma_wait3A = tpu.memref_slice %arg2[%run_scoped3A, %mul3A_548] : memref<2x16384xi32, #tpu.memory_space<hbm>> -> memref<1x512xi32, #tpu.memory_space<hbm>>
      %dma_wait3A_1136 = tpu.memref_squeeze %dma_wait3A : memref<1x512xi32, #tpu.memory_space<hbm>> -> memref<512xi32, #tpu.memory_space<hbm>>
      %dma_wait3A_1137 = tpu.memref_slice %arg2[%run_scoped3A, %mul3A_548] : memref<2x16384xi32, #tpu.memory_space<hbm>> -> memref<1x512xi32, #tpu.memory_space<hbm>>
      %dma_wait3A_1138 = tpu.memref_squeeze %dma_wait3A_1137 : memref<1x512xi32, #tpu.memory_space<hbm>> -> memref<512xi32, #tpu.memory_space<hbm>>
      tpu.wait_dma2 semaphore(%run_scoped3A_1132 : memref<!tpu.dma_semaphore, #tpu.memory_space<semaphore_mem>>) src(%dma_wait3A_1138 : memref<512xi32, #tpu.memory_space<hbm>>) dst(%arg4 : memref<512xi32, #tpu.memory_space<vmem>>)
      tpu.yield
    }) : () -> ()
    %run_scoped3A_549 = arith.constant 1 : i32
    "tpu.region"() ({
      %run_scoped3A_1132 = tpu.sem_alloc : memref<!tpu.dma_semaphore, #tpu.memory_space<semaphore_mem>>
      %dma_start3A = tpu.memref_slice %arg2[%run_scoped3A_549, %mul3A_548] : memref<2x16384xi32, #tpu.memory_space<hbm>> -> memref<1x512xi32, #tpu.memory_space<hbm>>
      %dma_start3A_1133 = tpu.memref_squeeze %dma_start3A : memref<1x512xi32, #tpu.memory_space<hbm>> -> memref<512xi32, #tpu.memory_space<hbm>>
      %dma_start3A_1134 = tpu.memref_slice %arg2[%run_scoped3A_549, %mul3A_548] : memref<2x16384xi32, #tpu.memory_space<hbm>> -> memref<1x512xi32, #tpu.memory_space<hbm>>
      %dma_start3A_1135 = tpu.memref_squeeze %dma_start3A_1134 : memref<1x512xi32, #tpu.memory_space<hbm>> -> memref<512xi32, #tpu.memory_space<hbm>>
      tpu.enqueue_dma source(%dma_start3A_1135 : memref<512xi32, #tpu.memory_space<hbm>>) target(%arg5 : memref<512xi32, #tpu.memory_space<vmem>>) target_semaphore(%run_scoped3A_1132 : memref<!tpu.dma_semaphore, #tpu.memory_space<semaphore_mem>>)
      %dma_wait3A = tpu.memref_slice %arg2[%run_scoped3A_549, %mul3A_548] : memref<2x16384xi32, #tpu.memory_space<hbm>> -> memref<1x512xi32, #tpu.memory_space<hbm>>
      %dma_wait3A_1136 = tpu.memref_squeeze %dma_wait3A : memref<1x512xi32, #tpu.memory_space<hbm>> -> memref<512xi32, #tpu.memory_space<hbm>>
      %dma_wait3A_1137 = tpu.memref_slice %arg2[%run_scoped3A_549, %mul3A_548] : memref<2x16384xi32, #tpu.memory_space<hbm>> -> memref<1x512xi32, #tpu.memory_space<hbm>>
      %dma_wait3A_1138 = tpu.memref_squeeze %dma_wait3A_1137 : memref<1x512xi32, #tpu.memory_space<hbm>> -> memref<512xi32, #tpu.memory_space<hbm>>
      tpu.wait_dma2 semaphore(%run_scoped3A_1132 : memref<!tpu.dma_semaphore, #tpu.memory_space<semaphore_mem>>) src(%dma_wait3A_1138 : memref<512xi32, #tpu.memory_space<hbm>>) dst(%arg5 : memref<512xi32, #tpu.memory_space<vmem>>)
      tpu.yield
    }) : () -> ()
    %get3A = arith.constant 0 : index
    %get3A_550 = tpu.vector_load %arg4[%get3A] {strides = array<i32>} : memref<512xi32, #tpu.memory_space<vmem>>, vector<16xi32>,
    %get3A_551 = vector.shape_cast %get3A_550 : vector<16xi32> to vector<16xi32>
    %get3A_552 = arith.constant 0 : index
    %get3A_553 = tpu.vector_load %arg5[%get3A_552] {strides = array<i32>} : memref<512xi32, #tpu.memory_space<vmem>>, vector<16xi32>,
    %get3A_554 = vector.shape_cast %get3A_553 : vector<16xi32> to vector<16xi32>
    %mul3A_555 = arith.constant 1024 : i32
    %mul3A_556 = vector.broadcast %mul3A_555 : i32 to vector<16xi32>
    %mul3A_557 = arith.muli %get3A_551, %mul3A_556 : vector<16xi32>
    %add3A_558 = arith.addi %mul3A_557, %get3A_554 : vector<16xi32>
    %swap3A_559 = arith.constant 0 : i32
    %swap3A_560 = arith.index_cast %swap3A_559 : i32 to index
    %swap3A_561 = arith.constant 0 : index
    %swap3A_562 = tpu.vector_load %arg6[%swap3A_560, %swap3A_561] {strides = array<i32>} : memref<4x128xi32, #tpu.memory_space<vmem>>, vector<1x16xi32>,
    %swap3A_563 = vector.shape_cast %swap3A_562 : vector<1x16xi32> to vector<16xi32>
    %swap3A_564 = vector.shape_cast %add3A_558 : vector<16xi32> to vector<1x16xi32>
    tpu.vector_store %arg6[%swap3A_560, %swap3A_561], %swap3A_564 {strides = array<i32>} : memref<4x128xi32, #tpu.memory_space<vmem>>, vector<1x16xi32>,
    %get3A_565 = arith.constant 16 : index
    %get3A_566 = tpu.vector_load %arg4[%get3A_565] {strides = array<i32>} : memref<512xi32, #tpu.memory_space<vmem>>, vector<16xi32>,
    %get3A_567 = vector.shape_cast %get3A_566 : vector<16xi32> to vector<16xi32>
    %get3A_568 = arith.constant 16 : index
    %get3A_569 = tpu.vector_load %arg5[%get3A_568] {strides = array<i32>} : memref<512xi32, #tpu.memory_space<vmem>>, vector<16xi32>,
    %get3A_570 = vector.shape_cast %get3A_569 : vector<16xi32> to vector<16xi32>
    %mul3A_571 = arith.constant 1024 : i32
    %mul3A_572 = vector.broadcast %mul3A_571 : i32 to vector<16xi32>
    %mul3A_573 = arith.muli %get3A_567, %mul3A_572 : vector<16xi32>
    %add3A_574 = arith.addi %mul3A_573, %get3A_570 : vector<16xi32>
    %swap3A_575 = arith.constant 0 : i32
    %swap3A_576 = arith.index_cast %swap3A_575 : i32 to index
    %swap3A_577 = arith.constant 16 : index
    %swap3A_578 = tpu.vector_load %arg6[%swap3A_576, %swap3A_577] {strides = array<i32>} : memref<4x128xi32, #tpu.memory_space<vmem>>, vector<1x16xi32>,
    %swap3A_579 = vector.shape_cast %swap3A_578 : vector<1x16xi32> to vector<16xi32>
    %swap3A_580 = vector.shape_cast %add3A_574 : vector<16xi32> to vector<1x16xi32>
    tpu.vector_store %arg6[%swap3A_576, %swap3A_577], %swap3A_580 {strides = array<i32>} : memref<4x128xi32, #tpu.memory_space<vmem>>, vector<1x16xi32>,
    %get3A_581 = arith.constant 32 : index
    %get3A_582 = tpu.vector_load %arg4[%get3A_581] {strides = array<i32>} : memref<512xi32, #tpu.memory_space<vmem>>, vector<16xi32>,
    %get3A_583 = vector.shape_cast %get3A_582 : vector<16xi32> to vector<16xi32>
    %get3A_584 = arith.constant 32 : index
    %get3A_585 = tpu.vector_load %arg5[%get3A_584] {strides = array<i32>} : memref<512xi32, #tpu.memory_space<vmem>>, vector<16xi32>,
    %get3A_586 = vector.shape_cast %get3A_585 : vector<16xi32> to vector<16xi32>
    %mul3A_587 = arith.constant 1024 : i32
    %mul3A_588 = vector.broadcast %mul3A_587 : i32 to vector<16xi32>
    %mul3A_589 = arith.muli %get3A_583, %mul3A_588 : vector<16xi32>
    %add3A_590 = arith.addi %mul3A_589, %get3A_586 : vector<16xi32>
    %swap3A_591 = arith.constant 0 : i32
    %swap3A_592 = arith.index_cast %swap3A_591 : i32 to index
    %swap3A_593 = arith.constant 32 : index
    %swap3A_594 = tpu.vector_load %arg6[%swap3A_592, %swap3A_593] {strides = array<i32>} : memref<4x128xi32, #tpu.memory_space<vmem>>, vector<1x16xi32>,
    %swap3A_595 = vector.shape_cast %swap3A_594 : vector<1x16xi32> to vector<16xi32>
    %swap3A_596 = vector.shape_cast %add3A_590 : vector<16xi32> to vector<1x16xi32>
    tpu.vector_store %arg6[%swap3A_592, %swap3A_593], %swap3A_596 {strides = array<i32>} : memref<4x128xi32, #tpu.memory_space<vmem>>, vector<1x16xi32>,
    %get3A_597 = arith.constant 48 : index
    %get3A_598 = tpu.vector_load %arg4[%get3A_597] {strides = array<i32>} : memref<512xi32, #tpu.memory_space<vmem>>, vector<16xi32>,
    %get3A_599 = vector.shape_cast %get3A_598 : vector<16xi32> to vector<16xi32>
    %get3A_600 = arith.constant 48 : index
    %get3A_601 = tpu.vector_load %arg5[%get3A_600] {strides = array<i32>} : memref<512xi32, #tpu.memory_space<vmem>>, vector<16xi32>,
    %get3A_602 = vector.shape_cast %get3A_601 : vector<16xi32> to vector<16xi32>
    %mul3A_603 = arith.constant 1024 : i32
    %mul3A_604 = vector.broadcast %mul3A_603 : i32 to vector<16xi32>
    %mul3A_605 = arith.muli %get3A_599, %mul3A_604 : vector<16xi32>
    %add3A_606 = arith.addi %mul3A_605, %get3A_602 : vector<16xi32>
    %swap3A_607 = arith.constant 0 : i32
    %swap3A_608 = arith.index_cast %swap3A_607 : i32 to index
    %swap3A_609 = arith.constant 48 : index
    %swap3A_610 = tpu.vector_load %arg6[%swap3A_608, %swap3A_609] {strides = array<i32>} : memref<4x128xi32, #tpu.memory_space<vmem>>, vector<1x16xi32>,
    %swap3A_611 = vector.shape_cast %swap3A_610 : vector<1x16xi32> to vector<16xi32>
    %swap3A_612 = vector.shape_cast %add3A_606 : vector<16xi32> to vector<1x16xi32>
    tpu.vector_store %arg6[%swap3A_608, %swap3A_609], %swap3A_612 {strides = array<i32>} : memref<4x128xi32, #tpu.memory_space<vmem>>, vector<1x16xi32>,
    %get3A_613 = arith.constant 64 : index
    %get3A_614 = tpu.vector_load %arg4[%get3A_613] {strides = array<i32>} : memref<512xi32, #tpu.memory_space<vmem>>, vector<16xi32>,
    %get3A_615 = vector.shape_cast %get3A_614 : vector<16xi32> to vector<16xi32>
    %get3A_616 = arith.constant 64 : index
    %get3A_617 = tpu.vector_load %arg5[%get3A_616] {strides = array<i32>} : memref<512xi32, #tpu.memory_space<vmem>>, vector<16xi32>,
    %get3A_618 = vector.shape_cast %get3A_617 : vector<16xi32> to vector<16xi32>
    %mul3A_619 = arith.constant 1024 : i32
    %mul3A_620 = vector.broadcast %mul3A_619 : i32 to vector<16xi32>
    %mul3A_621 = arith.muli %get3A_615, %mul3A_620 : vector<16xi32>
    %add3A_622 = arith.addi %mul3A_621, %get3A_618 : vector<16xi32>
    %swap3A_623 = arith.constant 0 : i32
    %swap3A_624 = arith.index_cast %swap3A_623 : i32 to index
    %swap3A_625 = arith.constant 64 : index
    %swap3A_626 = tpu.vector_load %arg6[%swap3A_624, %swap3A_625] {strides = array<i32>} : memref<4x128xi32, #tpu.memory_space<vmem>>, vector<1x16xi32>,
    %swap3A_627 = vector.shape_cast %swap3A_626 : vector<1x16xi32> to vector<16xi32>
    %swap3A_628 = vector.shape_cast %add3A_622 : vector<16xi32> to vector<1x16xi32>
    tpu.vector_store %arg6[%swap3A_624, %swap3A_625], %swap3A_628 {strides = array<i32>} : memref<4x128xi32, #tpu.memory_space<vmem>>, vector<1x16xi32>,
    %get3A_629 = arith.constant 80 : index
    %get3A_630 = tpu.vector_load %arg4[%get3A_629] {strides = array<i32>} : memref<512xi32, #tpu.memory_space<vmem>>, vector<16xi32>,
    %get3A_631 = vector.shape_cast %get3A_630 : vector<16xi32> to vector<16xi32>
    %get3A_632 = arith.constant 80 : index
    %get3A_633 = tpu.vector_load %arg5[%get3A_632] {strides = array<i32>} : memref<512xi32, #tpu.memory_space<vmem>>, vector<16xi32>,
    %get3A_634 = vector.shape_cast %get3A_633 : vector<16xi32> to vector<16xi32>
    %mul3A_635 = arith.constant 1024 : i32
    %mul3A_636 = vector.broadcast %mul3A_635 : i32 to vector<16xi32>
    %mul3A_637 = arith.muli %get3A_631, %mul3A_636 : vector<16xi32>
    %add3A_638 = arith.addi %mul3A_637, %get3A_634 : vector<16xi32>
    %swap3A_639 = arith.constant 0 : i32
    %swap3A_640 = arith.index_cast %swap3A_639 : i32 to index
    %swap3A_641 = arith.constant 80 : index
    %swap3A_642 = tpu.vector_load %arg6[%swap3A_640, %swap3A_641] {strides = array<i32>} : memref<4x128xi32, #tpu.memory_space<vmem>>, vector<1x16xi32>,
    %swap3A_643 = vector.shape_cast %swap3A_642 : vector<1x16xi32> to vector<16xi32>
    %swap3A_644 = vector.shape_cast %add3A_638 : vector<16xi32> to vector<1x16xi32>
    tpu.vector_store %arg6[%swap3A_640, %swap3A_641], %swap3A_644 {strides = array<i32>} : memref<4x128xi32, #tpu.memory_space<vmem>>, vector<1x16xi32>,
    %get3A_645 = arith.constant 96 : index
    %get3A_646 = tpu.vector_load %arg4[%get3A_645] {strides = array<i32>} : memref<512xi32, #tpu.memory_space<vmem>>, vector<16xi32>,
    %get3A_647 = vector.shape_cast %get3A_646 : vector<16xi32> to vector<16xi32>
    %get3A_648 = arith.constant 96 : index
    %get3A_649 = tpu.vector_load %arg5[%get3A_648] {strides = array<i32>} : memref<512xi32, #tpu.memory_space<vmem>>, vector<16xi32>,
    %get3A_650 = vector.shape_cast %get3A_649 : vector<16xi32> to vector<16xi32>
    %mul3A_651 = arith.constant 1024 : i32
    %mul3A_652 = vector.broadcast %mul3A_651 : i32 to vector<16xi32>
    %mul3A_653 = arith.muli %get3A_647, %mul3A_652 : vector<16xi32>
    %add3A_654 = arith.addi %mul3A_653, %get3A_650 : vector<16xi32>
    %swap3A_655 = arith.constant 0 : i32
    %swap3A_656 = arith.index_cast %swap3A_655 : i32 to index
    %swap3A_657 = arith.constant 96 : index
    %swap3A_658 = tpu.vector_load %arg6[%swap3A_656, %swap3A_657] {strides = array<i32>} : memref<4x128xi32, #tpu.memory_space<vmem>>, vector<1x16xi32>,
    %swap3A_659 = vector.shape_cast %swap3A_658 : vector<1x16xi32> to vector<16xi32>
    %swap3A_660 = vector.shape_cast %add3A_654 : vector<16xi32> to vector<1x16xi32>
    tpu.vector_store %arg6[%swap3A_656, %swap3A_657], %swap3A_660 {strides = array<i32>} : memref<4x128xi32, #tpu.memory_space<vmem>>, vector<1x16xi32>,
    %get3A_661 = arith.constant 112 : index
    %get3A_662 = tpu.vector_load %arg4[%get3A_661] {strides = array<i32>} : memref<512xi32, #tpu.memory_space<vmem>>, vector<16xi32>,
    %get3A_663 = vector.shape_cast %get3A_662 : vector<16xi32> to vector<16xi32>
    %get3A_664 = arith.constant 112 : index
    %get3A_665 = tpu.vector_load %arg5[%get3A_664] {strides = array<i32>} : memref<512xi32, #tpu.memory_space<vmem>>, vector<16xi32>,
    %get3A_666 = vector.shape_cast %get3A_665 : vector<16xi32> to vector<16xi32>
    %mul3A_667 = arith.constant 1024 : i32
    %mul3A_668 = vector.broadcast %mul3A_667 : i32 to vector<16xi32>
    %mul3A_669 = arith.muli %get3A_663, %mul3A_668 : vector<16xi32>
    %add3A_670 = arith.addi %mul3A_669, %get3A_666 : vector<16xi32>
    %swap3A_671 = arith.constant 0 : i32
    %swap3A_672 = arith.index_cast %swap3A_671 : i32 to index
    %swap3A_673 = arith.constant 112 : index
    %swap3A_674 = tpu.vector_load %arg6[%swap3A_672, %swap3A_673] {strides = array<i32>} : memref<4x128xi32, #tpu.memory_space<vmem>>, vector<1x16xi32>,
    %swap3A_675 = vector.shape_cast %swap3A_674 : vector<1x16xi32> to vector<16xi32>
    %swap3A_676 = vector.shape_cast %add3A_670 : vector<16xi32> to vector<1x16xi32>
    tpu.vector_store %arg6[%swap3A_672, %swap3A_673], %swap3A_676 {strides = array<i32>} : memref<4x128xi32, #tpu.memory_space<vmem>>, vector<1x16xi32>,
    %get3A_677 = arith.constant 128 : index
    %get3A_678 = tpu.vector_load %arg4[%get3A_677] {strides = array<i32>} : memref<512xi32, #tpu.memory_space<vmem>>, vector<16xi32>,
    %get3A_679 = vector.shape_cast %get3A_678 : vector<16xi32> to vector<16xi32>
    %get3A_680 = arith.constant 128 : index
    %get3A_681 = tpu.vector_load %arg5[%get3A_680] {strides = array<i32>} : memref<512xi32, #tpu.memory_space<vmem>>, vector<16xi32>,
    %get3A_682 = vector.shape_cast %get3A_681 : vector<16xi32> to vector<16xi32>
    %mul3A_683 = arith.constant 1024 : i32
    %mul3A_684 = vector.broadcast %mul3A_683 : i32 to vector<16xi32>
    %mul3A_685 = arith.muli %get3A_679, %mul3A_684 : vector<16xi32>
    %add3A_686 = arith.addi %mul3A_685, %get3A_682 : vector<16xi32>
    %swap3A_687 = arith.constant 1 : i32
    %swap3A_688 = arith.index_cast %swap3A_687 : i32 to index
    %swap3A_689 = arith.constant 0 : index
    %swap3A_690 = tpu.vector_load %arg6[%swap3A_688, %swap3A_689] {strides = array<i32>} : memref<4x128xi32, #tpu.memory_space<vmem>>, vector<1x16xi32>,
    %swap3A_691 = vector.shape_cast %swap3A_690 : vector<1x16xi32> to vector<16xi32>
    %swap3A_692 = vector.shape_cast %add3A_686 : vector<16xi32> to vector<1x16xi32>
    tpu.vector_store %arg6[%swap3A_688, %swap3A_689], %swap3A_692 {strides = array<i32>} : memref<4x128xi32, #tpu.memory_space<vmem>>, vector<1x16xi32>,
    %get3A_693 = arith.constant 144 : index
    %get3A_694 = tpu.vector_load %arg4[%get3A_693] {strides = array<i32>} : memref<512xi32, #tpu.memory_space<vmem>>, vector<16xi32>,
    %get3A_695 = vector.shape_cast %get3A_694 : vector<16xi32> to vector<16xi32>
    %get3A_696 = arith.constant 144 : index
    %get3A_697 = tpu.vector_load %arg5[%get3A_696] {strides = array<i32>} : memref<512xi32, #tpu.memory_space<vmem>>, vector<16xi32>,
    %get3A_698 = vector.shape_cast %get3A_697 : vector<16xi32> to vector<16xi32>
    %mul3A_699 = arith.constant 1024 : i32
    %mul3A_700 = vector.broadcast %mul3A_699 : i32 to vector<16xi32>
    %mul3A_701 = arith.muli %get3A_695, %mul3A_700 : vector<16xi32>
    %add3A_702 = arith.addi %mul3A_701, %get3A_698 : vector<16xi32>
    %swap3A_703 = arith.constant 1 : i32
    %swap3A_704 = arith.index_cast %swap3A_703 : i32 to index
    %swap3A_705 = arith.constant 16 : index
    %swap3A_706 = tpu.vector_load %arg6[%swap3A_704, %swap3A_705] {strides = array<i32>} : memref<4x128xi32, #tpu.memory_space<vmem>>, vector<1x16xi32>,
    %swap3A_707 = vector.shape_cast %swap3A_706 : vector<1x16xi32> to vector<16xi32>
    %swap3A_708 = vector.shape_cast %add3A_702 : vector<16xi32> to vector<1x16xi32>
    tpu.vector_store %arg6[%swap3A_704, %swap3A_705], %swap3A_708 {strides = array<i32>} : memref<4x128xi32, #tpu.memory_space<vmem>>, vector<1x16xi32>,
    %get3A_709 = arith.constant 160 : index
    %get3A_710 = tpu.vector_load %arg4[%get3A_709] {strides = array<i32>} : memref<512xi32, #tpu.memory_space<vmem>>, vector<16xi32>,
    %get3A_711 = vector.shape_cast %get3A_710 : vector<16xi32> to vector<16xi32>
    %get3A_712 = arith.constant 160 : index
    %get3A_713 = tpu.vector_load %arg5[%get3A_712] {strides = array<i32>} : memref<512xi32, #tpu.memory_space<vmem>>, vector<16xi32>,
    %get3A_714 = vector.shape_cast %get3A_713 : vector<16xi32> to vector<16xi32>
    %mul3A_715 = arith.constant 1024 : i32
    %mul3A_716 = vector.broadcast %mul3A_715 : i32 to vector<16xi32>
    %mul3A_717 = arith.muli %get3A_711, %mul3A_716 : vector<16xi32>
    %add3A_718 = arith.addi %mul3A_717, %get3A_714 : vector<16xi32>
    %swap3A_719 = arith.constant 1 : i32
    %swap3A_720 = arith.index_cast %swap3A_719 : i32 to index
    %swap3A_721 = arith.constant 32 : index
    %swap3A_722 = tpu.vector_load %arg6[%swap3A_720, %swap3A_721] {strides = array<i32>} : memref<4x128xi32, #tpu.memory_space<vmem>>, vector<1x16xi32>,
    %swap3A_723 = vector.shape_cast %swap3A_722 : vector<1x16xi32> to vector<16xi32>
    %swap3A_724 = vector.shape_cast %add3A_718 : vector<16xi32> to vector<1x16xi32>
    tpu.vector_store %arg6[%swap3A_720, %swap3A_721], %swap3A_724 {strides = array<i32>} : memref<4x128xi32, #tpu.memory_space<vmem>>, vector<1x16xi32>,
    %get3A_725 = arith.constant 176 : index
    %get3A_726 = tpu.vector_load %arg4[%get3A_725] {strides = array<i32>} : memref<512xi32, #tpu.memory_space<vmem>>, vector<16xi32>,
    %get3A_727 = vector.shape_cast %get3A_726 : vector<16xi32> to vector<16xi32>
    %get3A_728 = arith.constant 176 : index
    %get3A_729 = tpu.vector_load %arg5[%get3A_728] {strides = array<i32>} : memref<512xi32, #tpu.memory_space<vmem>>, vector<16xi32>,
    %get3A_730 = vector.shape_cast %get3A_729 : vector<16xi32> to vector<16xi32>
    %mul3A_731 = arith.constant 1024 : i32
    %mul3A_732 = vector.broadcast %mul3A_731 : i32 to vector<16xi32>
    %mul3A_733 = arith.muli %get3A_727, %mul3A_732 : vector<16xi32>
    %add3A_734 = arith.addi %mul3A_733, %get3A_730 : vector<16xi32>
    %swap3A_735 = arith.constant 1 : i32
    %swap3A_736 = arith.index_cast %swap3A_735 : i32 to index
    %swap3A_737 = arith.constant 48 : index
    %swap3A_738 = tpu.vector_load %arg6[%swap3A_736, %swap3A_737] {strides = array<i32>} : memref<4x128xi32, #tpu.memory_space<vmem>>, vector<1x16xi32>,
    %swap3A_739 = vector.shape_cast %swap3A_738 : vector<1x16xi32> to vector<16xi32>
    %swap3A_740 = vector.shape_cast %add3A_734 : vector<16xi32> to vector<1x16xi32>
    tpu.vector_store %arg6[%swap3A_736, %swap3A_737], %swap3A_740 {strides = array<i32>} : memref<4x128xi32, #tpu.memory_space<vmem>>, vector<1x16xi32>,
    %get3A_741 = arith.constant 192 : index
    %get3A_742 = tpu.vector_load %arg4[%get3A_741] {strides = array<i32>} : memref<512xi32, #tpu.memory_space<vmem>>, vector<16xi32>,
    %get3A_743 = vector.shape_cast %get3A_742 : vector<16xi32> to vector<16xi32>
    %get3A_744 = arith.constant 192 : index
    %get3A_745 = tpu.vector_load %arg5[%get3A_744] {strides = array<i32>} : memref<512xi32, #tpu.memory_space<vmem>>, vector<16xi32>,
    %get3A_746 = vector.shape_cast %get3A_745 : vector<16xi32> to vector<16xi32>
    %mul3A_747 = arith.constant 1024 : i32
    %mul3A_748 = vector.broadcast %mul3A_747 : i32 to vector<16xi32>
    %mul3A_749 = arith.muli %get3A_743, %mul3A_748 : vector<16xi32>
    %add3A_750 = arith.addi %mul3A_749, %get3A_746 : vector<16xi32>
    %swap3A_751 = arith.constant 1 : i32
    %swap3A_752 = arith.index_cast %swap3A_751 : i32 to index
    %swap3A_753 = arith.constant 64 : index
    %swap3A_754 = tpu.vector_load %arg6[%swap3A_752, %swap3A_753] {strides = array<i32>} : memref<4x128xi32, #tpu.memory_space<vmem>>, vector<1x16xi32>,
    %swap3A_755 = vector.shape_cast %swap3A_754 : vector<1x16xi32> to vector<16xi32>
    %swap3A_756 = vector.shape_cast %add3A_750 : vector<16xi32> to vector<1x16xi32>
    tpu.vector_store %arg6[%swap3A_752, %swap3A_753], %swap3A_756 {strides = array<i32>} : memref<4x128xi32, #tpu.memory_space<vmem>>, vector<1x16xi32>,
    %get3A_757 = arith.constant 208 : index
    %get3A_758 = tpu.vector_load %arg4[%get3A_757] {strides = array<i32>} : memref<512xi32, #tpu.memory_space<vmem>>, vector<16xi32>,
    %get3A_759 = vector.shape_cast %get3A_758 : vector<16xi32> to vector<16xi32>
    %get3A_760 = arith.constant 208 : index
    %get3A_761 = tpu.vector_load %arg5[%get3A_760] {strides = array<i32>} : memref<512xi32, #tpu.memory_space<vmem>>, vector<16xi32>,
    %get3A_762 = vector.shape_cast %get3A_761 : vector<16xi32> to vector<16xi32>
    %mul3A_763 = arith.constant 1024 : i32
    %mul3A_764 = vector.broadcast %mul3A_763 : i32 to vector<16xi32>
    %mul3A_765 = arith.muli %get3A_759, %mul3A_764 : vector<16xi32>
    %add3A_766 = arith.addi %mul3A_765, %get3A_762 : vector<16xi32>
    %swap3A_767 = arith.constant 1 : i32
    %swap3A_768 = arith.index_cast %swap3A_767 : i32 to index
    %swap3A_769 = arith.constant 80 : index
    %swap3A_770 = tpu.vector_load %arg6[%swap3A_768, %swap3A_769] {strides = array<i32>} : memref<4x128xi32, #tpu.memory_space<vmem>>, vector<1x16xi32>,
    %swap3A_771 = vector.shape_cast %swap3A_770 : vector<1x16xi32> to vector<16xi32>
    %swap3A_772 = vector.shape_cast %add3A_766 : vector<16xi32> to vector<1x16xi32>
    tpu.vector_store %arg6[%swap3A_768, %swap3A_769], %swap3A_772 {strides = array<i32>} : memref<4x128xi32, #tpu.memory_space<vmem>>, vector<1x16xi32>,
    %get3A_773 = arith.constant 224 : index
    %get3A_774 = tpu.vector_load %arg4[%get3A_773] {strides = array<i32>} : memref<512xi32, #tpu.memory_space<vmem>>, vector<16xi32>,
    %get3A_775 = vector.shape_cast %get3A_774 : vector<16xi32> to vector<16xi32>
    %get3A_776 = arith.constant 224 : index
    %get3A_777 = tpu.vector_load %arg5[%get3A_776] {strides = array<i32>} : memref<512xi32, #tpu.memory_space<vmem>>, vector<16xi32>,
    %get3A_778 = vector.shape_cast %get3A_777 : vector<16xi32> to vector<16xi32>
    %mul3A_779 = arith.constant 1024 : i32
    %mul3A_780 = vector.broadcast %mul3A_779 : i32 to vector<16xi32>
    %mul3A_781 = arith.muli %get3A_775, %mul3A_780 : vector<16xi32>
    %add3A_782 = arith.addi %mul3A_781, %get3A_778 : vector<16xi32>
    %swap3A_783 = arith.constant 1 : i32
    %swap3A_784 = arith.index_cast %swap3A_783 : i32 to index
    %swap3A_785 = arith.constant 96 : index
    %swap3A_786 = tpu.vector_load %arg6[%swap3A_784, %swap3A_785] {strides = array<i32>} : memref<4x128xi32, #tpu.memory_space<vmem>>, vector<1x16xi32>,
    %swap3A_787 = vector.shape_cast %swap3A_786 : vector<1x16xi32> to vector<16xi32>
    %swap3A_788 = vector.shape_cast %add3A_782 : vector<16xi32> to vector<1x16xi32>
    tpu.vector_store %arg6[%swap3A_784, %swap3A_785], %swap3A_788 {strides = array<i32>} : memref<4x128xi32, #tpu.memory_space<vmem>>, vector<1x16xi32>,
    %get3A_789 = arith.constant 240 : index
    %get3A_790 = tpu.vector_load %arg4[%get3A_789] {strides = array<i32>} : memref<512xi32, #tpu.memory_space<vmem>>, vector<16xi32>,
    %get3A_791 = vector.shape_cast %get3A_790 : vector<16xi32> to vector<16xi32>
    %get3A_792 = arith.constant 240 : index
    %get3A_793 = tpu.vector_load %arg5[%get3A_792] {strides = array<i32>} : memref<512xi32, #tpu.memory_space<vmem>>, vector<16xi32>,
    %get3A_794 = vector.shape_cast %get3A_793 : vector<16xi32> to vector<16xi32>
    %mul3A_795 = arith.constant 1024 : i32
    %mul3A_796 = vector.broadcast %mul3A_795 : i32 to vector<16xi32>
    %mul3A_797 = arith.muli %get3A_791, %mul3A_796 : vector<16xi32>
    %add3A_798 = arith.addi %mul3A_797, %get3A_794 : vector<16xi32>
    %swap3A_799 = arith.constant 1 : i32
    %swap3A_800 = arith.index_cast %swap3A_799 : i32 to index
    %swap3A_801 = arith.constant 112 : index
    %swap3A_802 = tpu.vector_load %arg6[%swap3A_800, %swap3A_801] {strides = array<i32>} : memref<4x128xi32, #tpu.memory_space<vmem>>, vector<1x16xi32>,
    %swap3A_803 = vector.shape_cast %swap3A_802 : vector<1x16xi32> to vector<16xi32>
    %swap3A_804 = vector.shape_cast %add3A_798 : vector<16xi32> to vector<1x16xi32>
    tpu.vector_store %arg6[%swap3A_800, %swap3A_801], %swap3A_804 {strides = array<i32>} : memref<4x128xi32, #tpu.memory_space<vmem>>, vector<1x16xi32>,
    %get3A_805 = arith.constant 256 : index
    %get3A_806 = tpu.vector_load %arg4[%get3A_805] {strides = array<i32>} : memref<512xi32, #tpu.memory_space<vmem>>, vector<16xi32>,
    %get3A_807 = vector.shape_cast %get3A_806 : vector<16xi32> to vector<16xi32>
    %get3A_808 = arith.constant 256 : index
    %get3A_809 = tpu.vector_load %arg5[%get3A_808] {strides = array<i32>} : memref<512xi32, #tpu.memory_space<vmem>>, vector<16xi32>,
    %get3A_810 = vector.shape_cast %get3A_809 : vector<16xi32> to vector<16xi32>
    %mul3A_811 = arith.constant 1024 : i32
    %mul3A_812 = vector.broadcast %mul3A_811 : i32 to vector<16xi32>
    %mul3A_813 = arith.muli %get3A_807, %mul3A_812 : vector<16xi32>
    %add3A_814 = arith.addi %mul3A_813, %get3A_810 : vector<16xi32>
    %swap3A_815 = arith.constant 2 : i32
    %swap3A_816 = arith.index_cast %swap3A_815 : i32 to index
    %swap3A_817 = arith.constant 0 : index
    %swap3A_818 = tpu.vector_load %arg6[%swap3A_816, %swap3A_817] {strides = array<i32>} : memref<4x128xi32, #tpu.memory_space<vmem>>, vector<1x16xi32>,
    %swap3A_819 = vector.shape_cast %swap3A_818 : vector<1x16xi32> to vector<16xi32>
    %swap3A_820 = vector.shape_cast %add3A_814 : vector<16xi32> to vector<1x16xi32>
    tpu.vector_store %arg6[%swap3A_816, %swap3A_817], %swap3A_820 {strides = array<i32>} : memref<4x128xi32, #tpu.memory_space<vmem>>, vector<1x16xi32>,
    %get3A_821 = arith.constant 272 : index
    %get3A_822 = tpu.vector_load %arg4[%get3A_821] {strides = array<i32>} : memref<512xi32, #tpu.memory_space<vmem>>, vector<16xi32>,
    %get3A_823 = vector.shape_cast %get3A_822 : vector<16xi32> to vector<16xi32>
    %get3A_824 = arith.constant 272 : index
    %get3A_825 = tpu.vector_load %arg5[%get3A_824] {strides = array<i32>} : memref<512xi32, #tpu.memory_space<vmem>>, vector<16xi32>,
    %get3A_826 = vector.shape_cast %get3A_825 : vector<16xi32> to vector<16xi32>
    %mul3A_827 = arith.constant 1024 : i32
    %mul3A_828 = vector.broadcast %mul3A_827 : i32 to vector<16xi32>
    %mul3A_829 = arith.muli %get3A_823, %mul3A_828 : vector<16xi32>
    %add3A_830 = arith.addi %mul3A_829, %get3A_826 : vector<16xi32>
    %swap3A_831 = arith.constant 2 : i32
    %swap3A_832 = arith.index_cast %swap3A_831 : i32 to index
    %swap3A_833 = arith.constant 16 : index
    %swap3A_834 = tpu.vector_load %arg6[%swap3A_832, %swap3A_833] {strides = array<i32>} : memref<4x128xi32, #tpu.memory_space<vmem>>, vector<1x16xi32>,
    %swap3A_835 = vector.shape_cast %swap3A_834 : vector<1x16xi32> to vector<16xi32>
    %swap3A_836 = vector.shape_cast %add3A_830 : vector<16xi32> to vector<1x16xi32>
    tpu.vector_store %arg6[%swap3A_832, %swap3A_833], %swap3A_836 {strides = array<i32>} : memref<4x128xi32, #tpu.memory_space<vmem>>, vector<1x16xi32>,
    %get3A_837 = arith.constant 288 : index
    %get3A_838 = tpu.vector_load %arg4[%get3A_837] {strides = array<i32>} : memref<512xi32, #tpu.memory_space<vmem>>, vector<16xi32>,
    %get3A_839 = vector.shape_cast %get3A_838 : vector<16xi32> to vector<16xi32>
    %get3A_840 = arith.constant 288 : index
    %get3A_841 = tpu.vector_load %arg5[%get3A_840] {strides = array<i32>} : memref<512xi32, #tpu.memory_space<vmem>>, vector<16xi32>,
    %get3A_842 = vector.shape_cast %get3A_841 : vector<16xi32> to vector<16xi32>
    %mul3A_843 = arith.constant 1024 : i32
    %mul3A_844 = vector.broadcast %mul3A_843 : i32 to vector<16xi32>
    %mul3A_845 = arith.muli %get3A_839, %mul3A_844 : vector<16xi32>
    %add3A_846 = arith.addi %mul3A_845, %get3A_842 : vector<16xi32>
    %swap3A_847 = arith.constant 2 : i32
    %swap3A_848 = arith.index_cast %swap3A_847 : i32 to index
    %swap3A_849 = arith.constant 32 : index
    %swap3A_850 = tpu.vector_load %arg6[%swap3A_848, %swap3A_849] {strides = array<i32>} : memref<4x128xi32, #tpu.memory_space<vmem>>, vector<1x16xi32>,
    %swap3A_851 = vector.shape_cast %swap3A_850 : vector<1x16xi32> to vector<16xi32>
    %swap3A_852 = vector.shape_cast %add3A_846 : vector<16xi32> to vector<1x16xi32>
    tpu.vector_store %arg6[%swap3A_848, %swap3A_849], %swap3A_852 {strides = array<i32>} : memref<4x128xi32, #tpu.memory_space<vmem>>, vector<1x16xi32>,
    %get3A_853 = arith.constant 304 : index
    %get3A_854 = tpu.vector_load %arg4[%get3A_853] {strides = array<i32>} : memref<512xi32, #tpu.memory_space<vmem>>, vector<16xi32>,
    %get3A_855 = vector.shape_cast %get3A_854 : vector<16xi32> to vector<16xi32>
    %get3A_856 = arith.constant 304 : index
    %get3A_857 = tpu.vector_load %arg5[%get3A_856] {strides = array<i32>} : memref<512xi32, #tpu.memory_space<vmem>>, vector<16xi32>,
    %get3A_858 = vector.shape_cast %get3A_857 : vector<16xi32> to vector<16xi32>
    %mul3A_859 = arith.constant 1024 : i32
    %mul3A_860 = vector.broadcast %mul3A_859 : i32 to vector<16xi32>
    %mul3A_861 = arith.muli %get3A_855, %mul3A_860 : vector<16xi32>
    %add3A_862 = arith.addi %mul3A_861, %get3A_858 : vector<16xi32>
    %swap3A_863 = arith.constant 2 : i32
    %swap3A_864 = arith.index_cast %swap3A_863 : i32 to index
    %swap3A_865 = arith.constant 48 : index
    %swap3A_866 = tpu.vector_load %arg6[%swap3A_864, %swap3A_865] {strides = array<i32>} : memref<4x128xi32, #tpu.memory_space<vmem>>, vector<1x16xi32>,
    %swap3A_867 = vector.shape_cast %swap3A_866 : vector<1x16xi32> to vector<16xi32>
    %swap3A_868 = vector.shape_cast %add3A_862 : vector<16xi32> to vector<1x16xi32>
    tpu.vector_store %arg6[%swap3A_864, %swap3A_865], %swap3A_868 {strides = array<i32>} : memref<4x128xi32, #tpu.memory_space<vmem>>, vector<1x16xi32>,
    %get3A_869 = arith.constant 320 : index
    %get3A_870 = tpu.vector_load %arg4[%get3A_869] {strides = array<i32>} : memref<512xi32, #tpu.memory_space<vmem>>, vector<16xi32>,
    %get3A_871 = vector.shape_cast %get3A_870 : vector<16xi32> to vector<16xi32>
    %get3A_872 = arith.constant 320 : index
    %get3A_873 = tpu.vector_load %arg5[%get3A_872] {strides = array<i32>} : memref<512xi32, #tpu.memory_space<vmem>>, vector<16xi32>,
    %get3A_874 = vector.shape_cast %get3A_873 : vector<16xi32> to vector<16xi32>
    %mul3A_875 = arith.constant 1024 : i32
    %mul3A_876 = vector.broadcast %mul3A_875 : i32 to vector<16xi32>
    %mul3A_877 = arith.muli %get3A_871, %mul3A_876 : vector<16xi32>
    %add3A_878 = arith.addi %mul3A_877, %get3A_874 : vector<16xi32>
    %swap3A_879 = arith.constant 2 : i32
    %swap3A_880 = arith.index_cast %swap3A_879 : i32 to index
    %swap3A_881 = arith.constant 64 : index
    %swap3A_882 = tpu.vector_load %arg6[%swap3A_880, %swap3A_881] {strides = array<i32>} : memref<4x128xi32, #tpu.memory_space<vmem>>, vector<1x16xi32>,
    %swap3A_883 = vector.shape_cast %swap3A_882 : vector<1x16xi32> to vector<16xi32>
    %swap3A_884 = vector.shape_cast %add3A_878 : vector<16xi32> to vector<1x16xi32>
    tpu.vector_store %arg6[%swap3A_880, %swap3A_881], %swap3A_884 {strides = array<i32>} : memref<4x128xi32, #tpu.memory_space<vmem>>, vector<1x16xi32>,
    %get3A_885 = arith.constant 336 : index
    %get3A_886 = tpu.vector_load %arg4[%get3A_885] {strides = array<i32>} : memref<512xi32, #tpu.memory_space<vmem>>, vector<16xi32>,
    %get3A_887 = vector.shape_cast %get3A_886 : vector<16xi32> to vector<16xi32>
    %get3A_888 = arith.constant 336 : index
    %get3A_889 = tpu.vector_load %arg5[%get3A_888] {strides = array<i32>} : memref<512xi32, #tpu.memory_space<vmem>>, vector<16xi32>,
    %get3A_890 = vector.shape_cast %get3A_889 : vector<16xi32> to vector<16xi32>
    %mul3A_891 = arith.constant 1024 : i32
    %mul3A_892 = vector.broadcast %mul3A_891 : i32 to vector<16xi32>
    %mul3A_893 = arith.muli %get3A_887, %mul3A_892 : vector<16xi32>
    %add3A_894 = arith.addi %mul3A_893, %get3A_890 : vector<16xi32>
    %swap3A_895 = arith.constant 2 : i32
    %swap3A_896 = arith.index_cast %swap3A_895 : i32 to index
    %swap3A_897 = arith.constant 80 : index
    %swap3A_898 = tpu.vector_load %arg6[%swap3A_896, %swap3A_897] {strides = array<i32>} : memref<4x128xi32, #tpu.memory_space<vmem>>, vector<1x16xi32>,
    %swap3A_899 = vector.shape_cast %swap3A_898 : vector<1x16xi32> to vector<16xi32>
    %swap3A_900 = vector.shape_cast %add3A_894 : vector<16xi32> to vector<1x16xi32>
    tpu.vector_store %arg6[%swap3A_896, %swap3A_897], %swap3A_900 {strides = array<i32>} : memref<4x128xi32, #tpu.memory_space<vmem>>, vector<1x16xi32>,
    %get3A_901 = arith.constant 352 : index
    %get3A_902 = tpu.vector_load %arg4[%get3A_901] {strides = array<i32>} : memref<512xi32, #tpu.memory_space<vmem>>, vector<16xi32>,
    %get3A_903 = vector.shape_cast %get3A_902 : vector<16xi32> to vector<16xi32>
    %get3A_904 = arith.constant 352 : index
    %get3A_905 = tpu.vector_load %arg5[%get3A_904] {strides = array<i32>} : memref<512xi32, #tpu.memory_space<vmem>>, vector<16xi32>,
    %get3A_906 = vector.shape_cast %get3A_905 : vector<16xi32> to vector<16xi32>
    %mul3A_907 = arith.constant 1024 : i32
    %mul3A_908 = vector.broadcast %mul3A_907 : i32 to vector<16xi32>
    %mul3A_909 = arith.muli %get3A_903, %mul3A_908 : vector<16xi32>
    %add3A_910 = arith.addi %mul3A_909, %get3A_906 : vector<16xi32>
    %swap3A_911 = arith.constant 2 : i32
    %swap3A_912 = arith.index_cast %swap3A_911 : i32 to index
    %swap3A_913 = arith.constant 96 : index
    %swap3A_914 = tpu.vector_load %arg6[%swap3A_912, %swap3A_913] {strides = array<i32>} : memref<4x128xi32, #tpu.memory_space<vmem>>, vector<1x16xi32>,
    %swap3A_915 = vector.shape_cast %swap3A_914 : vector<1x16xi32> to vector<16xi32>
    %swap3A_916 = vector.shape_cast %add3A_910 : vector<16xi32> to vector<1x16xi32>
    tpu.vector_store %arg6[%swap3A_912, %swap3A_913], %swap3A_916 {strides = array<i32>} : memref<4x128xi32, #tpu.memory_space<vmem>>, vector<1x16xi32>,
    %get3A_917 = arith.constant 368 : index
    %get3A_918 = tpu.vector_load %arg4[%get3A_917] {strides = array<i32>} : memref<512xi32, #tpu.memory_space<vmem>>, vector<16xi32>,
    %get3A_919 = vector.shape_cast %get3A_918 : vector<16xi32> to vector<16xi32>
    %get3A_920 = arith.constant 368 : index
    %get3A_921 = tpu.vector_load %arg5[%get3A_920] {strides = array<i32>} : memref<512xi32, #tpu.memory_space<vmem>>, vector<16xi32>,
    %get3A_922 = vector.shape_cast %get3A_921 : vector<16xi32> to vector<16xi32>
    %mul3A_923 = arith.constant 1024 : i32
    %mul3A_924 = vector.broadcast %mul3A_923 : i32 to vector<16xi32>
    %mul3A_925 = arith.muli %get3A_919, %mul3A_924 : vector<16xi32>
    %add3A_926 = arith.addi %mul3A_925, %get3A_922 : vector<16xi32>
    %swap3A_927 = arith.constant 2 : i32
    %swap3A_928 = arith.index_cast %swap3A_927 : i32 to index
    %swap3A_929 = arith.constant 112 : index
    %swap3A_930 = tpu.vector_load %arg6[%swap3A_928, %swap3A_929] {strides = array<i32>} : memref<4x128xi32, #tpu.memory_space<vmem>>, vector<1x16xi32>,
    %swap3A_931 = vector.shape_cast %swap3A_930 : vector<1x16xi32> to vector<16xi32>
    %swap3A_932 = vector.shape_cast %add3A_926 : vector<16xi32> to vector<1x16xi32>
    tpu.vector_store %arg6[%swap3A_928, %swap3A_929], %swap3A_932 {strides = array<i32>} : memref<4x128xi32, #tpu.memory_space<vmem>>, vector<1x16xi32>,
    %get3A_933 = arith.constant 384 : index
    %get3A_934 = tpu.vector_load %arg4[%get3A_933] {strides = array<i32>} : memref<512xi32, #tpu.memory_space<vmem>>, vector<16xi32>,
    %get3A_935 = vector.shape_cast %get3A_934 : vector<16xi32> to vector<16xi32>
    %get3A_936 = arith.constant 384 : index
    %get3A_937 = tpu.vector_load %arg5[%get3A_936] {strides = array<i32>} : memref<512xi32, #tpu.memory_space<vmem>>, vector<16xi32>,
    %get3A_938 = vector.shape_cast %get3A_937 : vector<16xi32> to vector<16xi32>
    %mul3A_939 = arith.constant 1024 : i32
    %mul3A_940 = vector.broadcast %mul3A_939 : i32 to vector<16xi32>
    %mul3A_941 = arith.muli %get3A_935, %mul3A_940 : vector<16xi32>
    %add3A_942 = arith.addi %mul3A_941, %get3A_938 : vector<16xi32>
    %swap3A_943 = arith.constant 3 : i32
    %swap3A_944 = arith.index_cast %swap3A_943 : i32 to index
    %swap3A_945 = arith.constant 0 : index
    %swap3A_946 = tpu.vector_load %arg6[%swap3A_944, %swap3A_945] {strides = array<i32>} : memref<4x128xi32, #tpu.memory_space<vmem>>, vector<1x16xi32>,
    %swap3A_947 = vector.shape_cast %swap3A_946 : vector<1x16xi32> to vector<16xi32>
    %swap3A_948 = vector.shape_cast %add3A_942 : vector<16xi32> to vector<1x16xi32>
    tpu.vector_store %arg6[%swap3A_944, %swap3A_945], %swap3A_948 {strides = array<i32>} : memref<4x128xi32, #tpu.memory_space<vmem>>, vector<1x16xi32>,
    %get3A_949 = arith.constant 400 : index
    %get3A_950 = tpu.vector_load %arg4[%get3A_949] {strides = array<i32>} : memref<512xi32, #tpu.memory_space<vmem>>, vector<16xi32>,
    %get3A_951 = vector.shape_cast %get3A_950 : vector<16xi32> to vector<16xi32>
    %get3A_952 = arith.constant 400 : index
    %get3A_953 = tpu.vector_load %arg5[%get3A_952] {strides = array<i32>} : memref<512xi32, #tpu.memory_space<vmem>>, vector<16xi32>,
    %get3A_954 = vector.shape_cast %get3A_953 : vector<16xi32> to vector<16xi32>
    %mul3A_955 = arith.constant 1024 : i32
    %mul3A_956 = vector.broadcast %mul3A_955 : i32 to vector<16xi32>
    %mul3A_957 = arith.muli %get3A_951, %mul3A_956 : vector<16xi32>
    %add3A_958 = arith.addi %mul3A_957, %get3A_954 : vector<16xi32>
    %swap3A_959 = arith.constant 3 : i32
    %swap3A_960 = arith.index_cast %swap3A_959 : i32 to index
    %swap3A_961 = arith.constant 16 : index
    %swap3A_962 = tpu.vector_load %arg6[%swap3A_960, %swap3A_961] {strides = array<i32>} : memref<4x128xi32, #tpu.memory_space<vmem>>, vector<1x16xi32>,
    %swap3A_963 = vector.shape_cast %swap3A_962 : vector<1x16xi32> to vector<16xi32>
    %swap3A_964 = vector.shape_cast %add3A_958 : vector<16xi32> to vector<1x16xi32>
    tpu.vector_store %arg6[%swap3A_960, %swap3A_961], %swap3A_964 {strides = array<i32>} : memref<4x128xi32, #tpu.memory_space<vmem>>, vector<1x16xi32>,
    %get3A_965 = arith.constant 416 : index
    %get3A_966 = tpu.vector_load %arg4[%get3A_965] {strides = array<i32>} : memref<512xi32, #tpu.memory_space<vmem>>, vector<16xi32>,
    %get3A_967 = vector.shape_cast %get3A_966 : vector<16xi32> to vector<16xi32>
    %get3A_968 = arith.constant 416 : index
    %get3A_969 = tpu.vector_load %arg5[%get3A_968] {strides = array<i32>} : memref<512xi32, #tpu.memory_space<vmem>>, vector<16xi32>,
    %get3A_970 = vector.shape_cast %get3A_969 : vector<16xi32> to vector<16xi32>
    %mul3A_971 = arith.constant 1024 : i32
    %mul3A_972 = vector.broadcast %mul3A_971 : i32 to vector<16xi32>
    %mul3A_973 = arith.muli %get3A_967, %mul3A_972 : vector<16xi32>
    %add3A_974 = arith.addi %mul3A_973, %get3A_970 : vector<16xi32>
    %swap3A_975 = arith.constant 3 : i32
    %swap3A_976 = arith.index_cast %swap3A_975 : i32 to index
    %swap3A_977 = arith.constant 32 : index
    %swap3A_978 = tpu.vector_load %arg6[%swap3A_976, %swap3A_977] {strides = array<i32>} : memref<4x128xi32, #tpu.memory_space<vmem>>, vector<1x16xi32>,
    %swap3A_979 = vector.shape_cast %swap3A_978 : vector<1x16xi32> to vector<16xi32>
    %swap3A_980 = vector.shape_cast %add3A_974 : vector<16xi32> to vector<1x16xi32>
    tpu.vector_store %arg6[%swap3A_976, %swap3A_977], %swap3A_980 {strides = array<i32>} : memref<4x128xi32, #tpu.memory_space<vmem>>, vector<1x16xi32>,
    %get3A_981 = arith.constant 432 : index
    %get3A_982 = tpu.vector_load %arg4[%get3A_981] {strides = array<i32>} : memref<512xi32, #tpu.memory_space<vmem>>, vector<16xi32>,
    %get3A_983 = vector.shape_cast %get3A_982 : vector<16xi32> to vector<16xi32>
    %get3A_984 = arith.constant 432 : index
    %get3A_985 = tpu.vector_load %arg5[%get3A_984] {strides = array<i32>} : memref<512xi32, #tpu.memory_space<vmem>>, vector<16xi32>,
    %get3A_986 = vector.shape_cast %get3A_985 : vector<16xi32> to vector<16xi32>
    %mul3A_987 = arith.constant 1024 : i32
    %mul3A_988 = vector.broadcast %mul3A_987 : i32 to vector<16xi32>
    %mul3A_989 = arith.muli %get3A_983, %mul3A_988 : vector<16xi32>
    %add3A_990 = arith.addi %mul3A_989, %get3A_986 : vector<16xi32>
    %swap3A_991 = arith.constant 3 : i32
    %swap3A_992 = arith.index_cast %swap3A_991 : i32 to index
    %swap3A_993 = arith.constant 48 : index
    %swap3A_994 = tpu.vector_load %arg6[%swap3A_992, %swap3A_993] {strides = array<i32>} : memref<4x128xi32, #tpu.memory_space<vmem>>, vector<1x16xi32>,
    %swap3A_995 = vector.shape_cast %swap3A_994 : vector<1x16xi32> to vector<16xi32>
    %swap3A_996 = vector.shape_cast %add3A_990 : vector<16xi32> to vector<1x16xi32>
    tpu.vector_store %arg6[%swap3A_992, %swap3A_993], %swap3A_996 {strides = array<i32>} : memref<4x128xi32, #tpu.memory_space<vmem>>, vector<1x16xi32>,
    %get3A_997 = arith.constant 448 : index
    %get3A_998 = tpu.vector_load %arg4[%get3A_997] {strides = array<i32>} : memref<512xi32, #tpu.memory_space<vmem>>, vector<16xi32>,
    %get3A_999 = vector.shape_cast %get3A_998 : vector<16xi32> to vector<16xi32>
    %get3A_1000 = arith.constant 448 : index
    %get3A_1001 = tpu.vector_load %arg5[%get3A_1000] {strides = array<i32>} : memref<512xi32, #tpu.memory_space<vmem>>, vector<16xi32>,
    %get3A_1002 = vector.shape_cast %get3A_1001 : vector<16xi32> to vector<16xi32>
    %mul3A_1003 = arith.constant 1024 : i32
    %mul3A_1004 = vector.broadcast %mul3A_1003 : i32 to vector<16xi32>
    %mul3A_1005 = arith.muli %get3A_999, %mul3A_1004 : vector<16xi32>
    %add3A_1006 = arith.addi %mul3A_1005, %get3A_1002 : vector<16xi32>
    %swap3A_1007 = arith.constant 3 : i32
    %swap3A_1008 = arith.index_cast %swap3A_1007 : i32 to index
    %swap3A_1009 = arith.constant 64 : index
    %swap3A_1010 = tpu.vector_load %arg6[%swap3A_1008, %swap3A_1009] {strides = array<i32>} : memref<4x128xi32, #tpu.memory_space<vmem>>, vector<1x16xi32>,
    %swap3A_1011 = vector.shape_cast %swap3A_1010 : vector<1x16xi32> to vector<16xi32>
    %swap3A_1012 = vector.shape_cast %add3A_1006 : vector<16xi32> to vector<1x16xi32>
    tpu.vector_store %arg6[%swap3A_1008, %swap3A_1009], %swap3A_1012 {strides = array<i32>} : memref<4x128xi32, #tpu.memory_space<vmem>>, vector<1x16xi32>,
    %get3A_1013 = arith.constant 464 : index
    %get3A_1014 = tpu.vector_load %arg4[%get3A_1013] {strides = array<i32>} : memref<512xi32, #tpu.memory_space<vmem>>, vector<16xi32>,
    %get3A_1015 = vector.shape_cast %get3A_1014 : vector<16xi32> to vector<16xi32>
    %get3A_1016 = arith.constant 464 : index
    %get3A_1017 = tpu.vector_load %arg5[%get3A_1016] {strides = array<i32>} : memref<512xi32, #tpu.memory_space<vmem>>, vector<16xi32>,
    %get3A_1018 = vector.shape_cast %get3A_1017 : vector<16xi32> to vector<16xi32>
    %mul3A_1019 = arith.constant 1024 : i32
    %mul3A_1020 = vector.broadcast %mul3A_1019 : i32 to vector<16xi32>
    %mul3A_1021 = arith.muli %get3A_1015, %mul3A_1020 : vector<16xi32>
    %add3A_1022 = arith.addi %mul3A_1021, %get3A_1018 : vector<16xi32>
    %swap3A_1023 = arith.constant 3 : i32
    %swap3A_1024 = arith.index_cast %swap3A_1023 : i32 to index
    %swap3A_1025 = arith.constant 80 : index
    %swap3A_1026 = tpu.vector_load %arg6[%swap3A_1024, %swap3A_1025] {strides = array<i32>} : memref<4x128xi32, #tpu.memory_space<vmem>>, vector<1x16xi32>,
    %swap3A_1027 = vector.shape_cast %swap3A_1026 : vector<1x16xi32> to vector<16xi32>
    %swap3A_1028 = vector.shape_cast %add3A_1022 : vector<16xi32> to vector<1x16xi32>
    tpu.vector_store %arg6[%swap3A_1024, %swap3A_1025], %swap3A_1028 {strides = array<i32>} : memref<4x128xi32, #tpu.memory_space<vmem>>, vector<1x16xi32>,
    %get3A_1029 = arith.constant 480 : index
    %get3A_1030 = tpu.vector_load %arg4[%get3A_1029] {strides = array<i32>} : memref<512xi32, #tpu.memory_space<vmem>>, vector<16xi32>,
    %get3A_1031 = vector.shape_cast %get3A_1030 : vector<16xi32> to vector<16xi32>
    %get3A_1032 = arith.constant 480 : index
    %get3A_1033 = tpu.vector_load %arg5[%get3A_1032] {strides = array<i32>} : memref<512xi32, #tpu.memory_space<vmem>>, vector<16xi32>,
    %get3A_1034 = vector.shape_cast %get3A_1033 : vector<16xi32> to vector<16xi32>
    %mul3A_1035 = arith.constant 1024 : i32
    %mul3A_1036 = vector.broadcast %mul3A_1035 : i32 to vector<16xi32>
    %mul3A_1037 = arith.muli %get3A_1031, %mul3A_1036 : vector<16xi32>
    %add3A_1038 = arith.addi %mul3A_1037, %get3A_1034 : vector<16xi32>
    %swap3A_1039 = arith.constant 3 : i32
    %swap3A_1040 = arith.index_cast %swap3A_1039 : i32 to index
    %swap3A_1041 = arith.constant 96 : index
    %swap3A_1042 = tpu.vector_load %arg6[%swap3A_1040, %swap3A_1041] {strides = array<i32>} : memref<4x128xi32, #tpu.memory_space<vmem>>, vector<1x16xi32>,
    %swap3A_1043 = vector.shape_cast %swap3A_1042 : vector<1x16xi32> to vector<16xi32>
    %swap3A_1044 = vector.shape_cast %add3A_1038 : vector<16xi32> to vector<1x16xi32>
    tpu.vector_store %arg6[%swap3A_1040, %swap3A_1041], %swap3A_1044 {strides = array<i32>} : memref<4x128xi32, #tpu.memory_space<vmem>>, vector<1x16xi32>,
    %get3A_1045 = arith.constant 496 : index
    %get3A_1046 = tpu.vector_load %arg4[%get3A_1045] {strides = array<i32>} : memref<512xi32, #tpu.memory_space<vmem>>, vector<16xi32>,
    %get3A_1047 = vector.shape_cast %get3A_1046 : vector<16xi32> to vector<16xi32>
    %get3A_1048 = arith.constant 496 : index
    %get3A_1049 = tpu.vector_load %arg5[%get3A_1048] {strides = array<i32>} : memref<512xi32, #tpu.memory_space<vmem>>, vector<16xi32>,
    %get3A_1050 = vector.shape_cast %get3A_1049 : vector<16xi32> to vector<16xi32>
    %mul3A_1051 = arith.constant 1024 : i32
    %mul3A_1052 = vector.broadcast %mul3A_1051 : i32 to vector<16xi32>
    %mul3A_1053 = arith.muli %get3A_1047, %mul3A_1052 : vector<16xi32>
    %add3A_1054 = arith.addi %mul3A_1053, %get3A_1050 : vector<16xi32>
    %swap3A_1055 = arith.constant 3 : i32
    %swap3A_1056 = arith.index_cast %swap3A_1055 : i32 to index
    %swap3A_1057 = arith.constant 112 : index
    %swap3A_1058 = tpu.vector_load %arg6[%swap3A_1056, %swap3A_1057] {strides = array<i32>} : memref<4x128xi32, #tpu.memory_space<vmem>>, vector<1x16xi32>,
    %swap3A_1059 = vector.shape_cast %swap3A_1058 : vector<1x16xi32> to vector<16xi32>
    %swap3A_1060 = vector.shape_cast %add3A_1054 : vector<16xi32> to vector<1x16xi32>
    tpu.vector_store %arg6[%swap3A_1056, %swap3A_1057], %swap3A_1060 {strides = array<i32>} : memref<4x128xi32, #tpu.memory_space<vmem>>, vector<1x16xi32>,
    %mul3A_1061 = arith.constant 65536 : i32
    %mul3A_1062 = arith.muli %arg1, %mul3A_1061 : i32
    %add3A_1063 = arith.constant 0 : i32
    %add3A_1064 = arith.addi %mul3A_1062, %add3A_1063 : i32
    "tpu.region"() ({
      %run_scoped3A_1132 = tpu.sem_alloc : memref<!tpu.dma_semaphore, #tpu.memory_space<semaphore_mem>>
      %dma_start3A = tpu.memref_slice %arg9[%add3A_1064] : memref<1048576xf32, #tpu.memory_space<vmem_shared>> -> memref<2048xf32, #tpu.memory_space<vmem_shared>>
      %dma_start3A_1133 = tpu.memref_slice %arg9[%add3A_1064] : memref<1048576xf32, #tpu.memory_space<vmem_shared>> -> memref<2048xf32, #tpu.memory_space<vmem_shared>>
      tpu.enqueue_dma source(%arg8 : memref<2048xf32, #tpu.memory_space<vmem>>) target(%dma_start3A_1133 : memref<2048xf32, #tpu.memory_space<vmem_shared>>) target_semaphore(%run_scoped3A_1132 : memref<!tpu.dma_semaphore, #tpu.memory_space<semaphore_mem>>)
      %dma_wait3A = tpu.memref_slice %arg9[%add3A_1064] : memref<1048576xf32, #tpu.memory_space<vmem_shared>> -> memref<2048xf32, #tpu.memory_space<vmem_shared>>
      %dma_wait3A_1134 = tpu.memref_slice %arg9[%add3A_1064] : memref<1048576xf32, #tpu.memory_space<vmem_shared>> -> memref<2048xf32, #tpu.memory_space<vmem_shared>>
      tpu.wait_dma2 semaphore(%run_scoped3A_1132 : memref<!tpu.dma_semaphore, #tpu.memory_space<semaphore_mem>>) src(%arg8 : memref<2048xf32, #tpu.memory_space<vmem>>) dst(%dma_wait3A_1134 : memref<2048xf32, #tpu.memory_space<vmem_shared>>)
      tpu.yield
    }) : () -> ()
    %add3A_1065 = arith.constant 2048 : i32
    %add3A_1066 = arith.addi %mul3A_1062, %add3A_1065 : i32
    "tpu.region"() ({
      %run_scoped3A_1132 = tpu.sem_alloc : memref<!tpu.dma_semaphore, #tpu.memory_space<semaphore_mem>>
      %dma_start3A = tpu.memref_slice %arg9[%add3A_1066] : memref<1048576xf32, #tpu.memory_space<vmem_shared>> -> memref<2048xf32, #tpu.memory_space<vmem_shared>>
      %dma_start3A_1133 = tpu.memref_slice %arg9[%add3A_1066] : memref<1048576xf32, #tpu.memory_space<vmem_shared>> -> memref<2048xf32, #tpu.memory_space<vmem_shared>>
      tpu.enqueue_dma source(%arg8 : memref<2048xf32, #tpu.memory_space<vmem>>) target(%dma_start3A_1133 : memref<2048xf32, #tpu.memory_space<vmem_shared>>) target_semaphore(%run_scoped3A_1132 : memref<!tpu.dma_semaphore, #tpu.memory_space<semaphore_mem>>)
      %dma_wait3A = tpu.memref_slice %arg9[%add3A_1066] : memref<1048576xf32, #tpu.memory_space<vmem_shared>> -> memref<2048xf32, #tpu.memory_space<vmem_shared>>
      %dma_wait3A_1134 = tpu.memref_slice %arg9[%add3A_1066] : memref<1048576xf32, #tpu.memory_space<vmem_shared>> -> memref<2048xf32, #tpu.memory_space<vmem_shared>>
      tpu.wait_dma2 semaphore(%run_scoped3A_1132 : memref<!tpu.dma_semaphore, #tpu.memory_space<semaphore_mem>>) src(%arg8 : memref<2048xf32, #tpu.memory_space<vmem>>) dst(%dma_wait3A_1134 : memref<2048xf32, #tpu.memory_space<vmem_shared>>)
      tpu.yield
    }) : () -> ()
    %add3A_1067 = arith.constant 4096 : i32
    %add3A_1068 = arith.addi %mul3A_1062, %add3A_1067 : i32
    "tpu.region"() ({
      %run_scoped3A_1132 = tpu.sem_alloc : memref<!tpu.dma_semaphore, #tpu.memory_space<semaphore_mem>>
      %dma_start3A = tpu.memref_slice %arg9[%add3A_1068] : memref<1048576xf32, #tpu.memory_space<vmem_shared>> -> memref<2048xf32, #tpu.memory_space<vmem_shared>>
      %dma_start3A_1133 = tpu.memref_slice %arg9[%add3A_1068] : memref<1048576xf32, #tpu.memory_space<vmem_shared>> -> memref<2048xf32, #tpu.memory_space<vmem_shared>>
      tpu.enqueue_dma source(%arg8 : memref<2048xf32, #tpu.memory_space<vmem>>) target(%dma_start3A_1133 : memref<2048xf32, #tpu.memory_space<vmem_shared>>) target_semaphore(%run_scoped3A_1132 : memref<!tpu.dma_semaphore, #tpu.memory_space<semaphore_mem>>)
      %dma_wait3A = tpu.memref_slice %arg9[%add3A_1068] : memref<1048576xf32, #tpu.memory_space<vmem_shared>> -> memref<2048xf32, #tpu.memory_space<vmem_shared>>
      %dma_wait3A_1134 = tpu.memref_slice %arg9[%add3A_1068] : memref<1048576xf32, #tpu.memory_space<vmem_shared>> -> memref<2048xf32, #tpu.memory_space<vmem_shared>>
      tpu.wait_dma2 semaphore(%run_scoped3A_1132 : memref<!tpu.dma_semaphore, #tpu.memory_space<semaphore_mem>>) src(%arg8 : memref<2048xf32, #tpu.memory_space<vmem>>) dst(%dma_wait3A_1134 : memref<2048xf32, #tpu.memory_space<vmem_shared>>)
      tpu.yield
    }) : () -> ()
    %add3A_1069 = arith.constant 6144 : i32
    %add3A_1070 = arith.addi %mul3A_1062, %add3A_1069 : i32
    "tpu.region"() ({
      %run_scoped3A_1132 = tpu.sem_alloc : memref<!tpu.dma_semaphore, #tpu.memory_space<semaphore_mem>>
      %dma_start3A = tpu.memref_slice %arg9[%add3A_1070] : memref<1048576xf32, #tpu.memory_space<vmem_shared>> -> memref<2048xf32, #tpu.memory_space<vmem_shared>>
      %dma_start3A_1133 = tpu.memref_slice %arg9[%add3A_1070] : memref<1048576xf32, #tpu.memory_space<vmem_shared>> -> memref<2048xf32, #tpu.memory_space<vmem_shared>>
      tpu.enqueue_dma source(%arg8 : memref<2048xf32, #tpu.memory_space<vmem>>) target(%dma_start3A_1133 : memref<2048xf32, #tpu.memory_space<vmem_shared>>) target_semaphore(%run_scoped3A_1132 : memref<!tpu.dma_semaphore, #tpu.memory_space<semaphore_mem>>)
      %dma_wait3A = tpu.memref_slice %arg9[%add3A_1070] : memref<1048576xf32, #tpu.memory_space<vmem_shared>> -> memref<2048xf32, #tpu.memory_space<vmem_shared>>
      %dma_wait3A_1134 = tpu.memref_slice %arg9[%add3A_1070] : memref<1048576xf32, #tpu.memory_space<vmem_shared>> -> memref<2048xf32, #tpu.memory_space<vmem_shared>>
      tpu.wait_dma2 semaphore(%run_scoped3A_1132 : memref<!tpu.dma_semaphore, #tpu.memory_space<semaphore_mem>>) src(%arg8 : memref<2048xf32, #tpu.memory_space<vmem>>) dst(%dma_wait3A_1134 : memref<2048xf32, #tpu.memory_space<vmem_shared>>)
      tpu.yield
    }) : () -> ()
    %add3A_1071 = arith.constant 8192 : i32
    %add3A_1072 = arith.addi %mul3A_1062, %add3A_1071 : i32
    "tpu.region"() ({
      %run_scoped3A_1132 = tpu.sem_alloc : memref<!tpu.dma_semaphore, #tpu.memory_space<semaphore_mem>>
      %dma_start3A = tpu.memref_slice %arg9[%add3A_1072] : memref<1048576xf32, #tpu.memory_space<vmem_shared>> -> memref<2048xf32, #tpu.memory_space<vmem_shared>>
      %dma_start3A_1133 = tpu.memref_slice %arg9[%add3A_1072] : memref<1048576xf32, #tpu.memory_space<vmem_shared>> -> memref<2048xf32, #tpu.memory_space<vmem_shared>>
      tpu.enqueue_dma source(%arg8 : memref<2048xf32, #tpu.memory_space<vmem>>) target(%dma_start3A_1133 : memref<2048xf32, #tpu.memory_space<vmem_shared>>) target_semaphore(%run_scoped3A_1132 : memref<!tpu.dma_semaphore, #tpu.memory_space<semaphore_mem>>)
      %dma_wait3A = tpu.memref_slice %arg9[%add3A_1072] : memref<1048576xf32, #tpu.memory_space<vmem_shared>> -> memref<2048xf32, #tpu.memory_space<vmem_shared>>
      %dma_wait3A_1134 = tpu.memref_slice %arg9[%add3A_1072] : memref<1048576xf32, #tpu.memory_space<vmem_shared>> -> memref<2048xf32, #tpu.memory_space<vmem_shared>>
      tpu.wait_dma2 semaphore(%run_scoped3A_1132 : memref<!tpu.dma_semaphore, #tpu.memory_space<semaphore_mem>>) src(%arg8 : memref<2048xf32, #tpu.memory_space<vmem>>) dst(%dma_wait3A_1134 : memref<2048xf32, #tpu.memory_space<vmem_shared>>)
      tpu.yield
    }) : () -> ()
    %add3A_1073 = arith.constant 10240 : i32
    %add3A_1074 = arith.addi %mul3A_1062, %add3A_1073 : i32
    "tpu.region"() ({
      %run_scoped3A_1132 = tpu.sem_alloc : memref<!tpu.dma_semaphore, #tpu.memory_space<semaphore_mem>>
      %dma_start3A = tpu.memref_slice %arg9[%add3A_1074] : memref<1048576xf32, #tpu.memory_space<vmem_shared>> -> memref<2048xf32, #tpu.memory_space<vmem_shared>>
      %dma_start3A_1133 = tpu.memref_slice %arg9[%add3A_1074] : memref<1048576xf32, #tpu.memory_space<vmem_shared>> -> memref<2048xf32, #tpu.memory_space<vmem_shared>>
      tpu.enqueue_dma source(%arg8 : memref<2048xf32, #tpu.memory_space<vmem>>) target(%dma_start3A_1133 : memref<2048xf32, #tpu.memory_space<vmem_shared>>) target_semaphore(%run_scoped3A_1132 : memref<!tpu.dma_semaphore, #tpu.memory_space<semaphore_mem>>)
      %dma_wait3A = tpu.memref_slice %arg9[%add3A_1074] : memref<1048576xf32, #tpu.memory_space<vmem_shared>> -> memref<2048xf32, #tpu.memory_space<vmem_shared>>
      %dma_wait3A_1134 = tpu.memref_slice %arg9[%add3A_1074] : memref<1048576xf32, #tpu.memory_space<vmem_shared>> -> memref<2048xf32, #tpu.memory_space<vmem_shared>>
      tpu.wait_dma2 semaphore(%run_scoped3A_1132 : memref<!tpu.dma_semaphore, #tpu.memory_space<semaphore_mem>>) src(%arg8 : memref<2048xf32, #tpu.memory_space<vmem>>) dst(%dma_wait3A_1134 : memref<2048xf32, #tpu.memory_space<vmem_shared>>)
      tpu.yield
    }) : () -> ()
    %add3A_1075 = arith.constant 12288 : i32
    %add3A_1076 = arith.addi %mul3A_1062, %add3A_1075 : i32
    "tpu.region"() ({
      %run_scoped3A_1132 = tpu.sem_alloc : memref<!tpu.dma_semaphore, #tpu.memory_space<semaphore_mem>>
      %dma_start3A = tpu.memref_slice %arg9[%add3A_1076] : memref<1048576xf32, #tpu.memory_space<vmem_shared>> -> memref<2048xf32, #tpu.memory_space<vmem_shared>>
      %dma_start3A_1133 = tpu.memref_slice %arg9[%add3A_1076] : memref<1048576xf32, #tpu.memory_space<vmem_shared>> -> memref<2048xf32, #tpu.memory_space<vmem_shared>>
      tpu.enqueue_dma source(%arg8 : memref<2048xf32, #tpu.memory_space<vmem>>) target(%dma_start3A_1133 : memref<2048xf32, #tpu.memory_space<vmem_shared>>) target_semaphore(%run_scoped3A_1132 : memref<!tpu.dma_semaphore, #tpu.memory_space<semaphore_mem>>)
      %dma_wait3A = tpu.memref_slice %arg9[%add3A_1076] : memref<1048576xf32, #tpu.memory_space<vmem_shared>> -> memref<2048xf32, #tpu.memory_space<vmem_shared>>
      %dma_wait3A_1134 = tpu.memref_slice %arg9[%add3A_1076] : memref<1048576xf32, #tpu.memory_space<vmem_shared>> -> memref<2048xf32, #tpu.memory_space<vmem_shared>>
      tpu.wait_dma2 semaphore(%run_scoped3A_1132 : memref<!tpu.dma_semaphore, #tpu.memory_space<semaphore_mem>>) src(%arg8 : memref<2048xf32, #tpu.memory_space<vmem>>) dst(%dma_wait3A_1134 : memref<2048xf32, #tpu.memory_space<vmem_shared>>)
      tpu.yield
    }) : () -> ()
    %add3A_1077 = arith.constant 14336 : i32
    %add3A_1078 = arith.addi %mul3A_1062, %add3A_1077 : i32
    "tpu.region"() ({
      %run_scoped3A_1132 = tpu.sem_alloc : memref<!tpu.dma_semaphore, #tpu.memory_space<semaphore_mem>>
      %dma_start3A = tpu.memref_slice %arg9[%add3A_1078] : memref<1048576xf32, #tpu.memory_space<vmem_shared>> -> memref<2048xf32, #tpu.memory_space<vmem_shared>>
      %dma_start3A_1133 = tpu.memref_slice %arg9[%add3A_1078] : memref<1048576xf32, #tpu.memory_space<vmem_shared>> -> memref<2048xf32, #tpu.memory_space<vmem_shared>>
      tpu.enqueue_dma source(%arg8 : memref<2048xf32, #tpu.memory_space<vmem>>) target(%dma_start3A_1133 : memref<2048xf32, #tpu.memory_space<vmem_shared>>) target_semaphore(%run_scoped3A_1132 : memref<!tpu.dma_semaphore, #tpu.memory_space<semaphore_mem>>)
      %dma_wait3A = tpu.memref_slice %arg9[%add3A_1078] : memref<1048576xf32, #tpu.memory_space<vmem_shared>> -> memref<2048xf32, #tpu.memory_space<vmem_shared>>
      %dma_wait3A_1134 = tpu.memref_slice %arg9[%add3A_1078] : memref<1048576xf32, #tpu.memory_space<vmem_shared>> -> memref<2048xf32, #tpu.memory_space<vmem_shared>>
      tpu.wait_dma2 semaphore(%run_scoped3A_1132 : memref<!tpu.dma_semaphore, #tpu.memory_space<semaphore_mem>>) src(%arg8 : memref<2048xf32, #tpu.memory_space<vmem>>) dst(%dma_wait3A_1134 : memref<2048xf32, #tpu.memory_space<vmem_shared>>)
      tpu.yield
    }) : () -> ()
    %add3A_1079 = arith.constant 16384 : i32
    %add3A_1080 = arith.addi %mul3A_1062, %add3A_1079 : i32
    "tpu.region"() ({
      %run_scoped3A_1132 = tpu.sem_alloc : memref<!tpu.dma_semaphore, #tpu.memory_space<semaphore_mem>>
      %dma_start3A = tpu.memref_slice %arg9[%add3A_1080] : memref<1048576xf32, #tpu.memory_space<vmem_shared>> -> memref<2048xf32, #tpu.memory_space<vmem_shared>>
      %dma_start3A_1133 = tpu.memref_slice %arg9[%add3A_1080] : memref<1048576xf32, #tpu.memory_space<vmem_shared>> -> memref<2048xf32, #tpu.memory_space<vmem_shared>>
      tpu.enqueue_dma source(%arg8 : memref<2048xf32, #tpu.memory_space<vmem>>) target(%dma_start3A_1133 : memref<2048xf32, #tpu.memory_space<vmem_shared>>) target_semaphore(%run_scoped3A_1132 : memref<!tpu.dma_semaphore, #tpu.memory_space<semaphore_mem>>)
      %dma_wait3A = tpu.memref_slice %arg9[%add3A_1080] : memref<1048576xf32, #tpu.memory_space<vmem_shared>> -> memref<2048xf32, #tpu.memory_space<vmem_shared>>
      %dma_wait3A_1134 = tpu.memref_slice %arg9[%add3A_1080] : memref<1048576xf32, #tpu.memory_space<vmem_shared>> -> memref<2048xf32, #tpu.memory_space<vmem_shared>>
      tpu.wait_dma2 semaphore(%run_scoped3A_1132 : memref<!tpu.dma_semaphore, #tpu.memory_space<semaphore_mem>>) src(%arg8 : memref<2048xf32, #tpu.memory_space<vmem>>) dst(%dma_wait3A_1134 : memref<2048xf32, #tpu.memory_space<vmem_shared>>)
      tpu.yield
    }) : () -> ()
    %add3A_1081 = arith.constant 18432 : i32
    %add3A_1082 = arith.addi %mul3A_1062, %add3A_1081 : i32
    "tpu.region"() ({
      %run_scoped3A_1132 = tpu.sem_alloc : memref<!tpu.dma_semaphore, #tpu.memory_space<semaphore_mem>>
      %dma_start3A = tpu.memref_slice %arg9[%add3A_1082] : memref<1048576xf32, #tpu.memory_space<vmem_shared>> -> memref<2048xf32, #tpu.memory_space<vmem_shared>>
      %dma_start3A_1133 = tpu.memref_slice %arg9[%add3A_1082] : memref<1048576xf32, #tpu.memory_space<vmem_shared>> -> memref<2048xf32, #tpu.memory_space<vmem_shared>>
      tpu.enqueue_dma source(%arg8 : memref<2048xf32, #tpu.memory_space<vmem>>) target(%dma_start3A_1133 : memref<2048xf32, #tpu.memory_space<vmem_shared>>) target_semaphore(%run_scoped3A_1132 : memref<!tpu.dma_semaphore, #tpu.memory_space<semaphore_mem>>)
      %dma_wait3A = tpu.memref_slice %arg9[%add3A_1082] : memref<1048576xf32, #tpu.memory_space<vmem_shared>> -> memref<2048xf32, #tpu.memory_space<vmem_shared>>
      %dma_wait3A_1134 = tpu.memref_slice %arg9[%add3A_1082] : memref<1048576xf32, #tpu.memory_space<vmem_shared>> -> memref<2048xf32, #tpu.memory_space<vmem_shared>>
      tpu.wait_dma2 semaphore(%run_scoped3A_1132 : memref<!tpu.dma_semaphore, #tpu.memory_space<semaphore_mem>>) src(%arg8 : memref<2048xf32, #tpu.memory_space<vmem>>) dst(%dma_wait3A_1134 : memref<2048xf32, #tpu.memory_space<vmem_shared>>)
      tpu.yield
    }) : () -> ()
    %add3A_1083 = arith.constant 20480 : i32
    %add3A_1084 = arith.addi %mul3A_1062, %add3A_1083 : i32
    "tpu.region"() ({
      %run_scoped3A_1132 = tpu.sem_alloc : memref<!tpu.dma_semaphore, #tpu.memory_space<semaphore_mem>>
      %dma_start3A = tpu.memref_slice %arg9[%add3A_1084] : memref<1048576xf32, #tpu.memory_space<vmem_shared>> -> memref<2048xf32, #tpu.memory_space<vmem_shared>>
      %dma_start3A_1133 = tpu.memref_slice %arg9[%add3A_1084] : memref<1048576xf32, #tpu.memory_space<vmem_shared>> -> memref<2048xf32, #tpu.memory_space<vmem_shared>>
      tpu.enqueue_dma source(%arg8 : memref<2048xf32, #tpu.memory_space<vmem>>) target(%dma_start3A_1133 : memref<2048xf32, #tpu.memory_space<vmem_shared>>) target_semaphore(%run_scoped3A_1132 : memref<!tpu.dma_semaphore, #tpu.memory_space<semaphore_mem>>)
      %dma_wait3A = tpu.memref_slice %arg9[%add3A_1084] : memref<1048576xf32, #tpu.memory_space<vmem_shared>> -> memref<2048xf32, #tpu.memory_space<vmem_shared>>
      %dma_wait3A_1134 = tpu.memref_slice %arg9[%add3A_1084] : memref<1048576xf32, #tpu.memory_space<vmem_shared>> -> memref<2048xf32, #tpu.memory_space<vmem_shared>>
      tpu.wait_dma2 semaphore(%run_scoped3A_1132 : memref<!tpu.dma_semaphore, #tpu.memory_space<semaphore_mem>>) src(%arg8 : memref<2048xf32, #tpu.memory_space<vmem>>) dst(%dma_wait3A_1134 : memref<2048xf32, #tpu.memory_space<vmem_shared>>)
      tpu.yield
    }) : () -> ()
    %add3A_1085 = arith.constant 22528 : i32
    %add3A_1086 = arith.addi %mul3A_1062, %add3A_1085 : i32
    "tpu.region"() ({
      %run_scoped3A_1132 = tpu.sem_alloc : memref<!tpu.dma_semaphore, #tpu.memory_space<semaphore_mem>>
      %dma_start3A = tpu.memref_slice %arg9[%add3A_1086] : memref<1048576xf32, #tpu.memory_space<vmem_shared>> -> memref<2048xf32, #tpu.memory_space<vmem_shared>>
      %dma_start3A_1133 = tpu.memref_slice %arg9[%add3A_1086] : memref<1048576xf32, #tpu.memory_space<vmem_shared>> -> memref<2048xf32, #tpu.memory_space<vmem_shared>>
      tpu.enqueue_dma source(%arg8 : memref<2048xf32, #tpu.memory_space<vmem>>) target(%dma_start3A_1133 : memref<2048xf32, #tpu.memory_space<vmem_shared>>) target_semaphore(%run_scoped3A_1132 : memref<!tpu.dma_semaphore, #tpu.memory_space<semaphore_mem>>)
      %dma_wait3A = tpu.memref_slice %arg9[%add3A_1086] : memref<1048576xf32, #tpu.memory_space<vmem_shared>> -> memref<2048xf32, #tpu.memory_space<vmem_shared>>
      %dma_wait3A_1134 = tpu.memref_slice %arg9[%add3A_1086] : memref<1048576xf32, #tpu.memory_space<vmem_shared>> -> memref<2048xf32, #tpu.memory_space<vmem_shared>>
      tpu.wait_dma2 semaphore(%run_scoped3A_1132 : memref<!tpu.dma_semaphore, #tpu.memory_space<semaphore_mem>>) src(%arg8 : memref<2048xf32, #tpu.memory_space<vmem>>) dst(%dma_wait3A_1134 : memref<2048xf32, #tpu.memory_space<vmem_shared>>)
      tpu.yield
    }) : () -> ()
    %add3A_1087 = arith.constant 24576 : i32
    %add3A_1088 = arith.addi %mul3A_1062, %add3A_1087 : i32
    "tpu.region"() ({
      %run_scoped3A_1132 = tpu.sem_alloc : memref<!tpu.dma_semaphore, #tpu.memory_space<semaphore_mem>>
      %dma_start3A = tpu.memref_slice %arg9[%add3A_1088] : memref<1048576xf32, #tpu.memory_space<vmem_shared>> -> memref<2048xf32, #tpu.memory_space<vmem_shared>>
      %dma_start3A_1133 = tpu.memref_slice %arg9[%add3A_1088] : memref<1048576xf32, #tpu.memory_space<vmem_shared>> -> memref<2048xf32, #tpu.memory_space<vmem_shared>>
      tpu.enqueue_dma source(%arg8 : memref<2048xf32, #tpu.memory_space<vmem>>) target(%dma_start3A_1133 : memref<2048xf32, #tpu.memory_space<vmem_shared>>) target_semaphore(%run_scoped3A_1132 : memref<!tpu.dma_semaphore, #tpu.memory_space<semaphore_mem>>)
      %dma_wait3A = tpu.memref_slice %arg9[%add3A_1088] : memref<1048576xf32, #tpu.memory_space<vmem_shared>> -> memref<2048xf32, #tpu.memory_space<vmem_shared>>
      %dma_wait3A_1134 = tpu.memref_slice %arg9[%add3A_1088] : memref<1048576xf32, #tpu.memory_space<vmem_shared>> -> memref<2048xf32, #tpu.memory_space<vmem_shared>>
      tpu.wait_dma2 semaphore(%run_scoped3A_1132 : memref<!tpu.dma_semaphore, #tpu.memory_space<semaphore_mem>>) src(%arg8 : memref<2048xf32, #tpu.memory_space<vmem>>) dst(%dma_wait3A_1134 : memref<2048xf32, #tpu.memory_space<vmem_shared>>)
      tpu.yield
    }) : () -> ()
    %add3A_1089 = arith.constant 26624 : i32
    %add3A_1090 = arith.addi %mul3A_1062, %add3A_1089 : i32
    "tpu.region"() ({
      %run_scoped3A_1132 = tpu.sem_alloc : memref<!tpu.dma_semaphore, #tpu.memory_space<semaphore_mem>>
      %dma_start3A = tpu.memref_slice %arg9[%add3A_1090] : memref<1048576xf32, #tpu.memory_space<vmem_shared>> -> memref<2048xf32, #tpu.memory_space<vmem_shared>>
      %dma_start3A_1133 = tpu.memref_slice %arg9[%add3A_1090] : memref<1048576xf32, #tpu.memory_space<vmem_shared>> -> memref<2048xf32, #tpu.memory_space<vmem_shared>>
      tpu.enqueue_dma source(%arg8 : memref<2048xf32, #tpu.memory_space<vmem>>) target(%dma_start3A_1133 : memref<2048xf32, #tpu.memory_space<vmem_shared>>) target_semaphore(%run_scoped3A_1132 : memref<!tpu.dma_semaphore, #tpu.memory_space<semaphore_mem>>)
      %dma_wait3A = tpu.memref_slice %arg9[%add3A_1090] : memref<1048576xf32, #tpu.memory_space<vmem_shared>> -> memref<2048xf32, #tpu.memory_space<vmem_shared>>
      %dma_wait3A_1134 = tpu.memref_slice %arg9[%add3A_1090] : memref<1048576xf32, #tpu.memory_space<vmem_shared>> -> memref<2048xf32, #tpu.memory_space<vmem_shared>>
      tpu.wait_dma2 semaphore(%run_scoped3A_1132 : memref<!tpu.dma_semaphore, #tpu.memory_space<semaphore_mem>>) src(%arg8 : memref<2048xf32, #tpu.memory_space<vmem>>) dst(%dma_wait3A_1134 : memref<2048xf32, #tpu.memory_space<vmem_shared>>)
      tpu.yield
    }) : () -> ()
    %add3A_1091 = arith.constant 28672 : i32
    %add3A_1092 = arith.addi %mul3A_1062, %add3A_1091 : i32
    "tpu.region"() ({
      %run_scoped3A_1132 = tpu.sem_alloc : memref<!tpu.dma_semaphore, #tpu.memory_space<semaphore_mem>>
      %dma_start3A = tpu.memref_slice %arg9[%add3A_1092] : memref<1048576xf32, #tpu.memory_space<vmem_shared>> -> memref<2048xf32, #tpu.memory_space<vmem_shared>>
      %dma_start3A_1133 = tpu.memref_slice %arg9[%add3A_1092] : memref<1048576xf32, #tpu.memory_space<vmem_shared>> -> memref<2048xf32, #tpu.memory_space<vmem_shared>>
      tpu.enqueue_dma source(%arg8 : memref<2048xf32, #tpu.memory_space<vmem>>) target(%dma_start3A_1133 : memref<2048xf32, #tpu.memory_space<vmem_shared>>) target_semaphore(%run_scoped3A_1132 : memref<!tpu.dma_semaphore, #tpu.memory_space<semaphore_mem>>)
      %dma_wait3A = tpu.memref_slice %arg9[%add3A_1092] : memref<1048576xf32, #tpu.memory_space<vmem_shared>> -> memref<2048xf32, #tpu.memory_space<vmem_shared>>
      %dma_wait3A_1134 = tpu.memref_slice %arg9[%add3A_1092] : memref<1048576xf32, #tpu.memory_space<vmem_shared>> -> memref<2048xf32, #tpu.memory_space<vmem_shared>>
      tpu.wait_dma2 semaphore(%run_scoped3A_1132 : memref<!tpu.dma_semaphore, #tpu.memory_space<semaphore_mem>>) src(%arg8 : memref<2048xf32, #tpu.memory_space<vmem>>) dst(%dma_wait3A_1134 : memref<2048xf32, #tpu.memory_space<vmem_shared>>)
      tpu.yield
    }) : () -> ()
    %add3A_1093 = arith.constant 30720 : i32
    %add3A_1094 = arith.addi %mul3A_1062, %add3A_1093 : i32
    "tpu.region"() ({
      %run_scoped3A_1132 = tpu.sem_alloc : memref<!tpu.dma_semaphore, #tpu.memory_space<semaphore_mem>>
      %dma_start3A = tpu.memref_slice %arg9[%add3A_1094] : memref<1048576xf32, #tpu.memory_space<vmem_shared>> -> memref<2048xf32, #tpu.memory_space<vmem_shared>>
      %dma_start3A_1133 = tpu.memref_slice %arg9[%add3A_1094] : memref<1048576xf32, #tpu.memory_space<vmem_shared>> -> memref<2048xf32, #tpu.memory_space<vmem_shared>>
      tpu.enqueue_dma source(%arg8 : memref<2048xf32, #tpu.memory_space<vmem>>) target(%dma_start3A_1133 : memref<2048xf32, #tpu.memory_space<vmem_shared>>) target_semaphore(%run_scoped3A_1132 : memref<!tpu.dma_semaphore, #tpu.memory_space<semaphore_mem>>)
      %dma_wait3A = tpu.memref_slice %arg9[%add3A_1094] : memref<1048576xf32, #tpu.memory_space<vmem_shared>> -> memref<2048xf32, #tpu.memory_space<vmem_shared>>
      %dma_wait3A_1134 = tpu.memref_slice %arg9[%add3A_1094] : memref<1048576xf32, #tpu.memory_space<vmem_shared>> -> memref<2048xf32, #tpu.memory_space<vmem_shared>>
      tpu.wait_dma2 semaphore(%run_scoped3A_1132 : memref<!tpu.dma_semaphore, #tpu.memory_space<semaphore_mem>>) src(%arg8 : memref<2048xf32, #tpu.memory_space<vmem>>) dst(%dma_wait3A_1134 : memref<2048xf32, #tpu.memory_space<vmem_shared>>)
      tpu.yield
    }) : () -> ()
    %add3A_1095 = arith.constant 32768 : i32
    %add3A_1096 = arith.addi %mul3A_1062, %add3A_1095 : i32
    "tpu.region"() ({
      %run_scoped3A_1132 = tpu.sem_alloc : memref<!tpu.dma_semaphore, #tpu.memory_space<semaphore_mem>>
      %dma_start3A = tpu.memref_slice %arg9[%add3A_1096] : memref<1048576xf32, #tpu.memory_space<vmem_shared>> -> memref<2048xf32, #tpu.memory_space<vmem_shared>>
      %dma_start3A_1133 = tpu.memref_slice %arg9[%add3A_1096] : memref<1048576xf32, #tpu.memory_space<vmem_shared>> -> memref<2048xf32, #tpu.memory_space<vmem_shared>>
      tpu.enqueue_dma source(%arg8 : memref<2048xf32, #tpu.memory_space<vmem>>) target(%dma_start3A_1133 : memref<2048xf32, #tpu.memory_space<vmem_shared>>) target_semaphore(%run_scoped3A_1132 : memref<!tpu.dma_semaphore, #tpu.memory_space<semaphore_mem>>)
      %dma_wait3A = tpu.memref_slice %arg9[%add3A_1096] : memref<1048576xf32, #tpu.memory_space<vmem_shared>> -> memref<2048xf32, #tpu.memory_space<vmem_shared>>
      %dma_wait3A_1134 = tpu.memref_slice %arg9[%add3A_1096] : memref<1048576xf32, #tpu.memory_space<vmem_shared>> -> memref<2048xf32, #tpu.memory_space<vmem_shared>>
      tpu.wait_dma2 semaphore(%run_scoped3A_1132 : memref<!tpu.dma_semaphore, #tpu.memory_space<semaphore_mem>>) src(%arg8 : memref<2048xf32, #tpu.memory_space<vmem>>) dst(%dma_wait3A_1134 : memref<2048xf32, #tpu.memory_space<vmem_shared>>)
      tpu.yield
    }) : () -> ()
    %add3A_1097 = arith.constant 34816 : i32
    %add3A_1098 = arith.addi %mul3A_1062, %add3A_1097 : i32
    "tpu.region"() ({
      %run_scoped3A_1132 = tpu.sem_alloc : memref<!tpu.dma_semaphore, #tpu.memory_space<semaphore_mem>>
      %dma_start3A = tpu.memref_slice %arg9[%add3A_1098] : memref<1048576xf32, #tpu.memory_space<vmem_shared>> -> memref<2048xf32, #tpu.memory_space<vmem_shared>>
      %dma_start3A_1133 = tpu.memref_slice %arg9[%add3A_1098] : memref<1048576xf32, #tpu.memory_space<vmem_shared>> -> memref<2048xf32, #tpu.memory_space<vmem_shared>>
      tpu.enqueue_dma source(%arg8 : memref<2048xf32, #tpu.memory_space<vmem>>) target(%dma_start3A_1133 : memref<2048xf32, #tpu.memory_space<vmem_shared>>) target_semaphore(%run_scoped3A_1132 : memref<!tpu.dma_semaphore, #tpu.memory_space<semaphore_mem>>)
      %dma_wait3A = tpu.memref_slice %arg9[%add3A_1098] : memref<1048576xf32, #tpu.memory_space<vmem_shared>> -> memref<2048xf32, #tpu.memory_space<vmem_shared>>
      %dma_wait3A_1134 = tpu.memref_slice %arg9[%add3A_1098] : memref<1048576xf32, #tpu.memory_space<vmem_shared>> -> memref<2048xf32, #tpu.memory_space<vmem_shared>>
      tpu.wait_dma2 semaphore(%run_scoped3A_1132 : memref<!tpu.dma_semaphore, #tpu.memory_space<semaphore_mem>>) src(%arg8 : memref<2048xf32, #tpu.memory_space<vmem>>) dst(%dma_wait3A_1134 : memref<2048xf32, #tpu.memory_space<vmem_shared>>)
      tpu.yield
    }) : () -> ()
    %add3A_1099 = arith.constant 36864 : i32
    %add3A_1100 = arith.addi %mul3A_1062, %add3A_1099 : i32
    "tpu.region"() ({
      %run_scoped3A_1132 = tpu.sem_alloc : memref<!tpu.dma_semaphore, #tpu.memory_space<semaphore_mem>>
      %dma_start3A = tpu.memref_slice %arg9[%add3A_1100] : memref<1048576xf32, #tpu.memory_space<vmem_shared>> -> memref<2048xf32, #tpu.memory_space<vmem_shared>>
      %dma_start3A_1133 = tpu.memref_slice %arg9[%add3A_1100] : memref<1048576xf32, #tpu.memory_space<vmem_shared>> -> memref<2048xf32, #tpu.memory_space<vmem_shared>>
      tpu.enqueue_dma source(%arg8 : memref<2048xf32, #tpu.memory_space<vmem>>) target(%dma_start3A_1133 : memref<2048xf32, #tpu.memory_space<vmem_shared>>) target_semaphore(%run_scoped3A_1132 : memref<!tpu.dma_semaphore, #tpu.memory_space<semaphore_mem>>)
      %dma_wait3A = tpu.memref_slice %arg9[%add3A_1100] : memref<1048576xf32, #tpu.memory_space<vmem_shared>> -> memref<2048xf32, #tpu.memory_space<vmem_shared>>
      %dma_wait3A_1134 = tpu.memref_slice %arg9[%add3A_1100] : memref<1048576xf32, #tpu.memory_space<vmem_shared>> -> memref<2048xf32, #tpu.memory_space<vmem_shared>>
      tpu.wait_dma2 semaphore(%run_scoped3A_1132 : memref<!tpu.dma_semaphore, #tpu.memory_space<semaphore_mem>>) src(%arg8 : memref<2048xf32, #tpu.memory_space<vmem>>) dst(%dma_wait3A_1134 : memref<2048xf32, #tpu.memory_space<vmem_shared>>)
      tpu.yield
    }) : () -> ()
    %add3A_1101 = arith.constant 38912 : i32
    %add3A_1102 = arith.addi %mul3A_1062, %add3A_1101 : i32
    "tpu.region"() ({
      %run_scoped3A_1132 = tpu.sem_alloc : memref<!tpu.dma_semaphore, #tpu.memory_space<semaphore_mem>>
      %dma_start3A = tpu.memref_slice %arg9[%add3A_1102] : memref<1048576xf32, #tpu.memory_space<vmem_shared>> -> memref<2048xf32, #tpu.memory_space<vmem_shared>>
      %dma_start3A_1133 = tpu.memref_slice %arg9[%add3A_1102] : memref<1048576xf32, #tpu.memory_space<vmem_shared>> -> memref<2048xf32, #tpu.memory_space<vmem_shared>>
      tpu.enqueue_dma source(%arg8 : memref<2048xf32, #tpu.memory_space<vmem>>) target(%dma_start3A_1133 : memref<2048xf32, #tpu.memory_space<vmem_shared>>) target_semaphore(%run_scoped3A_1132 : memref<!tpu.dma_semaphore, #tpu.memory_space<semaphore_mem>>)
      %dma_wait3A = tpu.memref_slice %arg9[%add3A_1102] : memref<1048576xf32, #tpu.memory_space<vmem_shared>> -> memref<2048xf32, #tpu.memory_space<vmem_shared>>
      %dma_wait3A_1134 = tpu.memref_slice %arg9[%add3A_1102] : memref<1048576xf32, #tpu.memory_space<vmem_shared>> -> memref<2048xf32, #tpu.memory_space<vmem_shared>>
      tpu.wait_dma2 semaphore(%run_scoped3A_1132 : memref<!tpu.dma_semaphore, #tpu.memory_space<semaphore_mem>>) src(%arg8 : memref<2048xf32, #tpu.memory_space<vmem>>) dst(%dma_wait3A_1134 : memref<2048xf32, #tpu.memory_space<vmem_shared>>)
      tpu.yield
    }) : () -> ()
    %add3A_1103 = arith.constant 40960 : i32
    %add3A_1104 = arith.addi %mul3A_1062, %add3A_1103 : i32
    "tpu.region"() ({
      %run_scoped3A_1132 = tpu.sem_alloc : memref<!tpu.dma_semaphore, #tpu.memory_space<semaphore_mem>>
      %dma_start3A = tpu.memref_slice %arg9[%add3A_1104] : memref<1048576xf32, #tpu.memory_space<vmem_shared>> -> memref<2048xf32, #tpu.memory_space<vmem_shared>>
      %dma_start3A_1133 = tpu.memref_slice %arg9[%add3A_1104] : memref<1048576xf32, #tpu.memory_space<vmem_shared>> -> memref<2048xf32, #tpu.memory_space<vmem_shared>>
      tpu.enqueue_dma source(%arg8 : memref<2048xf32, #tpu.memory_space<vmem>>) target(%dma_start3A_1133 : memref<2048xf32, #tpu.memory_space<vmem_shared>>) target_semaphore(%run_scoped3A_1132 : memref<!tpu.dma_semaphore, #tpu.memory_space<semaphore_mem>>)
      %dma_wait3A = tpu.memref_slice %arg9[%add3A_1104] : memref<1048576xf32, #tpu.memory_space<vmem_shared>> -> memref<2048xf32, #tpu.memory_space<vmem_shared>>
      %dma_wait3A_1134 = tpu.memref_slice %arg9[%add3A_1104] : memref<1048576xf32, #tpu.memory_space<vmem_shared>> -> memref<2048xf32, #tpu.memory_space<vmem_shared>>
      tpu.wait_dma2 semaphore(%run_scoped3A_1132 : memref<!tpu.dma_semaphore, #tpu.memory_space<semaphore_mem>>) src(%arg8 : memref<2048xf32, #tpu.memory_space<vmem>>) dst(%dma_wait3A_1134 : memref<2048xf32, #tpu.memory_space<vmem_shared>>)
      tpu.yield
    }) : () -> ()
    %add3A_1105 = arith.constant 43008 : i32
    %add3A_1106 = arith.addi %mul3A_1062, %add3A_1105 : i32
    "tpu.region"() ({
      %run_scoped3A_1132 = tpu.sem_alloc : memref<!tpu.dma_semaphore, #tpu.memory_space<semaphore_mem>>
      %dma_start3A = tpu.memref_slice %arg9[%add3A_1106] : memref<1048576xf32, #tpu.memory_space<vmem_shared>> -> memref<2048xf32, #tpu.memory_space<vmem_shared>>
      %dma_start3A_1133 = tpu.memref_slice %arg9[%add3A_1106] : memref<1048576xf32, #tpu.memory_space<vmem_shared>> -> memref<2048xf32, #tpu.memory_space<vmem_shared>>
      tpu.enqueue_dma source(%arg8 : memref<2048xf32, #tpu.memory_space<vmem>>) target(%dma_start3A_1133 : memref<2048xf32, #tpu.memory_space<vmem_shared>>) target_semaphore(%run_scoped3A_1132 : memref<!tpu.dma_semaphore, #tpu.memory_space<semaphore_mem>>)
      %dma_wait3A = tpu.memref_slice %arg9[%add3A_1106] : memref<1048576xf32, #tpu.memory_space<vmem_shared>> -> memref<2048xf32, #tpu.memory_space<vmem_shared>>
      %dma_wait3A_1134 = tpu.memref_slice %arg9[%add3A_1106] : memref<1048576xf32, #tpu.memory_space<vmem_shared>> -> memref<2048xf32, #tpu.memory_space<vmem_shared>>
      tpu.wait_dma2 semaphore(%run_scoped3A_1132 : memref<!tpu.dma_semaphore, #tpu.memory_space<semaphore_mem>>) src(%arg8 : memref<2048xf32, #tpu.memory_space<vmem>>) dst(%dma_wait3A_1134 : memref<2048xf32, #tpu.memory_space<vmem_shared>>)
      tpu.yield
    }) : () -> ()
    %add3A_1107 = arith.constant 45056 : i32
    %add3A_1108 = arith.addi %mul3A_1062, %add3A_1107 : i32
    "tpu.region"() ({
      %run_scoped3A_1132 = tpu.sem_alloc : memref<!tpu.dma_semaphore, #tpu.memory_space<semaphore_mem>>
      %dma_start3A = tpu.memref_slice %arg9[%add3A_1108] : memref<1048576xf32, #tpu.memory_space<vmem_shared>> -> memref<2048xf32, #tpu.memory_space<vmem_shared>>
      %dma_start3A_1133 = tpu.memref_slice %arg9[%add3A_1108] : memref<1048576xf32, #tpu.memory_space<vmem_shared>> -> memref<2048xf32, #tpu.memory_space<vmem_shared>>
      tpu.enqueue_dma source(%arg8 : memref<2048xf32, #tpu.memory_space<vmem>>) target(%dma_start3A_1133 : memref<2048xf32, #tpu.memory_space<vmem_shared>>) target_semaphore(%run_scoped3A_1132 : memref<!tpu.dma_semaphore, #tpu.memory_space<semaphore_mem>>)
      %dma_wait3A = tpu.memref_slice %arg9[%add3A_1108] : memref<1048576xf32, #tpu.memory_space<vmem_shared>> -> memref<2048xf32, #tpu.memory_space<vmem_shared>>
      %dma_wait3A_1134 = tpu.memref_slice %arg9[%add3A_1108] : memref<1048576xf32, #tpu.memory_space<vmem_shared>> -> memref<2048xf32, #tpu.memory_space<vmem_shared>>
      tpu.wait_dma2 semaphore(%run_scoped3A_1132 : memref<!tpu.dma_semaphore, #tpu.memory_space<semaphore_mem>>) src(%arg8 : memref<2048xf32, #tpu.memory_space<vmem>>) dst(%dma_wait3A_1134 : memref<2048xf32, #tpu.memory_space<vmem_shared>>)
      tpu.yield
    }) : () -> ()
    %add3A_1109 = arith.constant 47104 : i32
    %add3A_1110 = arith.addi %mul3A_1062, %add3A_1109 : i32
    "tpu.region"() ({
      %run_scoped3A_1132 = tpu.sem_alloc : memref<!tpu.dma_semaphore, #tpu.memory_space<semaphore_mem>>
      %dma_start3A = tpu.memref_slice %arg9[%add3A_1110] : memref<1048576xf32, #tpu.memory_space<vmem_shared>> -> memref<2048xf32, #tpu.memory_space<vmem_shared>>
      %dma_start3A_1133 = tpu.memref_slice %arg9[%add3A_1110] : memref<1048576xf32, #tpu.memory_space<vmem_shared>> -> memref<2048xf32, #tpu.memory_space<vmem_shared>>
      tpu.enqueue_dma source(%arg8 : memref<2048xf32, #tpu.memory_space<vmem>>) target(%dma_start3A_1133 : memref<2048xf32, #tpu.memory_space<vmem_shared>>) target_semaphore(%run_scoped3A_1132 : memref<!tpu.dma_semaphore, #tpu.memory_space<semaphore_mem>>)
      %dma_wait3A = tpu.memref_slice %arg9[%add3A_1110] : memref<1048576xf32, #tpu.memory_space<vmem_shared>> -> memref<2048xf32, #tpu.memory_space<vmem_shared>>
      %dma_wait3A_1134 = tpu.memref_slice %arg9[%add3A_1110] : memref<1048576xf32, #tpu.memory_space<vmem_shared>> -> memref<2048xf32, #tpu.memory_space<vmem_shared>>
      tpu.wait_dma2 semaphore(%run_scoped3A_1132 : memref<!tpu.dma_semaphore, #tpu.memory_space<semaphore_mem>>) src(%arg8 : memref<2048xf32, #tpu.memory_space<vmem>>) dst(%dma_wait3A_1134 : memref<2048xf32, #tpu.memory_space<vmem_shared>>)
      tpu.yield
    }) : () -> ()
    %add3A_1111 = arith.constant 49152 : i32
    %add3A_1112 = arith.addi %mul3A_1062, %add3A_1111 : i32
    "tpu.region"() ({
      %run_scoped3A_1132 = tpu.sem_alloc : memref<!tpu.dma_semaphore, #tpu.memory_space<semaphore_mem>>
      %dma_start3A = tpu.memref_slice %arg9[%add3A_1112] : memref<1048576xf32, #tpu.memory_space<vmem_shared>> -> memref<2048xf32, #tpu.memory_space<vmem_shared>>
      %dma_start3A_1133 = tpu.memref_slice %arg9[%add3A_1112] : memref<1048576xf32, #tpu.memory_space<vmem_shared>> -> memref<2048xf32, #tpu.memory_space<vmem_shared>>
      tpu.enqueue_dma source(%arg8 : memref<2048xf32, #tpu.memory_space<vmem>>) target(%dma_start3A_1133 : memref<2048xf32, #tpu.memory_space<vmem_shared>>) target_semaphore(%run_scoped3A_1132 : memref<!tpu.dma_semaphore, #tpu.memory_space<semaphore_mem>>)
      %dma_wait3A = tpu.memref_slice %arg9[%add3A_1112] : memref<1048576xf32, #tpu.memory_space<vmem_shared>> -> memref<2048xf32, #tpu.memory_space<vmem_shared>>
      %dma_wait3A_1134 = tpu.memref_slice %arg9[%add3A_1112] : memref<1048576xf32, #tpu.memory_space<vmem_shared>> -> memref<2048xf32, #tpu.memory_space<vmem_shared>>
      tpu.wait_dma2 semaphore(%run_scoped3A_1132 : memref<!tpu.dma_semaphore, #tpu.memory_space<semaphore_mem>>) src(%arg8 : memref<2048xf32, #tpu.memory_space<vmem>>) dst(%dma_wait3A_1134 : memref<2048xf32, #tpu.memory_space<vmem_shared>>)
      tpu.yield
    }) : () -> ()
    %add3A_1113 = arith.constant 51200 : i32
    %add3A_1114 = arith.addi %mul3A_1062, %add3A_1113 : i32
    "tpu.region"() ({
      %run_scoped3A_1132 = tpu.sem_alloc : memref<!tpu.dma_semaphore, #tpu.memory_space<semaphore_mem>>
      %dma_start3A = tpu.memref_slice %arg9[%add3A_1114] : memref<1048576xf32, #tpu.memory_space<vmem_shared>> -> memref<2048xf32, #tpu.memory_space<vmem_shared>>
      %dma_start3A_1133 = tpu.memref_slice %arg9[%add3A_1114] : memref<1048576xf32, #tpu.memory_space<vmem_shared>> -> memref<2048xf32, #tpu.memory_space<vmem_shared>>
      tpu.enqueue_dma source(%arg8 : memref<2048xf32, #tpu.memory_space<vmem>>) target(%dma_start3A_1133 : memref<2048xf32, #tpu.memory_space<vmem_shared>>) target_semaphore(%run_scoped3A_1132 : memref<!tpu.dma_semaphore, #tpu.memory_space<semaphore_mem>>)
      %dma_wait3A = tpu.memref_slice %arg9[%add3A_1114] : memref<1048576xf32, #tpu.memory_space<vmem_shared>> -> memref<2048xf32, #tpu.memory_space<vmem_shared>>
      %dma_wait3A_1134 = tpu.memref_slice %arg9[%add3A_1114] : memref<1048576xf32, #tpu.memory_space<vmem_shared>> -> memref<2048xf32, #tpu.memory_space<vmem_shared>>
      tpu.wait_dma2 semaphore(%run_scoped3A_1132 : memref<!tpu.dma_semaphore, #tpu.memory_space<semaphore_mem>>) src(%arg8 : memref<2048xf32, #tpu.memory_space<vmem>>) dst(%dma_wait3A_1134 : memref<2048xf32, #tpu.memory_space<vmem_shared>>)
      tpu.yield
    }) : () -> ()
    %add3A_1115 = arith.constant 53248 : i32
    %add3A_1116 = arith.addi %mul3A_1062, %add3A_1115 : i32
    "tpu.region"() ({
      %run_scoped3A_1132 = tpu.sem_alloc : memref<!tpu.dma_semaphore, #tpu.memory_space<semaphore_mem>>
      %dma_start3A = tpu.memref_slice %arg9[%add3A_1116] : memref<1048576xf32, #tpu.memory_space<vmem_shared>> -> memref<2048xf32, #tpu.memory_space<vmem_shared>>
      %dma_start3A_1133 = tpu.memref_slice %arg9[%add3A_1116] : memref<1048576xf32, #tpu.memory_space<vmem_shared>> -> memref<2048xf32, #tpu.memory_space<vmem_shared>>
      tpu.enqueue_dma source(%arg8 : memref<2048xf32, #tpu.memory_space<vmem>>) target(%dma_start3A_1133 : memref<2048xf32, #tpu.memory_space<vmem_shared>>) target_semaphore(%run_scoped3A_1132 : memref<!tpu.dma_semaphore, #tpu.memory_space<semaphore_mem>>)
      %dma_wait3A = tpu.memref_slice %arg9[%add3A_1116] : memref<1048576xf32, #tpu.memory_space<vmem_shared>> -> memref<2048xf32, #tpu.memory_space<vmem_shared>>
      %dma_wait3A_1134 = tpu.memref_slice %arg9[%add3A_1116] : memref<1048576xf32, #tpu.memory_space<vmem_shared>> -> memref<2048xf32, #tpu.memory_space<vmem_shared>>
      tpu.wait_dma2 semaphore(%run_scoped3A_1132 : memref<!tpu.dma_semaphore, #tpu.memory_space<semaphore_mem>>) src(%arg8 : memref<2048xf32, #tpu.memory_space<vmem>>) dst(%dma_wait3A_1134 : memref<2048xf32, #tpu.memory_space<vmem_shared>>)
      tpu.yield
    }) : () -> ()
    %add3A_1117 = arith.constant 55296 : i32
    %add3A_1118 = arith.addi %mul3A_1062, %add3A_1117 : i32
    "tpu.region"() ({
      %run_scoped3A_1132 = tpu.sem_alloc : memref<!tpu.dma_semaphore, #tpu.memory_space<semaphore_mem>>
      %dma_start3A = tpu.memref_slice %arg9[%add3A_1118] : memref<1048576xf32, #tpu.memory_space<vmem_shared>> -> memref<2048xf32, #tpu.memory_space<vmem_shared>>
      %dma_start3A_1133 = tpu.memref_slice %arg9[%add3A_1118] : memref<1048576xf32, #tpu.memory_space<vmem_shared>> -> memref<2048xf32, #tpu.memory_space<vmem_shared>>
      tpu.enqueue_dma source(%arg8 : memref<2048xf32, #tpu.memory_space<vmem>>) target(%dma_start3A_1133 : memref<2048xf32, #tpu.memory_space<vmem_shared>>) target_semaphore(%run_scoped3A_1132 : memref<!tpu.dma_semaphore, #tpu.memory_space<semaphore_mem>>)
      %dma_wait3A = tpu.memref_slice %arg9[%add3A_1118] : memref<1048576xf32, #tpu.memory_space<vmem_shared>> -> memref<2048xf32, #tpu.memory_space<vmem_shared>>
      %dma_wait3A_1134 = tpu.memref_slice %arg9[%add3A_1118] : memref<1048576xf32, #tpu.memory_space<vmem_shared>> -> memref<2048xf32, #tpu.memory_space<vmem_shared>>
      tpu.wait_dma2 semaphore(%run_scoped3A_1132 : memref<!tpu.dma_semaphore, #tpu.memory_space<semaphore_mem>>) src(%arg8 : memref<2048xf32, #tpu.memory_space<vmem>>) dst(%dma_wait3A_1134 : memref<2048xf32, #tpu.memory_space<vmem_shared>>)
      tpu.yield
    }) : () -> ()
    %add3A_1119 = arith.constant 57344 : i32
    %add3A_1120 = arith.addi %mul3A_1062, %add3A_1119 : i32
    "tpu.region"() ({
      %run_scoped3A_1132 = tpu.sem_alloc : memref<!tpu.dma_semaphore, #tpu.memory_space<semaphore_mem>>
      %dma_start3A = tpu.memref_slice %arg9[%add3A_1120] : memref<1048576xf32, #tpu.memory_space<vmem_shared>> -> memref<2048xf32, #tpu.memory_space<vmem_shared>>
      %dma_start3A_1133 = tpu.memref_slice %arg9[%add3A_1120] : memref<1048576xf32, #tpu.memory_space<vmem_shared>> -> memref<2048xf32, #tpu.memory_space<vmem_shared>>
      tpu.enqueue_dma source(%arg8 : memref<2048xf32, #tpu.memory_space<vmem>>) target(%dma_start3A_1133 : memref<2048xf32, #tpu.memory_space<vmem_shared>>) target_semaphore(%run_scoped3A_1132 : memref<!tpu.dma_semaphore, #tpu.memory_space<semaphore_mem>>)
      %dma_wait3A = tpu.memref_slice %arg9[%add3A_1120] : memref<1048576xf32, #tpu.memory_space<vmem_shared>> -> memref<2048xf32, #tpu.memory_space<vmem_shared>>
      %dma_wait3A_1134 = tpu.memref_slice %arg9[%add3A_1120] : memref<1048576xf32, #tpu.memory_space<vmem_shared>> -> memref<2048xf32, #tpu.memory_space<vmem_shared>>
      tpu.wait_dma2 semaphore(%run_scoped3A_1132 : memref<!tpu.dma_semaphore, #tpu.memory_space<semaphore_mem>>) src(%arg8 : memref<2048xf32, #tpu.memory_space<vmem>>) dst(%dma_wait3A_1134 : memref<2048xf32, #tpu.memory_space<vmem_shared>>)
      tpu.yield
    }) : () -> ()
    %add3A_1121 = arith.constant 59392 : i32
    %add3A_1122 = arith.addi %mul3A_1062, %add3A_1121 : i32
    "tpu.region"() ({
      %run_scoped3A_1132 = tpu.sem_alloc : memref<!tpu.dma_semaphore, #tpu.memory_space<semaphore_mem>>
      %dma_start3A = tpu.memref_slice %arg9[%add3A_1122] : memref<1048576xf32, #tpu.memory_space<vmem_shared>> -> memref<2048xf32, #tpu.memory_space<vmem_shared>>
      %dma_start3A_1133 = tpu.memref_slice %arg9[%add3A_1122] : memref<1048576xf32, #tpu.memory_space<vmem_shared>> -> memref<2048xf32, #tpu.memory_space<vmem_shared>>
      tpu.enqueue_dma source(%arg8 : memref<2048xf32, #tpu.memory_space<vmem>>) target(%dma_start3A_1133 : memref<2048xf32, #tpu.memory_space<vmem_shared>>) target_semaphore(%run_scoped3A_1132 : memref<!tpu.dma_semaphore, #tpu.memory_space<semaphore_mem>>)
      %dma_wait3A = tpu.memref_slice %arg9[%add3A_1122] : memref<1048576xf32, #tpu.memory_space<vmem_shared>> -> memref<2048xf32, #tpu.memory_space<vmem_shared>>
      %dma_wait3A_1134 = tpu.memref_slice %arg9[%add3A_1122] : memref<1048576xf32, #tpu.memory_space<vmem_shared>> -> memref<2048xf32, #tpu.memory_space<vmem_shared>>
      tpu.wait_dma2 semaphore(%run_scoped3A_1132 : memref<!tpu.dma_semaphore, #tpu.memory_space<semaphore_mem>>) src(%arg8 : memref<2048xf32, #tpu.memory_space<vmem>>) dst(%dma_wait3A_1134 : memref<2048xf32, #tpu.memory_space<vmem_shared>>)
      tpu.yield
    }) : () -> ()
    %add3A_1123 = arith.constant 61440 : i32
    %add3A_1124 = arith.addi %mul3A_1062, %add3A_1123 : i32
    "tpu.region"() ({
      %run_scoped3A_1132 = tpu.sem_alloc : memref<!tpu.dma_semaphore, #tpu.memory_space<semaphore_mem>>
      %dma_start3A = tpu.memref_slice %arg9[%add3A_1124] : memref<1048576xf32, #tpu.memory_space<vmem_shared>> -> memref<2048xf32, #tpu.memory_space<vmem_shared>>
      %dma_start3A_1133 = tpu.memref_slice %arg9[%add3A_1124] : memref<1048576xf32, #tpu.memory_space<vmem_shared>> -> memref<2048xf32, #tpu.memory_space<vmem_shared>>
      tpu.enqueue_dma source(%arg8 : memref<2048xf32, #tpu.memory_space<vmem>>) target(%dma_start3A_1133 : memref<2048xf32, #tpu.memory_space<vmem_shared>>) target_semaphore(%run_scoped3A_1132 : memref<!tpu.dma_semaphore, #tpu.memory_space<semaphore_mem>>)
      %dma_wait3A = tpu.memref_slice %arg9[%add3A_1124] : memref<1048576xf32, #tpu.memory_space<vmem_shared>> -> memref<2048xf32, #tpu.memory_space<vmem_shared>>
      %dma_wait3A_1134 = tpu.memref_slice %arg9[%add3A_1124] : memref<1048576xf32, #tpu.memory_space<vmem_shared>> -> memref<2048xf32, #tpu.memory_space<vmem_shared>>
      tpu.wait_dma2 semaphore(%run_scoped3A_1132 : memref<!tpu.dma_semaphore, #tpu.memory_space<semaphore_mem>>) src(%arg8 : memref<2048xf32, #tpu.memory_space<vmem>>) dst(%dma_wait3A_1134 : memref<2048xf32, #tpu.memory_space<vmem_shared>>)
      tpu.yield
    }) : () -> ()
    %add3A_1125 = arith.constant 63488 : i32
    %add3A_1126 = arith.addi %mul3A_1062, %add3A_1125 : i32
    "tpu.region"() ({
      %run_scoped3A_1132 = tpu.sem_alloc : memref<!tpu.dma_semaphore, #tpu.memory_space<semaphore_mem>>
      %dma_start3A = tpu.memref_slice %arg9[%add3A_1126] : memref<1048576xf32, #tpu.memory_space<vmem_shared>> -> memref<2048xf32, #tpu.memory_space<vmem_shared>>
      %dma_start3A_1133 = tpu.memref_slice %arg9[%add3A_1126] : memref<1048576xf32, #tpu.memory_space<vmem_shared>> -> memref<2048xf32, #tpu.memory_space<vmem_shared>>
      tpu.enqueue_dma source(%arg8 : memref<2048xf32, #tpu.memory_space<vmem>>) target(%dma_start3A_1133 : memref<2048xf32, #tpu.memory_space<vmem_shared>>) target_semaphore(%run_scoped3A_1132 : memref<!tpu.dma_semaphore, #tpu.memory_space<semaphore_mem>>)
      %dma_wait3A = tpu.memref_slice %arg9[%add3A_1126] : memref<1048576xf32, #tpu.memory_space<vmem_shared>> -> memref<2048xf32, #tpu.memory_space<vmem_shared>>
      %dma_wait3A_1134 = tpu.memref_slice %arg9[%add3A_1126] : memref<1048576xf32, #tpu.memory_space<vmem_shared>> -> memref<2048xf32, #tpu.memory_space<vmem_shared>>
      tpu.wait_dma2 semaphore(%run_scoped3A_1132 : memref<!tpu.dma_semaphore, #tpu.memory_space<semaphore_mem>>) src(%arg8 : memref<2048xf32, #tpu.memory_space<vmem>>) dst(%dma_wait3A_1134 : memref<2048xf32, #tpu.memory_space<vmem_shared>>)
      tpu.yield
    }) : () -> ()
    %barrier3A = arith.constant 0 : index
    tpu.barrier barrier_id(%barrier3A)
    %run_scoped3A_1127 = arith.constant 0 : i32
    "tpu.region"() ({
      %run_scoped3A_1132 = tpu.sem_alloc : memref<!tpu.dma_semaphore, #tpu.memory_space<semaphore_mem>>
      %dma_start3A = arith.constant 0 : i32
      %dma_start3A_1133 = tpu.memref_slice %arg6[%run_scoped3A_1127, %dma_start3A] : memref<4x128xi32, #tpu.memory_space<vmem>> -> memref<1x128xi32, #tpu.memory_space<vmem>>
      %dma_start3A_1134 = tpu.memref_squeeze %dma_start3A_1133 : memref<1x128xi32, #tpu.memory_space<vmem>> -> memref<128xi32, #tpu.memory_space<vmem>>
      %dma_start3A_1135 = arith.constant 0 : i32
      %dma_start3A_1136 = tpu.memref_slice %arg9[%dma_start3A_1135] : memref<1048576xf32, #tpu.memory_space<vmem_shared>> -> memref<1048576xf32, #tpu.memory_space<vmem_shared>>
      tpu.enqueue_indirect_dma source(%arg7 : memref<128xf32, #tpu.memory_space<vmem>>) target(%dma_start3A_1136 : memref<1048576xf32, #tpu.memory_space<vmem_shared>>) offsets(%dma_start3A_1134 : memref<128xi32, #tpu.memory_space<vmem>>) semaphore(%run_scoped3A_1132 : memref<!tpu.dma_semaphore, #tpu.memory_space<semaphore_mem>>) {add = true}
      %dma_wait3A = arith.constant 0 : i32
      %dma_wait3A_1137 = tpu.memref_slice %arg6[%run_scoped3A_1127, %dma_wait3A] : memref<4x128xi32, #tpu.memory_space<vmem>> -> memref<1x128xi32, #tpu.memory_space<vmem>>
      %dma_wait3A_1138 = tpu.memref_squeeze %dma_wait3A_1137 : memref<1x128xi32, #tpu.memory_space<vmem>> -> memref<128xi32, #tpu.memory_space<vmem>>
      %dma_wait3A_1139 = arith.constant 0 : i32
      %dma_wait3A_1140 = tpu.memref_slice %arg9[%dma_wait3A_1139] : memref<1048576xf32, #tpu.memory_space<vmem_shared>> -> memref<1048576xf32, #tpu.memory_space<vmem_shared>>
      tpu.wait_indirect_dma semaphore(%run_scoped3A_1132 : memref<!tpu.dma_semaphore, #tpu.memory_space<semaphore_mem>>) src(%arg7 : memref<128xf32, #tpu.memory_space<vmem>>) dst(%dma_wait3A_1140 : memref<1048576xf32, #tpu.memory_space<vmem_shared>>)
      tpu.yield
    }) : () -> ()
    %run_scoped3A_1128 = arith.constant 1 : i32
    "tpu.region"() ({
      %run_scoped3A_1132 = tpu.sem_alloc : memref<!tpu.dma_semaphore, #tpu.memory_space<semaphore_mem>>
      %dma_start3A = arith.constant 0 : i32
      %dma_start3A_1133 = tpu.memref_slice %arg6[%run_scoped3A_1128, %dma_start3A] : memref<4x128xi32, #tpu.memory_space<vmem>> -> memref<1x128xi32, #tpu.memory_space<vmem>>
      %dma_start3A_1134 = tpu.memref_squeeze %dma_start3A_1133 : memref<1x128xi32, #tpu.memory_space<vmem>> -> memref<128xi32, #tpu.memory_space<vmem>>
      %dma_start3A_1135 = arith.constant 0 : i32
      %dma_start3A_1136 = tpu.memref_slice %arg9[%dma_start3A_1135] : memref<1048576xf32, #tpu.memory_space<vmem_shared>> -> memref<1048576xf32, #tpu.memory_space<vmem_shared>>
      tpu.enqueue_indirect_dma source(%arg7 : memref<128xf32, #tpu.memory_space<vmem>>) target(%dma_start3A_1136 : memref<1048576xf32, #tpu.memory_space<vmem_shared>>) offsets(%dma_start3A_1134 : memref<128xi32, #tpu.memory_space<vmem>>) semaphore(%run_scoped3A_1132 : memref<!tpu.dma_semaphore, #tpu.memory_space<semaphore_mem>>) {add = true}
      %dma_wait3A = arith.constant 0 : i32
      %dma_wait3A_1137 = tpu.memref_slice %arg6[%run_scoped3A_1128, %dma_wait3A] : memref<4x128xi32, #tpu.memory_space<vmem>> -> memref<1x128xi32, #tpu.memory_space<vmem>>
      %dma_wait3A_1138 = tpu.memref_squeeze %dma_wait3A_1137 : memref<1x128xi32, #tpu.memory_space<vmem>> -> memref<128xi32, #tpu.memory_space<vmem>>
      %dma_wait3A_1139 = arith.constant 0 : i32
      %dma_wait3A_1140 = tpu.memref_slice %arg9[%dma_wait3A_1139] : memref<1048576xf32, #tpu.memory_space<vmem_shared>> -> memref<1048576xf32, #tpu.memory_space<vmem_shared>>
      tpu.wait_indirect_dma semaphore(%run_scoped3A_1132 : memref<!tpu.dma_semaphore, #tpu.memory_space<semaphore_mem>>) src(%arg7 : memref<128xf32, #tpu.memory_space<vmem>>) dst(%dma_wait3A_1140 : memref<1048576xf32, #tpu.memory_space<vmem_shared>>)
      tpu.yield
    }) : () -> ()
    %run_scoped3A_1129 = arith.constant 2 : i32
    "tpu.region"() ({
      %run_scoped3A_1132 = tpu.sem_alloc : memref<!tpu.dma_semaphore, #tpu.memory_space<semaphore_mem>>
      %dma_start3A = arith.constant 0 : i32
      %dma_start3A_1133 = tpu.memref_slice %arg6[%run_scoped3A_1129, %dma_start3A] : memref<4x128xi32, #tpu.memory_space<vmem>> -> memref<1x128xi32, #tpu.memory_space<vmem>>
      %dma_start3A_1134 = tpu.memref_squeeze %dma_start3A_1133 : memref<1x128xi32, #tpu.memory_space<vmem>> -> memref<128xi32, #tpu.memory_space<vmem>>
      %dma_start3A_1135 = arith.constant 0 : i32
      %dma_start3A_1136 = tpu.memref_slice %arg9[%dma_start3A_1135] : memref<1048576xf32, #tpu.memory_space<vmem_shared>> -> memref<1048576xf32, #tpu.memory_space<vmem_shared>>
      tpu.enqueue_indirect_dma source(%arg7 : memref<128xf32, #tpu.memory_space<vmem>>) target(%dma_start3A_1136 : memref<1048576xf32, #tpu.memory_space<vmem_shared>>) offsets(%dma_start3A_1134 : memref<128xi32, #tpu.memory_space<vmem>>) semaphore(%run_scoped3A_1132 : memref<!tpu.dma_semaphore, #tpu.memory_space<semaphore_mem>>) {add = true}
      %dma_wait3A = arith.constant 0 : i32
      %dma_wait3A_1137 = tpu.memref_slice %arg6[%run_scoped3A_1129, %dma_wait3A] : memref<4x128xi32, #tpu.memory_space<vmem>> -> memref<1x128xi32, #tpu.memory_space<vmem>>
      %dma_wait3A_1138 = tpu.memref_squeeze %dma_wait3A_1137 : memref<1x128xi32, #tpu.memory_space<vmem>> -> memref<128xi32, #tpu.memory_space<vmem>>
      %dma_wait3A_1139 = arith.constant 0 : i32
      %dma_wait3A_1140 = tpu.memref_slice %arg9[%dma_wait3A_1139] : memref<1048576xf32, #tpu.memory_space<vmem_shared>> -> memref<1048576xf32, #tpu.memory_space<vmem_shared>>
      tpu.wait_indirect_dma semaphore(%run_scoped3A_1132 : memref<!tpu.dma_semaphore, #tpu.memory_space<semaphore_mem>>) src(%arg7 : memref<128xf32, #tpu.memory_space<vmem>>) dst(%dma_wait3A_1140 : memref<1048576xf32, #tpu.memory_space<vmem_shared>>)
      tpu.yield
    }) : () -> ()
    %run_scoped3A_1130 = arith.constant 3 : i32
    "tpu.region"() ({
      %run_scoped3A_1132 = tpu.sem_alloc : memref<!tpu.dma_semaphore, #tpu.memory_space<semaphore_mem>>
      %dma_start3A = arith.constant 0 : i32
      %dma_start3A_1133 = tpu.memref_slice %arg6[%run_scoped3A_1130, %dma_start3A] : memref<4x128xi32, #tpu.memory_space<vmem>> -> memref<1x128xi32, #tpu.memory_space<vmem>>
      %dma_start3A_1134 = tpu.memref_squeeze %dma_start3A_1133 : memref<1x128xi32, #tpu.memory_space<vmem>> -> memref<128xi32, #tpu.memory_space<vmem>>
      %dma_start3A_1135 = arith.constant 0 : i32
      %dma_start3A_1136 = tpu.memref_slice %arg9[%dma_start3A_1135] : memref<1048576xf32, #tpu.memory_space<vmem_shared>> -> memref<1048576xf32, #tpu.memory_space<vmem_shared>>
      tpu.enqueue_indirect_dma source(%arg7 : memref<128xf32, #tpu.memory_space<vmem>>) target(%dma_start3A_1136 : memref<1048576xf32, #tpu.memory_space<vmem_shared>>) offsets(%dma_start3A_1134 : memref<128xi32, #tpu.memory_space<vmem>>) semaphore(%run_scoped3A_1132 : memref<!tpu.dma_semaphore, #tpu.memory_space<semaphore_mem>>) {add = true}
      %dma_wait3A = arith.constant 0 : i32
      %dma_wait3A_1137 = tpu.memref_slice %arg6[%run_scoped3A_1130, %dma_wait3A] : memref<4x128xi32, #tpu.memory_space<vmem>> -> memref<1x128xi32, #tpu.memory_space<vmem>>
      %dma_wait3A_1138 = tpu.memref_squeeze %dma_wait3A_1137 : memref<1x128xi32, #tpu.memory_space<vmem>> -> memref<128xi32, #tpu.memory_space<vmem>>
      %dma_wait3A_1139 = arith.constant 0 : i32
      %dma_wait3A_1140 = tpu.memref_slice %arg9[%dma_wait3A_1139] : memref<1048576xf32, #tpu.memory_space<vmem_shared>> -> memref<1048576xf32, #tpu.memory_space<vmem_shared>>
      tpu.wait_indirect_dma semaphore(%run_scoped3A_1132 : memref<!tpu.dma_semaphore, #tpu.memory_space<semaphore_mem>>) src(%arg7 : memref<128xf32, #tpu.memory_space<vmem>>) dst(%dma_wait3A_1140 : memref<1048576xf32, #tpu.memory_space<vmem_shared>>)
      tpu.yield
    }) : () -> ()
    %barrier3A_1131 = arith.constant 0 : index
    tpu.barrier barrier_id(%barrier3A_1131)
    "tpu.region"() ({
      %run_scoped3A_1132 = tpu.sem_alloc : memref<!tpu.dma_semaphore, #tpu.memory_space<semaphore_mem>>
      %dma_start3A = tpu.memref_slice %arg3[%arg0, %mul3A_1062] : memref<2x1048576xf32, #tpu.memory_space<hbm>> -> memref<1x65536xf32, #tpu.memory_space<hbm>>
      %dma_start3A_1133 = tpu.memref_squeeze %dma_start3A : memref<1x65536xf32, #tpu.memory_space<hbm>> -> memref<65536xf32, #tpu.memory_space<hbm>>
      %dma_start3A_1134 = tpu.memref_slice %arg9[%mul3A_1062] : memref<1048576xf32, #tpu.memory_space<vmem_shared>> -> memref<65536xf32, #tpu.memory_space<vmem_shared>>
      tpu.enqueue_dma source(%dma_start3A_1134 : memref<65536xf32, #tpu.memory_space<vmem_shared>>) target(%dma_start3A_1133 : memref<65536xf32, #tpu.memory_space<hbm>>) target_semaphore(%run_scoped3A_1132 : memref<!tpu.dma_semaphore, #tpu.memory_space<semaphore_mem>>)
      %dma_wait3A = tpu.memref_slice %arg3[%arg0, %mul3A_1062] : memref<2x1048576xf32, #tpu.memory_space<hbm>> -> memref<1x65536xf32, #tpu.memory_space<hbm>>
      %dma_wait3A_1135 = tpu.memref_squeeze %dma_wait3A : memref<1x65536xf32, #tpu.memory_space<hbm>> -> memref<65536xf32, #tpu.memory_space<hbm>>
      %dma_wait3A_1136 = tpu.memref_slice %arg9[%mul3A_1062] : memref<1048576xf32, #tpu.memory_space<vmem_shared>> -> memref<65536xf32, #tpu.memory_space<vmem_shared>>
      tpu.wait_dma2 semaphore(%run_scoped3A_1132 : memref<!tpu.dma_semaphore, #tpu.memory_space<semaphore_mem>>) src(%dma_wait3A_1136 : memref<65536xf32, #tpu.memory_space<vmem_shared>>) dst(%dma_wait3A_1135 : memref<65536xf32, #tpu.memory_space<hbm>>)
      tpu.yield
    }) : () -> ()
    return
  }
}

module attributes {stable_mosaic.version = 14 : i64} {
  func.func @_enc_body(%arg0: memref<16x1x1024xi32, #tpu.memory_space<vmem>>, %arg1: memref<16x1024x1xi32, #tpu.memory_space<vmem>>, %arg2: memref<64x64xf32, #tpu.memory_space<vmem>>, %arg3: memref<128x64xf32, #tpu.memory_space<vmem>>, %arg4: memref<128x64xf32, #tpu.memory_space<vmem>>, %arg5: memref<128x32xf32, #tpu.memory_space<vmem>>, %arg6: memref<128x1xf32, #tpu.memory_space<vmem>>, %arg7: memref<128x32xf32, #tpu.memory_space<vmem>>, %arg8: memref<128x32xf32, #tpu.memory_space<vmem>>, %arg9: memref<128x32xf32, #tpu.memory_space<vmem>>, %arg10: memref<128x1xf32, #tpu.memory_space<vmem>>, %arg11: memref<26x32xf32, #tpu.memory_space<vmem>>, %arg12: memref<26x32xf32, #tpu.memory_space<vmem>>, %arg13: memref<26x1xf32, #tpu.memory_space<vmem>>, %arg14: memref<26x32xf32, #tpu.memory_space<vmem>>, %arg15: memref<26x32xf32, #tpu.memory_space<vmem>>, %arg16: memref<26x1xf32, #tpu.memory_space<vmem>>, %arg17: memref<2x1x52xf32, #tpu.memory_space<vmem>>, %arg18: memref<2x1x52xf32, #tpu.memory_space<vmem>>, %arg19: memref<26x64xf32, #tpu.memory_space<vmem>>, %arg20: memref<1x64xf32, #tpu.memory_space<vmem>>, %arg21: memref<1024x1024xf32, #tpu.memory_space<vmem>>, %arg22: memref<26x1024xf32, #tpu.memory_space<vmem>>, %arg23: memref<26x1024xf32, #tpu.memory_space<vmem>>, %arg24: memref<16x32x1024xf32, #tpu.memory_space<vmem>>) attributes {dimension_semantics = [], scalar_prefetch = 0 : i64, scratch_operands = 1 : i64, tpu.core_type = #tpu.core_type<tc>} {
    %iota3A = tpu.iota {dimensions = array<i32: 0>} : vector<64x1024xi32>
    %get3A = arith.constant 0 : index
    %get3A_0 = arith.constant 0 : index
    %get3A_1 = vector.load %arg2[%get3A, %get3A_0] : memref<64x64xf32, #tpu.memory_space<vmem>>, vector<64x64xf32>
    %get3A_2 = arith.constant 0 : index
    %get3A_3 = arith.constant 0 : index
    %get3A_4 = vector.load %arg3[%get3A_2, %get3A_3] : memref<128x64xf32, #tpu.memory_space<vmem>>, vector<128x64xf32>
    %dot_general3A = arith.constant dense<0.000000e+00> : vector<128x64xf32>
    %dot_general3A_5 = tpu.matmul %get3A_4, %get3A_1, %dot_general3A {dimension_numbers = #tpu.dot_dimension_numbers<[1], [0], [0], [1], [0, 0, 1, 1], [], []>, transpose_lhs_hint = false} : vector<128x64xf32>, vector<64x64xf32>, vector<128x64xf32> -> vector<128x64xf32>
    %get3A_6 = arith.constant 0 : index
    %get3A_7 = arith.constant 0 : index
    %get3A_8 = vector.load %arg4[%get3A_6, %get3A_7] : memref<128x64xf32, #tpu.memory_space<vmem>>, vector<128x64xf32>
    %dot_general3A_9 = arith.constant dense<0.000000e+00> : vector<128x64xf32>
    %dot_general3A_10 = tpu.matmul %get3A_8, %get3A_1, %dot_general3A_9 {dimension_numbers = #tpu.dot_dimension_numbers<[1], [0], [0], [1], [0, 0, 1, 1], [], []>, transpose_lhs_hint = false} : vector<128x64xf32>, vector<64x64xf32>, vector<128x64xf32> -> vector<128x64xf32>
    %get3A_11 = arith.constant 0 : index
    %get3A_12 = arith.constant 0 : index
    %get3A_13 = vector.load %arg5[%get3A_11, %get3A_12] : memref<128x32xf32, #tpu.memory_space<vmem>>, vector<128x32xf32>
    %get3A_14 = arith.constant 0 : index
    %get3A_15 = arith.constant 0 : index
    %get3A_16 = vector.load %arg6[%get3A_14, %get3A_15] : memref<128x1xf32, #tpu.memory_space<vmem>>, vector<128x1xf32>
    %broadcast_in_dim3A = arith.constant 0.000000e+00 : f32
    %broadcast_in_dim3A_17 = vector.broadcast %broadcast_in_dim3A : f32 to vector<32x1024xf32>
    %scan3A = arith.constant 0 : i32
    %scan3A_18 = arith.constant 16 : i32
    %scan3A_19 = arith.addi %scan3A, %scan3A_18 : i32
    %scan3A_20 = arith.constant 1 : i32
    %scan3A_21:2 = scf.for %scan3A_358 = %scan3A to %scan3A_19 step %scan3A_20 iter_args(%scan3A_359 = %broadcast_in_dim3A_17, %scan3A_360 = %broadcast_in_dim3A_17) -> (vector<32x1024xf32>, vector<32x1024xf32>)  : i32 {
      %get3A_361 = arith.index_cast %scan3A_358 : i32 to index
      %get3A_362 = arith.constant 0 : index
      %get3A_363 = arith.constant 0 : index
      %get3A_364 = vector.load %arg0[%get3A_361, %get3A_362, %get3A_363] : memref<16x1x1024xi32, #tpu.memory_space<vmem>>, vector<1x1x1024xi32>
      %get3A_365 = vector.shape_cast %get3A_364 : vector<1x1x1024xi32> to vector<1x1024xi32>
      %eq3A_366 = vector.broadcast %get3A_365 : vector<1x1024xi32> to vector<64x1024xi32>
      %eq3A_367 = arith.cmpi eq, %eq3A_366, %iota3A : vector<64x1024xi32>
      %convert_element_type3A_368 = arith.extui %eq3A_367 : vector<64x1024xi1> to vector<64x1024xi32>
      %convert_element_type3A_369 = arith.sitofp %convert_element_type3A_368 : vector<64x1024xi32> to vector<64x1024xf32>
      %dot_general3A_370 = arith.constant dense<0.000000e+00> : vector<128x1024xf32>
      %dot_general3A_371 = tpu.matmul %dot_general3A_5, %convert_element_type3A_369, %dot_general3A_370 {dimension_numbers = #tpu.dot_dimension_numbers<[1], [0], [0], [1], [0, 0, 1, 1], [], []>, transpose_lhs_hint = false} : vector<128x64xf32>, vector<64x1024xf32>, vector<128x1024xf32> -> vector<128x1024xf32>
      %sub3A = arith.constant 15 : i32
      %sub3A_372 = arith.subi %sub3A, %scan3A_358 : i32
      %get3A_373 = arith.index_cast %sub3A_372 : i32 to index
      %get3A_374 = arith.constant 0 : index
      %get3A_375 = arith.constant 0 : index
      %get3A_376 = vector.load %arg0[%get3A_373, %get3A_374, %get3A_375] : memref<16x1x1024xi32, #tpu.memory_space<vmem>>, vector<1x1x1024xi32>
      %get3A_377 = vector.shape_cast %get3A_376 : vector<1x1x1024xi32> to vector<1x1024xi32>
      %eq3A_378 = vector.broadcast %get3A_377 : vector<1x1024xi32> to vector<64x1024xi32>
      %eq3A_379 = arith.cmpi eq, %eq3A_378, %iota3A : vector<64x1024xi32>
      %convert_element_type3A_380 = arith.extui %eq3A_379 : vector<64x1024xi1> to vector<64x1024xi32>
      %convert_element_type3A_381 = arith.sitofp %convert_element_type3A_380 : vector<64x1024xi32> to vector<64x1024xf32>
      %dot_general3A_382 = arith.constant dense<0.000000e+00> : vector<128x1024xf32>
      %dot_general3A_383 = tpu.matmul %dot_general3A_10, %convert_element_type3A_381, %dot_general3A_382 {dimension_numbers = #tpu.dot_dimension_numbers<[1], [0], [0], [1], [0, 0, 1, 1], [], []>, transpose_lhs_hint = false} : vector<128x64xf32>, vector<64x1024xf32>, vector<128x1024xf32> -> vector<128x1024xf32>
      %add3A_384 = arith.addf %dot_general3A_371, %dot_general3A_383 : vector<128x1024xf32>
      %add3A_385 = vector.broadcast %get3A_16 : vector<128x1xf32> to vector<128x1024xf32>
      %add3A_386 = arith.addf %add3A_384, %add3A_385 : vector<128x1024xf32>
      %dot_general3A_387 = arith.constant dense<0.000000e+00> : vector<128x1024xf32>
      %dot_general3A_388 = tpu.matmul %get3A_13, %scan3A_359, %dot_general3A_387 {dimension_numbers = #tpu.dot_dimension_numbers<[1], [0], [0], [1], [0, 0, 1, 1], [], []>, transpose_lhs_hint = false} : vector<128x32xf32>, vector<32x1024xf32>, vector<128x1024xf32> -> vector<128x1024xf32>
      %add3A_389 = arith.addf %add3A_386, %dot_general3A_388 : vector<128x1024xf32>
      %slice3A_390 = vector.extract_strided_slice %add3A_389 {offsets = [0, 0], sizes = [32, 1024], strides = [1, 1]} : vector<128x1024xf32> to vector<32x1024xf32>
      %logistic3A_391 = arith.negf %slice3A_390 : vector<32x1024xf32>
      %logistic3A_392 = math.exp %logistic3A_391 : vector<32x1024xf32>
      %logistic3A_393 = arith.constant 1.000000e+00 : f32
      %logistic3A_394 = vector.broadcast %logistic3A_393 : f32 to vector<32x1024xf32>
      %logistic3A_395 = arith.addf %logistic3A_394, %logistic3A_392 : vector<32x1024xf32>
      %logistic3A_396 = arith.divf %logistic3A_394, %logistic3A_395 : vector<32x1024xf32>
      %slice3A_397 = vector.extract_strided_slice %add3A_389 {offsets = [32, 0], sizes = [32, 1024], strides = [1, 1]} : vector<128x1024xf32> to vector<32x1024xf32>
      %logistic3A_398 = arith.negf %slice3A_397 : vector<32x1024xf32>
      %logistic3A_399 = math.exp %logistic3A_398 : vector<32x1024xf32>
      %logistic3A_400 = arith.constant 1.000000e+00 : f32
      %logistic3A_401 = vector.broadcast %logistic3A_400 : f32 to vector<32x1024xf32>
      %logistic3A_402 = arith.addf %logistic3A_401, %logistic3A_399 : vector<32x1024xf32>
      %logistic3A_403 = arith.divf %logistic3A_401, %logistic3A_402 : vector<32x1024xf32>
      %slice3A_404 = vector.extract_strided_slice %add3A_389 {offsets = [64, 0], sizes = [32, 1024], strides = [1, 1]} : vector<128x1024xf32> to vector<32x1024xf32>
      %tanh3A_405 = math.tanh %slice3A_404 : vector<32x1024xf32>
      %slice3A_406 = vector.extract_strided_slice %add3A_389 {offsets = [96, 0], sizes = [32, 1024], strides = [1, 1]} : vector<128x1024xf32> to vector<32x1024xf32>
      %logistic3A_407 = arith.negf %slice3A_406 : vector<32x1024xf32>
      %logistic3A_408 = math.exp %logistic3A_407 : vector<32x1024xf32>
      %logistic3A_409 = arith.constant 1.000000e+00 : f32
      %logistic3A_410 = vector.broadcast %logistic3A_409 : f32 to vector<32x1024xf32>
      %logistic3A_411 = arith.addf %logistic3A_410, %logistic3A_408 : vector<32x1024xf32>
      %logistic3A_412 = arith.divf %logistic3A_410, %logistic3A_411 : vector<32x1024xf32>
      %mul3A_413 = arith.mulf %logistic3A_403, %scan3A_360 : vector<32x1024xf32>
      %mul3A_414 = arith.mulf %logistic3A_396, %tanh3A_405 : vector<32x1024xf32>
      %add3A_415 = arith.addf %mul3A_413, %mul3A_414 : vector<32x1024xf32>
      %tanh3A_416 = math.tanh %add3A_415 : vector<32x1024xf32>
      %mul3A_417 = arith.mulf %logistic3A_412, %tanh3A_416 : vector<32x1024xf32>
      %swap3A_418 = arith.index_cast %scan3A_358 : i32 to index
      %swap3A_419 = arith.constant 0 : index
      %swap3A_420 = arith.constant 0 : index
      %swap3A_421 = vector.load %arg24[%swap3A_418, %swap3A_419, %swap3A_420] : memref<16x32x1024xf32, #tpu.memory_space<vmem>>, vector<1x32x1024xf32>
      %swap3A_422 = vector.shape_cast %swap3A_421 : vector<1x32x1024xf32> to vector<32x1024xf32>
      %swap3A_423 = vector.shape_cast %mul3A_417 : vector<32x1024xf32> to vector<1x32x1024xf32>
      tpu.vector_store %arg24[%swap3A_418, %swap3A_419, %swap3A_420], %swap3A_423 {strides = array<i32>} : memref<16x32x1024xf32, #tpu.memory_space<vmem>>, vector<1x32x1024xf32>,
      scf.yield %mul3A_417, %add3A_415 : vector<32x1024xf32>, vector<32x1024xf32>
    }
    %scan3A_22 = arith.constant 16 : i32
    %get3A_23 = arith.constant 0 : index
    %get3A_24 = arith.constant 0 : index
    %get3A_25 = vector.load %arg9[%get3A_23, %get3A_24] : memref<128x32xf32, #tpu.memory_space<vmem>>, vector<128x32xf32>
    %get3A_26 = arith.constant 0 : index
    %get3A_27 = arith.constant 0 : index
    %get3A_28 = vector.load %arg10[%get3A_26, %get3A_27] : memref<128x1xf32, #tpu.memory_space<vmem>>, vector<128x1xf32>
    %scan3A_29 = arith.constant 0 : i32
    %scan3A_30 = arith.constant 16 : i32
    %scan3A_31 = arith.addi %scan3A_29, %scan3A_30 : i32
    %scan3A_32 = arith.constant 1 : i32
    %scan3A_33:2 = scf.for %scan3A_358 = %scan3A_29 to %scan3A_31 step %scan3A_32 iter_args(%scan3A_359 = %broadcast_in_dim3A_17, %scan3A_360 = %broadcast_in_dim3A_17) -> (vector<32x1024xf32>, vector<32x1024xf32>)  : i32 {
      %get3A_361 = arith.constant 0 : index
      %get3A_362 = arith.constant 0 : index
      %get3A_363 = vector.load %arg7[%get3A_361, %get3A_362] : memref<128x32xf32, #tpu.memory_space<vmem>>, vector<128x32xf32>
      %get3A_364 = arith.index_cast %scan3A_358 : i32 to index
      %get3A_365 = arith.constant 0 : index
      %get3A_366 = arith.constant 0 : index
      %get3A_367 = vector.load %arg24[%get3A_364, %get3A_365, %get3A_366] : memref<16x32x1024xf32, #tpu.memory_space<vmem>>, vector<1x32x1024xf32>
      %get3A_368 = vector.shape_cast %get3A_367 : vector<1x32x1024xf32> to vector<32x1024xf32>
      %dot_general3A_369 = arith.constant dense<0.000000e+00> : vector<128x1024xf32>
      %dot_general3A_370 = tpu.matmul %get3A_363, %get3A_368, %dot_general3A_369 {dimension_numbers = #tpu.dot_dimension_numbers<[1], [0], [0], [1], [0, 0, 1, 1], [], []>, transpose_lhs_hint = false} : vector<128x32xf32>, vector<32x1024xf32>, vector<128x1024xf32> -> vector<128x1024xf32>
      %get3A_371 = arith.constant 0 : index
      %get3A_372 = arith.constant 0 : index
      %get3A_373 = vector.load %arg8[%get3A_371, %get3A_372] : memref<128x32xf32, #tpu.memory_space<vmem>>, vector<128x32xf32>
      %sub3A = arith.constant 15 : i32
      %sub3A_374 = arith.subi %sub3A, %scan3A_358 : i32
      %get3A_375 = arith.index_cast %sub3A_374 : i32 to index
      %get3A_376 = arith.constant 0 : index
      %get3A_377 = arith.constant 0 : index
      %get3A_378 = vector.load %arg24[%get3A_375, %get3A_376, %get3A_377] : memref<16x32x1024xf32, #tpu.memory_space<vmem>>, vector<1x32x1024xf32>
      %get3A_379 = vector.shape_cast %get3A_378 : vector<1x32x1024xf32> to vector<32x1024xf32>
      %dot_general3A_380 = arith.constant dense<0.000000e+00> : vector<128x1024xf32>
      %dot_general3A_381 = tpu.matmul %get3A_373, %get3A_379, %dot_general3A_380 {dimension_numbers = #tpu.dot_dimension_numbers<[1], [0], [0], [1], [0, 0, 1, 1], [], []>, transpose_lhs_hint = false} : vector<128x32xf32>, vector<32x1024xf32>, vector<128x1024xf32> -> vector<128x1024xf32>
      %add3A_382 = arith.addf %dot_general3A_370, %dot_general3A_381 : vector<128x1024xf32>
      %add3A_383 = vector.broadcast %get3A_28 : vector<128x1xf32> to vector<128x1024xf32>
      %add3A_384 = arith.addf %add3A_382, %add3A_383 : vector<128x1024xf32>
      %dot_general3A_385 = arith.constant dense<0.000000e+00> : vector<128x1024xf32>
      %dot_general3A_386 = tpu.matmul %get3A_25, %scan3A_359, %dot_general3A_385 {dimension_numbers = #tpu.dot_dimension_numbers<[1], [0], [0], [1], [0, 0, 1, 1], [], []>, transpose_lhs_hint = false} : vector<128x32xf32>, vector<32x1024xf32>, vector<128x1024xf32> -> vector<128x1024xf32>
      %add3A_387 = arith.addf %add3A_384, %dot_general3A_386 : vector<128x1024xf32>
      %slice3A_388 = vector.extract_strided_slice %add3A_387 {offsets = [0, 0], sizes = [32, 1024], strides = [1, 1]} : vector<128x1024xf32> to vector<32x1024xf32>
      %logistic3A_389 = arith.negf %slice3A_388 : vector<32x1024xf32>
      %logistic3A_390 = math.exp %logistic3A_389 : vector<32x1024xf32>
      %logistic3A_391 = arith.constant 1.000000e+00 : f32
      %logistic3A_392 = vector.broadcast %logistic3A_391 : f32 to vector<32x1024xf32>
      %logistic3A_393 = arith.addf %logistic3A_392, %logistic3A_390 : vector<32x1024xf32>
      %logistic3A_394 = arith.divf %logistic3A_392, %logistic3A_393 : vector<32x1024xf32>
      %slice3A_395 = vector.extract_strided_slice %add3A_387 {offsets = [32, 0], sizes = [32, 1024], strides = [1, 1]} : vector<128x1024xf32> to vector<32x1024xf32>
      %logistic3A_396 = arith.negf %slice3A_395 : vector<32x1024xf32>
      %logistic3A_397 = math.exp %logistic3A_396 : vector<32x1024xf32>
      %logistic3A_398 = arith.constant 1.000000e+00 : f32
      %logistic3A_399 = vector.broadcast %logistic3A_398 : f32 to vector<32x1024xf32>
      %logistic3A_400 = arith.addf %logistic3A_399, %logistic3A_397 : vector<32x1024xf32>
      %logistic3A_401 = arith.divf %logistic3A_399, %logistic3A_400 : vector<32x1024xf32>
      %slice3A_402 = vector.extract_strided_slice %add3A_387 {offsets = [64, 0], sizes = [32, 1024], strides = [1, 1]} : vector<128x1024xf32> to vector<32x1024xf32>
      %tanh3A_403 = math.tanh %slice3A_402 : vector<32x1024xf32>
      %slice3A_404 = vector.extract_strided_slice %add3A_387 {offsets = [96, 0], sizes = [32, 1024], strides = [1, 1]} : vector<128x1024xf32> to vector<32x1024xf32>
      %logistic3A_405 = arith.negf %slice3A_404 : vector<32x1024xf32>
      %logistic3A_406 = math.exp %logistic3A_405 : vector<32x1024xf32>
      %logistic3A_407 = arith.constant 1.000000e+00 : f32
      %logistic3A_408 = vector.broadcast %logistic3A_407 : f32 to vector<32x1024xf32>
      %logistic3A_409 = arith.addf %logistic3A_408, %logistic3A_406 : vector<32x1024xf32>
      %logistic3A_410 = arith.divf %logistic3A_408, %logistic3A_409 : vector<32x1024xf32>
      %mul3A_411 = arith.mulf %logistic3A_401, %scan3A_360 : vector<32x1024xf32>
      %mul3A_412 = arith.mulf %logistic3A_394, %tanh3A_403 : vector<32x1024xf32>
      %add3A_413 = arith.addf %mul3A_411, %mul3A_412 : vector<32x1024xf32>
      %tanh3A_414 = math.tanh %add3A_413 : vector<32x1024xf32>
      %mul3A_415 = arith.mulf %logistic3A_410, %tanh3A_414 : vector<32x1024xf32>
      scf.yield %mul3A_415, %add3A_413 : vector<32x1024xf32>, vector<32x1024xf32>
    }
    %scan3A_34 = arith.constant 16 : i32
    %get3A_35 = arith.constant 0 : index
    %get3A_36 = arith.constant 0 : index
    %get3A_37 = vector.load %arg11[%get3A_35, %get3A_36] : memref<26x32xf32, #tpu.memory_space<vmem>>, vector<26x32xf32>
    %dot_general3A_38 = arith.constant dense<0.000000e+00> : vector<26x1024xf32>
    %dot_general3A_39 = tpu.matmul %get3A_37, %scan3A_21#0, %dot_general3A_38 {dimension_numbers = #tpu.dot_dimension_numbers<[1], [0], [0], [1], [0, 0, 1, 1], [], []>, transpose_lhs_hint = false} : vector<26x32xf32>, vector<32x1024xf32>, vector<26x1024xf32> -> vector<26x1024xf32>
    %get3A_40 = arith.constant 0 : index
    %get3A_41 = arith.constant 0 : index
    %get3A_42 = vector.load %arg12[%get3A_40, %get3A_41] : memref<26x32xf32, #tpu.memory_space<vmem>>, vector<26x32xf32>
    %dot_general3A_43 = arith.constant dense<0.000000e+00> : vector<26x1024xf32>
    %dot_general3A_44 = tpu.matmul %get3A_42, %scan3A_33#0, %dot_general3A_43 {dimension_numbers = #tpu.dot_dimension_numbers<[1], [0], [0], [1], [0, 0, 1, 1], [], []>, transpose_lhs_hint = false} : vector<26x32xf32>, vector<32x1024xf32>, vector<26x1024xf32> -> vector<26x1024xf32>
    %add3A = arith.addf %dot_general3A_39, %dot_general3A_44 : vector<26x1024xf32>
    %get3A_45 = arith.constant 0 : index
    %get3A_46 = arith.constant 0 : index
    %get3A_47 = vector.load %arg13[%get3A_45, %get3A_46] : memref<26x1xf32, #tpu.memory_space<vmem>>, vector<26x1xf32>
    %add3A_48 = vector.broadcast %get3A_47 : vector<26x1xf32> to vector<26x1024xf32>
    %add3A_49 = arith.addf %add3A, %add3A_48 : vector<26x1024xf32>
    %swap3A = arith.constant 0 : index
    %swap3A_50 = arith.constant 0 : index
    %swap3A_51 = vector.load %arg22[%swap3A, %swap3A_50] : memref<26x1024xf32, #tpu.memory_space<vmem>>, vector<26x1024xf32>
    tpu.vector_store %arg22[%swap3A, %swap3A_50], %add3A_49 {strides = array<i32>} : memref<26x1024xf32, #tpu.memory_space<vmem>>, vector<26x1024xf32>,
    %get3A_52 = arith.constant 0 : index
    %get3A_53 = arith.constant 0 : index
    %get3A_54 = vector.load %arg14[%get3A_52, %get3A_53] : memref<26x32xf32, #tpu.memory_space<vmem>>, vector<26x32xf32>
    %dot_general3A_55 = arith.constant dense<0.000000e+00> : vector<26x1024xf32>
    %dot_general3A_56 = tpu.matmul %get3A_54, %scan3A_21#1, %dot_general3A_55 {dimension_numbers = #tpu.dot_dimension_numbers<[1], [0], [0], [1], [0, 0, 1, 1], [], []>, transpose_lhs_hint = false} : vector<26x32xf32>, vector<32x1024xf32>, vector<26x1024xf32> -> vector<26x1024xf32>
    %get3A_57 = arith.constant 0 : index
    %get3A_58 = arith.constant 0 : index
    %get3A_59 = vector.load %arg15[%get3A_57, %get3A_58] : memref<26x32xf32, #tpu.memory_space<vmem>>, vector<26x32xf32>
    %dot_general3A_60 = arith.constant dense<0.000000e+00> : vector<26x1024xf32>
    %dot_general3A_61 = tpu.matmul %get3A_59, %scan3A_33#1, %dot_general3A_60 {dimension_numbers = #tpu.dot_dimension_numbers<[1], [0], [0], [1], [0, 0, 1, 1], [], []>, transpose_lhs_hint = false} : vector<26x32xf32>, vector<32x1024xf32>, vector<26x1024xf32> -> vector<26x1024xf32>
    %add3A_62 = arith.addf %dot_general3A_56, %dot_general3A_61 : vector<26x1024xf32>
    %get3A_63 = arith.constant 0 : index
    %get3A_64 = arith.constant 0 : index
    %get3A_65 = vector.load %arg16[%get3A_63, %get3A_64] : memref<26x1xf32, #tpu.memory_space<vmem>>, vector<26x1xf32>
    %add3A_66 = vector.broadcast %get3A_65 : vector<26x1xf32> to vector<26x1024xf32>
    %add3A_67 = arith.addf %add3A_62, %add3A_66 : vector<26x1024xf32>
    %swap3A_68 = arith.constant 0 : index
    %swap3A_69 = arith.constant 0 : index
    %swap3A_70 = vector.load %arg23[%swap3A_68, %swap3A_69] : memref<26x1024xf32, #tpu.memory_space<vmem>>, vector<26x1024xf32>
    tpu.vector_store %arg23[%swap3A_68, %swap3A_69], %add3A_67 {strides = array<i32>} : memref<26x1024xf32, #tpu.memory_space<vmem>>, vector<26x1024xf32>,
    %iota3A_71 = tpu.iota {dimensions = array<i32: 0>} : vector<64x1xi32>
    %convert_element_type3A = arith.sitofp %iota3A_71 : vector<64x1xi32> to vector<64x1xf32>
    %broadcast_in_dim3A_72 = arith.constant 0.000000e+00 : f32
    %broadcast_in_dim3A_73 = vector.broadcast %broadcast_in_dim3A_72 : f32 to vector<64x13xf32>
    %get3A_74 = arith.constant 0 : index
    %get3A_75 = arith.constant 0 : index
    %get3A_76 = arith.constant 0 : index
    %get3A_77 = vector.load %arg17[%get3A_74, %get3A_75, %get3A_76] : memref<2x1x52xf32, #tpu.memory_space<vmem>>, vector<1x1x52xf32>
    %get3A_78 = vector.shape_cast %get3A_77 : vector<1x1x52xf32> to vector<1x52xf32>
    %mul3A = vector.broadcast %convert_element_type3A : vector<64x1xf32> to vector<64x52xf32>
    %mul3A_79 = vector.broadcast %get3A_78 : vector<1x52xf32> to vector<64x52xf32>
    %mul3A_80 = arith.mulf %mul3A, %mul3A_79 : vector<64x52xf32>
    %get3A_81 = arith.constant 0 : index
    %get3A_82 = arith.constant 0 : index
    %get3A_83 = arith.constant 0 : index
    %get3A_84 = vector.load %arg18[%get3A_81, %get3A_82, %get3A_83] : memref<2x1x52xf32, #tpu.memory_space<vmem>>, vector<1x1x52xf32>
    %get3A_85 = vector.shape_cast %get3A_84 : vector<1x1x52xf32> to vector<1x52xf32>
    %add3A_86 = vector.broadcast %get3A_85 : vector<1x52xf32> to vector<64x52xf32>
    %add3A_87 = arith.addf %mul3A_80, %add3A_86 : vector<64x52xf32>
    %slice3A = vector.extract_strided_slice %add3A_87 {offsets = [0, 0], sizes = [64, 13], strides = [1, 1]} : vector<64x52xf32> to vector<64x13xf32>
    %logistic3A = arith.negf %slice3A : vector<64x13xf32>
    %logistic3A_88 = math.exp %logistic3A : vector<64x13xf32>
    %logistic3A_89 = arith.constant 1.000000e+00 : f32
    %logistic3A_90 = vector.broadcast %logistic3A_89 : f32 to vector<64x13xf32>
    %logistic3A_91 = arith.addf %logistic3A_90, %logistic3A_88 : vector<64x13xf32>
    %logistic3A_92 = arith.divf %logistic3A_90, %logistic3A_91 : vector<64x13xf32>
    %slice3A_93 = vector.extract_strided_slice %add3A_87 {offsets = [0, 13], sizes = [64, 13], strides = [1, 1]} : vector<64x52xf32> to vector<64x13xf32>
    %logistic3A_94 = arith.negf %slice3A_93 : vector<64x13xf32>
    %logistic3A_95 = math.exp %logistic3A_94 : vector<64x13xf32>
    %logistic3A_96 = arith.constant 1.000000e+00 : f32
    %logistic3A_97 = vector.broadcast %logistic3A_96 : f32 to vector<64x13xf32>
    %logistic3A_98 = arith.addf %logistic3A_97, %logistic3A_95 : vector<64x13xf32>
    %logistic3A_99 = arith.divf %logistic3A_97, %logistic3A_98 : vector<64x13xf32>
    %slice3A_100 = vector.extract_strided_slice %add3A_87 {offsets = [0, 26], sizes = [64, 13], strides = [1, 1]} : vector<64x52xf32> to vector<64x13xf32>
    %tanh3A = math.tanh %slice3A_100 : vector<64x13xf32>
    %slice3A_101 = vector.extract_strided_slice %add3A_87 {offsets = [0, 39], sizes = [64, 13], strides = [1, 1]} : vector<64x52xf32> to vector<64x13xf32>
    %logistic3A_102 = arith.negf %slice3A_101 : vector<64x13xf32>
    %logistic3A_103 = math.exp %logistic3A_102 : vector<64x13xf32>
    %logistic3A_104 = arith.constant 1.000000e+00 : f32
    %logistic3A_105 = vector.broadcast %logistic3A_104 : f32 to vector<64x13xf32>
    %logistic3A_106 = arith.addf %logistic3A_105, %logistic3A_103 : vector<64x13xf32>
    %logistic3A_107 = arith.divf %logistic3A_105, %logistic3A_106 : vector<64x13xf32>
    %mul3A_108 = arith.mulf %logistic3A_99, %broadcast_in_dim3A_73 : vector<64x13xf32>
    %mul3A_109 = arith.mulf %logistic3A_92, %tanh3A : vector<64x13xf32>
    %add3A_110 = arith.addf %mul3A_108, %mul3A_109 : vector<64x13xf32>
    %tanh3A_111 = math.tanh %add3A_110 : vector<64x13xf32>
    %mul3A_112 = arith.mulf %logistic3A_107, %tanh3A_111 : vector<64x13xf32>
    %get3A_113 = arith.constant 1 : index
    %get3A_114 = arith.constant 0 : index
    %get3A_115 = arith.constant 0 : index
    %get3A_116 = vector.load %arg17[%get3A_113, %get3A_114, %get3A_115] : memref<2x1x52xf32, #tpu.memory_space<vmem>>, vector<1x1x52xf32>
    %get3A_117 = vector.shape_cast %get3A_116 : vector<1x1x52xf32> to vector<1x52xf32>
    %mul3A_118 = vector.broadcast %convert_element_type3A : vector<64x1xf32> to vector<64x52xf32>
    %mul3A_119 = vector.broadcast %get3A_117 : vector<1x52xf32> to vector<64x52xf32>
    %mul3A_120 = arith.mulf %mul3A_118, %mul3A_119 : vector<64x52xf32>
    %get3A_121 = arith.constant 1 : index
    %get3A_122 = arith.constant 0 : index
    %get3A_123 = arith.constant 0 : index
    %get3A_124 = vector.load %arg18[%get3A_121, %get3A_122, %get3A_123] : memref<2x1x52xf32, #tpu.memory_space<vmem>>, vector<1x1x52xf32>
    %get3A_125 = vector.shape_cast %get3A_124 : vector<1x1x52xf32> to vector<1x52xf32>
    %add3A_126 = vector.broadcast %get3A_125 : vector<1x52xf32> to vector<64x52xf32>
    %add3A_127 = arith.addf %mul3A_120, %add3A_126 : vector<64x52xf32>
    %slice3A_128 = vector.extract_strided_slice %add3A_127 {offsets = [0, 0], sizes = [64, 13], strides = [1, 1]} : vector<64x52xf32> to vector<64x13xf32>
    %logistic3A_129 = arith.negf %slice3A_128 : vector<64x13xf32>
    %logistic3A_130 = math.exp %logistic3A_129 : vector<64x13xf32>
    %logistic3A_131 = arith.constant 1.000000e+00 : f32
    %logistic3A_132 = vector.broadcast %logistic3A_131 : f32 to vector<64x13xf32>
    %logistic3A_133 = arith.addf %logistic3A_132, %logistic3A_130 : vector<64x13xf32>
    %logistic3A_134 = arith.divf %logistic3A_132, %logistic3A_133 : vector<64x13xf32>
    %slice3A_135 = vector.extract_strided_slice %add3A_127 {offsets = [0, 13], sizes = [64, 13], strides = [1, 1]} : vector<64x52xf32> to vector<64x13xf32>
    %logistic3A_136 = arith.negf %slice3A_135 : vector<64x13xf32>
    %logistic3A_137 = math.exp %logistic3A_136 : vector<64x13xf32>
    %logistic3A_138 = arith.constant 1.000000e+00 : f32
    %logistic3A_139 = vector.broadcast %logistic3A_138 : f32 to vector<64x13xf32>
    %logistic3A_140 = arith.addf %logistic3A_139, %logistic3A_137 : vector<64x13xf32>
    %logistic3A_141 = arith.divf %logistic3A_139, %logistic3A_140 : vector<64x13xf32>
    %slice3A_142 = vector.extract_strided_slice %add3A_127 {offsets = [0, 26], sizes = [64, 13], strides = [1, 1]} : vector<64x52xf32> to vector<64x13xf32>
    %tanh3A_143 = math.tanh %slice3A_142 : vector<64x13xf32>
    %slice3A_144 = vector.extract_strided_slice %add3A_127 {offsets = [0, 39], sizes = [64, 13], strides = [1, 1]} : vector<64x52xf32> to vector<64x13xf32>
    %logistic3A_145 = arith.negf %slice3A_144 : vector<64x13xf32>
    %logistic3A_146 = math.exp %logistic3A_145 : vector<64x13xf32>
    %logistic3A_147 = arith.constant 1.000000e+00 : f32
    %logistic3A_148 = vector.broadcast %logistic3A_147 : f32 to vector<64x13xf32>
    %logistic3A_149 = arith.addf %logistic3A_148, %logistic3A_146 : vector<64x13xf32>
    %logistic3A_150 = arith.divf %logistic3A_148, %logistic3A_149 : vector<64x13xf32>
    %mul3A_151 = arith.mulf %logistic3A_141, %broadcast_in_dim3A_73 : vector<64x13xf32>
    %mul3A_152 = arith.mulf %logistic3A_134, %tanh3A_143 : vector<64x13xf32>
    %add3A_153 = arith.addf %mul3A_151, %mul3A_152 : vector<64x13xf32>
    %tanh3A_154 = math.tanh %add3A_153 : vector<64x13xf32>
    %mul3A_155 = arith.mulf %logistic3A_150, %tanh3A_154 : vector<64x13xf32>
    %concatenate3A = tpu.concatenate %mul3A_112, %mul3A_155 in 1 : vector<64x13xf32>, vector<64x13xf32> -> vector<64x26xf32>
    %get3A_156 = arith.constant 0 : index
    %get3A_157 = arith.constant 0 : index
    %get3A_158 = vector.load %arg19[%get3A_156, %get3A_157] : memref<26x64xf32, #tpu.memory_space<vmem>>, vector<26x64xf32>
    %dot_general3A_159 = arith.constant dense<0.000000e+00> : vector<64x64xf32>
    %dot_general3A_160 = tpu.matmul %concatenate3A, %get3A_158, %dot_general3A_159 {dimension_numbers = #tpu.dot_dimension_numbers<[1], [0], [0], [1], [0, 0, 1, 1], [], []>, transpose_lhs_hint = false} : vector<64x26xf32>, vector<26x64xf32>, vector<64x64xf32> -> vector<64x64xf32>
    %get3A_161 = arith.constant 0 : index
    %get3A_162 = arith.constant 0 : index
    %get3A_163 = vector.load %arg20[%get3A_161, %get3A_162] : memref<1x64xf32, #tpu.memory_space<vmem>>, vector<1x64xf32>
    %add3A_164 = vector.broadcast %get3A_163 : vector<1x64xf32> to vector<64x64xf32>
    %add3A_165 = arith.addf %dot_general3A_160, %add3A_164 : vector<64x64xf32>
    %broadcast_in_dim3A_166 = arith.constant 0.000000e+00 : f32
    %broadcast_in_dim3A_167 = vector.broadcast %broadcast_in_dim3A_166 : f32 to vector<64x64xf32>
    %concatenate3A_168 = tpu.concatenate %add3A_165, %broadcast_in_dim3A_167 in 1 : vector<64x64xf32>, vector<64x64xf32> -> vector<64x128xf32>
    %concatenate3A_169 = tpu.concatenate %broadcast_in_dim3A_167, %add3A_165 in 1 : vector<64x64xf32>, vector<64x64xf32> -> vector<64x128xf32>
    %concatenate3A_170 = tpu.concatenate %concatenate3A_168, %concatenate3A_169 in 0 : vector<64x128xf32>, vector<64x128xf32> -> vector<128x128xf32>
    %iota3A_171 = tpu.iota {dimensions = array<i32: 1>} : vector<1024x128xi32>
    %and3A = arith.constant 63 : i32
    %and3A_172 = vector.broadcast %and3A : i32 to vector<1024x128xi32>
    %and3A_173 = arith.andi %iota3A_171, %and3A_172 : vector<1024x128xi32>
    %ge3A = arith.constant 64 : i32
    %ge3A_174 = vector.broadcast %ge3A : i32 to vector<1024x128xi32>
    %ge3A_175 = arith.cmpi sge, %iota3A_171, %ge3A_174 : vector<1024x128xi32>
    %get3A_176 = arith.constant 0 : index
    %get3A_177 = arith.constant 0 : index
    %get3A_178 = arith.constant 0 : index
    %get3A_179 = vector.load %arg1[%get3A_176, %get3A_177, %get3A_178] : memref<16x1024x1xi32, #tpu.memory_space<vmem>>, vector<1x1024x1xi32>
    %get3A_180 = vector.shape_cast %get3A_179 : vector<1x1024x1xi32> to vector<1024x1xi32>
    %get3A_181 = arith.constant 0 : index
    %get3A_182 = arith.constant 0 : index
    %get3A_183 = arith.constant 0 : index
    %get3A_184 = vector.load %arg1[%get3A_181, %get3A_182, %get3A_183] : memref<16x1024x1xi32, #tpu.memory_space<vmem>>, vector<1x1024x1xi32>
    %get3A_185 = vector.shape_cast %get3A_184 : vector<1x1024x1xi32> to vector<1024x1xi32>
    %broadcast_in_dim3A_186 = vector.shape_cast %get3A_180 : vector<1024x1xi32> to vector<1024x1xi32>
    %broadcast_in_dim3A_187 = vector.broadcast %broadcast_in_dim3A_186 : vector<1024x1xi32> to vector<1024x128xi32>
    %broadcast_in_dim3A_188 = vector.shape_cast %get3A_185 : vector<1024x1xi32> to vector<1024x1xi32>
    %broadcast_in_dim3A_189 = vector.broadcast %broadcast_in_dim3A_188 : vector<1024x1xi32> to vector<1024x128xi32>
    %select_n3A = arith.select %ge3A_175, %broadcast_in_dim3A_187, %broadcast_in_dim3A_189 : vector<1024x128xi1>, vector<1024x128xi32>
    %eq3A = arith.cmpi eq, %and3A_173, %select_n3A : vector<1024x128xi32>
    %convert_element_type3A_190 = arith.extui %eq3A : vector<1024x128xi1> to vector<1024x128xi32>
    %convert_element_type3A_191 = arith.sitofp %convert_element_type3A_190 : vector<1024x128xi32> to vector<1024x128xf32>
    %dot_general3A_192 = arith.constant dense<0.000000e+00> : vector<1024x128xf32>
    %dot_general3A_193 = tpu.matmul %convert_element_type3A_191, %concatenate3A_170, %dot_general3A_192 {dimension_numbers = #tpu.dot_dimension_numbers<[1], [0], [0], [1], [0, 0, 1, 1], [], []>, transpose_lhs_hint = false} : vector<1024x128xf32>, vector<128x128xf32>, vector<1024x128xf32> -> vector<1024x128xf32>
    %swap3A_194 = arith.constant 0 : index
    %swap3A_195 = arith.constant 0 : index
    %swap3A_196 = vector.load %arg21[%swap3A_194, %swap3A_195] : memref<1024x1024xf32, #tpu.memory_space<vmem>>, vector<1024x128xf32>
    tpu.vector_store %arg21[%swap3A_194, %swap3A_195], %dot_general3A_193 {strides = array<i32>} : memref<1024x1024xf32, #tpu.memory_space<vmem>>, vector<1024x128xf32>,
    %get3A_197 = arith.constant 2 : index
    %get3A_198 = arith.constant 0 : index
    %get3A_199 = arith.constant 0 : index
    %get3A_200 = vector.load %arg1[%get3A_197, %get3A_198, %get3A_199] : memref<16x1024x1xi32, #tpu.memory_space<vmem>>, vector<1x1024x1xi32>
    %get3A_201 = vector.shape_cast %get3A_200 : vector<1x1024x1xi32> to vector<1024x1xi32>
    %get3A_202 = arith.constant 1 : index
    %get3A_203 = arith.constant 0 : index
    %get3A_204 = arith.constant 0 : index
    %get3A_205 = vector.load %arg1[%get3A_202, %get3A_203, %get3A_204] : memref<16x1024x1xi32, #tpu.memory_space<vmem>>, vector<1x1024x1xi32>
    %get3A_206 = vector.shape_cast %get3A_205 : vector<1x1024x1xi32> to vector<1024x1xi32>
    %broadcast_in_dim3A_207 = vector.shape_cast %get3A_201 : vector<1024x1xi32> to vector<1024x1xi32>
    %broadcast_in_dim3A_208 = vector.broadcast %broadcast_in_dim3A_207 : vector<1024x1xi32> to vector<1024x128xi32>
    %broadcast_in_dim3A_209 = vector.shape_cast %get3A_206 : vector<1024x1xi32> to vector<1024x1xi32>
    %broadcast_in_dim3A_210 = vector.broadcast %broadcast_in_dim3A_209 : vector<1024x1xi32> to vector<1024x128xi32>
    %select_n3A_211 = arith.select %ge3A_175, %broadcast_in_dim3A_208, %broadcast_in_dim3A_210 : vector<1024x128xi1>, vector<1024x128xi32>
    %eq3A_212 = arith.cmpi eq, %and3A_173, %select_n3A_211 : vector<1024x128xi32>
    %convert_element_type3A_213 = arith.extui %eq3A_212 : vector<1024x128xi1> to vector<1024x128xi32>
    %convert_element_type3A_214 = arith.sitofp %convert_element_type3A_213 : vector<1024x128xi32> to vector<1024x128xf32>
    %dot_general3A_215 = arith.constant dense<0.000000e+00> : vector<1024x128xf32>
    %dot_general3A_216 = tpu.matmul %convert_element_type3A_214, %concatenate3A_170, %dot_general3A_215 {dimension_numbers = #tpu.dot_dimension_numbers<[1], [0], [0], [1], [0, 0, 1, 1], [], []>, transpose_lhs_hint = false} : vector<1024x128xf32>, vector<128x128xf32>, vector<1024x128xf32> -> vector<1024x128xf32>
    %swap3A_217 = arith.constant 0 : index
    %swap3A_218 = arith.constant 128 : index
    %swap3A_219 = vector.load %arg21[%swap3A_217, %swap3A_218] : memref<1024x1024xf32, #tpu.memory_space<vmem>>, vector<1024x128xf32>
    tpu.vector_store %arg21[%swap3A_217, %swap3A_218], %dot_general3A_216 {strides = array<i32>} : memref<1024x1024xf32, #tpu.memory_space<vmem>>, vector<1024x128xf32>,
    %get3A_220 = arith.constant 4 : index
    %get3A_221 = arith.constant 0 : index
    %get3A_222 = arith.constant 0 : index
    %get3A_223 = vector.load %arg1[%get3A_220, %get3A_221, %get3A_222] : memref<16x1024x1xi32, #tpu.memory_space<vmem>>, vector<1x1024x1xi32>
    %get3A_224 = vector.shape_cast %get3A_223 : vector<1x1024x1xi32> to vector<1024x1xi32>
    %get3A_225 = arith.constant 3 : index
    %get3A_226 = arith.constant 0 : index
    %get3A_227 = arith.constant 0 : index
    %get3A_228 = vector.load %arg1[%get3A_225, %get3A_226, %get3A_227] : memref<16x1024x1xi32, #tpu.memory_space<vmem>>, vector<1x1024x1xi32>
    %get3A_229 = vector.shape_cast %get3A_228 : vector<1x1024x1xi32> to vector<1024x1xi32>
    %broadcast_in_dim3A_230 = vector.shape_cast %get3A_224 : vector<1024x1xi32> to vector<1024x1xi32>
    %broadcast_in_dim3A_231 = vector.broadcast %broadcast_in_dim3A_230 : vector<1024x1xi32> to vector<1024x128xi32>
    %broadcast_in_dim3A_232 = vector.shape_cast %get3A_229 : vector<1024x1xi32> to vector<1024x1xi32>
    %broadcast_in_dim3A_233 = vector.broadcast %broadcast_in_dim3A_232 : vector<1024x1xi32> to vector<1024x128xi32>
    %select_n3A_234 = arith.select %ge3A_175, %broadcast_in_dim3A_231, %broadcast_in_dim3A_233 : vector<1024x128xi1>, vector<1024x128xi32>
    %eq3A_235 = arith.cmpi eq, %and3A_173, %select_n3A_234 : vector<1024x128xi32>
    %convert_element_type3A_236 = arith.extui %eq3A_235 : vector<1024x128xi1> to vector<1024x128xi32>
    %convert_element_type3A_237 = arith.sitofp %convert_element_type3A_236 : vector<1024x128xi32> to vector<1024x128xf32>
    %dot_general3A_238 = arith.constant dense<0.000000e+00> : vector<1024x128xf32>
    %dot_general3A_239 = tpu.matmul %convert_element_type3A_237, %concatenate3A_170, %dot_general3A_238 {dimension_numbers = #tpu.dot_dimension_numbers<[1], [0], [0], [1], [0, 0, 1, 1], [], []>, transpose_lhs_hint = false} : vector<1024x128xf32>, vector<128x128xf32>, vector<1024x128xf32> -> vector<1024x128xf32>
    %swap3A_240 = arith.constant 0 : index
    %swap3A_241 = arith.constant 256 : index
    %swap3A_242 = vector.load %arg21[%swap3A_240, %swap3A_241] : memref<1024x1024xf32, #tpu.memory_space<vmem>>, vector<1024x128xf32>
    tpu.vector_store %arg21[%swap3A_240, %swap3A_241], %dot_general3A_239 {strides = array<i32>} : memref<1024x1024xf32, #tpu.memory_space<vmem>>, vector<1024x128xf32>,
    %get3A_243 = arith.constant 6 : index
    %get3A_244 = arith.constant 0 : index
    %get3A_245 = arith.constant 0 : index
    %get3A_246 = vector.load %arg1[%get3A_243, %get3A_244, %get3A_245] : memref<16x1024x1xi32, #tpu.memory_space<vmem>>, vector<1x1024x1xi32>
    %get3A_247 = vector.shape_cast %get3A_246 : vector<1x1024x1xi32> to vector<1024x1xi32>
    %get3A_248 = arith.constant 5 : index
    %get3A_249 = arith.constant 0 : index
    %get3A_250 = arith.constant 0 : index
    %get3A_251 = vector.load %arg1[%get3A_248, %get3A_249, %get3A_250] : memref<16x1024x1xi32, #tpu.memory_space<vmem>>, vector<1x1024x1xi32>
    %get3A_252 = vector.shape_cast %get3A_251 : vector<1x1024x1xi32> to vector<1024x1xi32>
    %broadcast_in_dim3A_253 = vector.shape_cast %get3A_247 : vector<1024x1xi32> to vector<1024x1xi32>
    %broadcast_in_dim3A_254 = vector.broadcast %broadcast_in_dim3A_253 : vector<1024x1xi32> to vector<1024x128xi32>
    %broadcast_in_dim3A_255 = vector.shape_cast %get3A_252 : vector<1024x1xi32> to vector<1024x1xi32>
    %broadcast_in_dim3A_256 = vector.broadcast %broadcast_in_dim3A_255 : vector<1024x1xi32> to vector<1024x128xi32>
    %select_n3A_257 = arith.select %ge3A_175, %broadcast_in_dim3A_254, %broadcast_in_dim3A_256 : vector<1024x128xi1>, vector<1024x128xi32>
    %eq3A_258 = arith.cmpi eq, %and3A_173, %select_n3A_257 : vector<1024x128xi32>
    %convert_element_type3A_259 = arith.extui %eq3A_258 : vector<1024x128xi1> to vector<1024x128xi32>
    %convert_element_type3A_260 = arith.sitofp %convert_element_type3A_259 : vector<1024x128xi32> to vector<1024x128xf32>
    %dot_general3A_261 = arith.constant dense<0.000000e+00> : vector<1024x128xf32>
    %dot_general3A_262 = tpu.matmul %convert_element_type3A_260, %concatenate3A_170, %dot_general3A_261 {dimension_numbers = #tpu.dot_dimension_numbers<[1], [0], [0], [1], [0, 0, 1, 1], [], []>, transpose_lhs_hint = false} : vector<1024x128xf32>, vector<128x128xf32>, vector<1024x128xf32> -> vector<1024x128xf32>
    %swap3A_263 = arith.constant 0 : index
    %swap3A_264 = arith.constant 384 : index
    %swap3A_265 = vector.load %arg21[%swap3A_263, %swap3A_264] : memref<1024x1024xf32, #tpu.memory_space<vmem>>, vector<1024x128xf32>
    tpu.vector_store %arg21[%swap3A_263, %swap3A_264], %dot_general3A_262 {strides = array<i32>} : memref<1024x1024xf32, #tpu.memory_space<vmem>>, vector<1024x128xf32>,
    %get3A_266 = arith.constant 8 : index
    %get3A_267 = arith.constant 0 : index
    %get3A_268 = arith.constant 0 : index
    %get3A_269 = vector.load %arg1[%get3A_266, %get3A_267, %get3A_268] : memref<16x1024x1xi32, #tpu.memory_space<vmem>>, vector<1x1024x1xi32>
    %get3A_270 = vector.shape_cast %get3A_269 : vector<1x1024x1xi32> to vector<1024x1xi32>
    %get3A_271 = arith.constant 7 : index
    %get3A_272 = arith.constant 0 : index
    %get3A_273 = arith.constant 0 : index
    %get3A_274 = vector.load %arg1[%get3A_271, %get3A_272, %get3A_273] : memref<16x1024x1xi32, #tpu.memory_space<vmem>>, vector<1x1024x1xi32>
    %get3A_275 = vector.shape_cast %get3A_274 : vector<1x1024x1xi32> to vector<1024x1xi32>
    %broadcast_in_dim3A_276 = vector.shape_cast %get3A_270 : vector<1024x1xi32> to vector<1024x1xi32>
    %broadcast_in_dim3A_277 = vector.broadcast %broadcast_in_dim3A_276 : vector<1024x1xi32> to vector<1024x128xi32>
    %broadcast_in_dim3A_278 = vector.shape_cast %get3A_275 : vector<1024x1xi32> to vector<1024x1xi32>
    %broadcast_in_dim3A_279 = vector.broadcast %broadcast_in_dim3A_278 : vector<1024x1xi32> to vector<1024x128xi32>
    %select_n3A_280 = arith.select %ge3A_175, %broadcast_in_dim3A_277, %broadcast_in_dim3A_279 : vector<1024x128xi1>, vector<1024x128xi32>
    %eq3A_281 = arith.cmpi eq, %and3A_173, %select_n3A_280 : vector<1024x128xi32>
    %convert_element_type3A_282 = arith.extui %eq3A_281 : vector<1024x128xi1> to vector<1024x128xi32>
    %convert_element_type3A_283 = arith.sitofp %convert_element_type3A_282 : vector<1024x128xi32> to vector<1024x128xf32>
    %dot_general3A_284 = arith.constant dense<0.000000e+00> : vector<1024x128xf32>
    %dot_general3A_285 = tpu.matmul %convert_element_type3A_283, %concatenate3A_170, %dot_general3A_284 {dimension_numbers = #tpu.dot_dimension_numbers<[1], [0], [0], [1], [0, 0, 1, 1], [], []>, transpose_lhs_hint = false} : vector<1024x128xf32>, vector<128x128xf32>, vector<1024x128xf32> -> vector<1024x128xf32>
    %swap3A_286 = arith.constant 0 : index
    %swap3A_287 = arith.constant 512 : index
    %swap3A_288 = vector.load %arg21[%swap3A_286, %swap3A_287] : memref<1024x1024xf32, #tpu.memory_space<vmem>>, vector<1024x128xf32>
    tpu.vector_store %arg21[%swap3A_286, %swap3A_287], %dot_general3A_285 {strides = array<i32>} : memref<1024x1024xf32, #tpu.memory_space<vmem>>, vector<1024x128xf32>,
    %get3A_289 = arith.constant 10 : index
    %get3A_290 = arith.constant 0 : index
    %get3A_291 = arith.constant 0 : index
    %get3A_292 = vector.load %arg1[%get3A_289, %get3A_290, %get3A_291] : memref<16x1024x1xi32, #tpu.memory_space<vmem>>, vector<1x1024x1xi32>
    %get3A_293 = vector.shape_cast %get3A_292 : vector<1x1024x1xi32> to vector<1024x1xi32>
    %get3A_294 = arith.constant 9 : index
    %get3A_295 = arith.constant 0 : index
    %get3A_296 = arith.constant 0 : index
    %get3A_297 = vector.load %arg1[%get3A_294, %get3A_295, %get3A_296] : memref<16x1024x1xi32, #tpu.memory_space<vmem>>, vector<1x1024x1xi32>
    %get3A_298 = vector.shape_cast %get3A_297 : vector<1x1024x1xi32> to vector<1024x1xi32>
    %broadcast_in_dim3A_299 = vector.shape_cast %get3A_293 : vector<1024x1xi32> to vector<1024x1xi32>
    %broadcast_in_dim3A_300 = vector.broadcast %broadcast_in_dim3A_299 : vector<1024x1xi32> to vector<1024x128xi32>
    %broadcast_in_dim3A_301 = vector.shape_cast %get3A_298 : vector<1024x1xi32> to vector<1024x1xi32>
    %broadcast_in_dim3A_302 = vector.broadcast %broadcast_in_dim3A_301 : vector<1024x1xi32> to vector<1024x128xi32>
    %select_n3A_303 = arith.select %ge3A_175, %broadcast_in_dim3A_300, %broadcast_in_dim3A_302 : vector<1024x128xi1>, vector<1024x128xi32>
    %eq3A_304 = arith.cmpi eq, %and3A_173, %select_n3A_303 : vector<1024x128xi32>
    %convert_element_type3A_305 = arith.extui %eq3A_304 : vector<1024x128xi1> to vector<1024x128xi32>
    %convert_element_type3A_306 = arith.sitofp %convert_element_type3A_305 : vector<1024x128xi32> to vector<1024x128xf32>
    %dot_general3A_307 = arith.constant dense<0.000000e+00> : vector<1024x128xf32>
    %dot_general3A_308 = tpu.matmul %convert_element_type3A_306, %concatenate3A_170, %dot_general3A_307 {dimension_numbers = #tpu.dot_dimension_numbers<[1], [0], [0], [1], [0, 0, 1, 1], [], []>, transpose_lhs_hint = false} : vector<1024x128xf32>, vector<128x128xf32>, vector<1024x128xf32> -> vector<1024x128xf32>
    %swap3A_309 = arith.constant 0 : index
    %swap3A_310 = arith.constant 640 : index
    %swap3A_311 = vector.load %arg21[%swap3A_309, %swap3A_310] : memref<1024x1024xf32, #tpu.memory_space<vmem>>, vector<1024x128xf32>
    tpu.vector_store %arg21[%swap3A_309, %swap3A_310], %dot_general3A_308 {strides = array<i32>} : memref<1024x1024xf32, #tpu.memory_space<vmem>>, vector<1024x128xf32>,
    %get3A_312 = arith.constant 12 : index
    %get3A_313 = arith.constant 0 : index
    %get3A_314 = arith.constant 0 : index
    %get3A_315 = vector.load %arg1[%get3A_312, %get3A_313, %get3A_314] : memref<16x1024x1xi32, #tpu.memory_space<vmem>>, vector<1x1024x1xi32>
    %get3A_316 = vector.shape_cast %get3A_315 : vector<1x1024x1xi32> to vector<1024x1xi32>
    %get3A_317 = arith.constant 11 : index
    %get3A_318 = arith.constant 0 : index
    %get3A_319 = arith.constant 0 : index
    %get3A_320 = vector.load %arg1[%get3A_317, %get3A_318, %get3A_319] : memref<16x1024x1xi32, #tpu.memory_space<vmem>>, vector<1x1024x1xi32>
    %get3A_321 = vector.shape_cast %get3A_320 : vector<1x1024x1xi32> to vector<1024x1xi32>
    %broadcast_in_dim3A_322 = vector.shape_cast %get3A_316 : vector<1024x1xi32> to vector<1024x1xi32>
    %broadcast_in_dim3A_323 = vector.broadcast %broadcast_in_dim3A_322 : vector<1024x1xi32> to vector<1024x128xi32>
    %broadcast_in_dim3A_324 = vector.shape_cast %get3A_321 : vector<1024x1xi32> to vector<1024x1xi32>
    %broadcast_in_dim3A_325 = vector.broadcast %broadcast_in_dim3A_324 : vector<1024x1xi32> to vector<1024x128xi32>
    %select_n3A_326 = arith.select %ge3A_175, %broadcast_in_dim3A_323, %broadcast_in_dim3A_325 : vector<1024x128xi1>, vector<1024x128xi32>
    %eq3A_327 = arith.cmpi eq, %and3A_173, %select_n3A_326 : vector<1024x128xi32>
    %convert_element_type3A_328 = arith.extui %eq3A_327 : vector<1024x128xi1> to vector<1024x128xi32>
    %convert_element_type3A_329 = arith.sitofp %convert_element_type3A_328 : vector<1024x128xi32> to vector<1024x128xf32>
    %dot_general3A_330 = arith.constant dense<0.000000e+00> : vector<1024x128xf32>
    %dot_general3A_331 = tpu.matmul %convert_element_type3A_329, %concatenate3A_170, %dot_general3A_330 {dimension_numbers = #tpu.dot_dimension_numbers<[1], [0], [0], [1], [0, 0, 1, 1], [], []>, transpose_lhs_hint = false} : vector<1024x128xf32>, vector<128x128xf32>, vector<1024x128xf32> -> vector<1024x128xf32>
    %swap3A_332 = arith.constant 0 : index
    %swap3A_333 = arith.constant 768 : index
    %swap3A_334 = vector.load %arg21[%swap3A_332, %swap3A_333] : memref<1024x1024xf32, #tpu.memory_space<vmem>>, vector<1024x128xf32>
    tpu.vector_store %arg21[%swap3A_332, %swap3A_333], %dot_general3A_331 {strides = array<i32>} : memref<1024x1024xf32, #tpu.memory_space<vmem>>, vector<1024x128xf32>,
    %get3A_335 = arith.constant 14 : index
    %get3A_336 = arith.constant 0 : index
    %get3A_337 = arith.constant 0 : index
    %get3A_338 = vector.load %arg1[%get3A_335, %get3A_336, %get3A_337] : memref<16x1024x1xi32, #tpu.memory_space<vmem>>, vector<1x1024x1xi32>
    %get3A_339 = vector.shape_cast %get3A_338 : vector<1x1024x1xi32> to vector<1024x1xi32>
    %get3A_340 = arith.constant 13 : index
    %get3A_341 = arith.constant 0 : index
    %get3A_342 = arith.constant 0 : index
    %get3A_343 = vector.load %arg1[%get3A_340, %get3A_341, %get3A_342] : memref<16x1024x1xi32, #tpu.memory_space<vmem>>, vector<1x1024x1xi32>
    %get3A_344 = vector.shape_cast %get3A_343 : vector<1x1024x1xi32> to vector<1024x1xi32>
    %broadcast_in_dim3A_345 = vector.shape_cast %get3A_339 : vector<1024x1xi32> to vector<1024x1xi32>
    %broadcast_in_dim3A_346 = vector.broadcast %broadcast_in_dim3A_345 : vector<1024x1xi32> to vector<1024x128xi32>
    %broadcast_in_dim3A_347 = vector.shape_cast %get3A_344 : vector<1024x1xi32> to vector<1024x1xi32>
    %broadcast_in_dim3A_348 = vector.broadcast %broadcast_in_dim3A_347 : vector<1024x1xi32> to vector<1024x128xi32>
    %select_n3A_349 = arith.select %ge3A_175, %broadcast_in_dim3A_346, %broadcast_in_dim3A_348 : vector<1024x128xi1>, vector<1024x128xi32>
    %eq3A_350 = arith.cmpi eq, %and3A_173, %select_n3A_349 : vector<1024x128xi32>
    %convert_element_type3A_351 = arith.extui %eq3A_350 : vector<1024x128xi1> to vector<1024x128xi32>
    %convert_element_type3A_352 = arith.sitofp %convert_element_type3A_351 : vector<1024x128xi32> to vector<1024x128xf32>
    %dot_general3A_353 = arith.constant dense<0.000000e+00> : vector<1024x128xf32>
    %dot_general3A_354 = tpu.matmul %convert_element_type3A_352, %concatenate3A_170, %dot_general3A_353 {dimension_numbers = #tpu.dot_dimension_numbers<[1], [0], [0], [1], [0, 0, 1, 1], [], []>, transpose_lhs_hint = false} : vector<1024x128xf32>, vector<128x128xf32>, vector<1024x128xf32> -> vector<1024x128xf32>
    %swap3A_355 = arith.constant 0 : index
    %swap3A_356 = arith.constant 896 : index
    %swap3A_357 = vector.load %arg21[%swap3A_355, %swap3A_356] : memref<1024x1024xf32, #tpu.memory_space<vmem>>, vector<1024x128xf32>
    tpu.vector_store %arg21[%swap3A_355, %swap3A_356], %dot_general3A_354 {strides = array<i32>} : memref<1024x1024xf32, #tpu.memory_space<vmem>>, vector<1024x128xf32>,
    return
  }
}

module attributes {stable_mosaic.version = 14 : i64} {
  func.func @_gnn_dec_body(%arg0: memref<2x1024x1024xf32, #tpu.memory_space<vmem>>, %arg1: memref<26x1024xf32, #tpu.memory_space<vmem>>, %arg2: memref<26x1024xf32, #tpu.memory_space<vmem>>, %arg3: memref<16x26xf32, #tpu.memory_space<vmem>>, %arg4: memref<16x1xf32, #tpu.memory_space<vmem>>, %arg5: memref<32x16xf32, #tpu.memory_space<vmem>>, %arg6: memref<32x1xf32, #tpu.memory_space<vmem>>, %arg7: memref<26x32xf32, #tpu.memory_space<vmem>>, %arg8: memref<26x1xf32, #tpu.memory_space<vmem>>, %arg9: memref<16x26xf32, #tpu.memory_space<vmem>>, %arg10: memref<16x1xf32, #tpu.memory_space<vmem>>, %arg11: memref<32x16xf32, #tpu.memory_space<vmem>>, %arg12: memref<32x1xf32, #tpu.memory_space<vmem>>, %arg13: memref<26x32xf32, #tpu.memory_space<vmem>>, %arg14: memref<26x1xf32, #tpu.memory_space<vmem>>, %arg15: memref<52x1xf32, #tpu.memory_space<vmem>>, %arg16: memref<52x13xf32, #tpu.memory_space<vmem>>, %arg17: memref<52x1xf32, #tpu.memory_space<vmem>>, %arg18: memref<52x1xf32, #tpu.memory_space<vmem>>, %arg19: memref<52x13xf32, #tpu.memory_space<vmem>>, %arg20: memref<52x1xf32, #tpu.memory_space<vmem>>, %arg21: memref<64x26xf32, #tpu.memory_space<vmem>>, %arg22: memref<64x1xf32, #tpu.memory_space<vmem>>, %arg23: memref<64x1024xf32, #tpu.memory_space<vmem>>) attributes {dimension_semantics = [], scalar_prefetch = 0 : i64, scratch_operands = 0 : i64, tpu.core_type = #tpu.core_type<tc>} {
    %get3A = arith.constant 0 : index
    %get3A_0 = arith.constant 0 : index
    %get3A_1 = arith.constant 0 : index
    %get3A_2 = vector.load %arg0[%get3A, %get3A_0, %get3A_1] : memref<2x1024x1024xf32, #tpu.memory_space<vmem>>, vector<1x1024x1024xf32>
    %get3A_3 = vector.shape_cast %get3A_2 : vector<1x1024x1024xf32> to vector<1024x1024xf32>
    %get3A_4 = arith.constant 1 : index
    %get3A_5 = arith.constant 0 : index
    %get3A_6 = arith.constant 0 : index
    %get3A_7 = vector.load %arg0[%get3A_4, %get3A_5, %get3A_6] : memref<2x1024x1024xf32, #tpu.memory_space<vmem>>, vector<1x1024x1024xf32>
    %get3A_8 = vector.shape_cast %get3A_7 : vector<1x1024x1024xf32> to vector<1024x1024xf32>
    %add3A = arith.addf %get3A_3, %get3A_8 : vector<1024x1024xf32>
    %reduce_sum3A = arith.constant dense<0.000000e+00> : vector<1024xf32>
    %reduce_sum3A_9 = vector.multi_reduction <add>, %add3A, %reduce_sum3A [0] : vector<1024x1024xf32> to vector<1024xf32>
    %broadcast_in_dim3A = vector.shape_cast %reduce_sum3A_9 : vector<1024xf32> to vector<1x1024xf32>
    %add3A_10 = arith.constant 1.000000e+00 : f32
    %add3A_11 = vector.broadcast %add3A_10 : f32 to vector<1x1024xf32>
    %add3A_12 = arith.addf %broadcast_in_dim3A, %add3A_11 : vector<1x1024xf32>
    %rsqrt3A = math.rsqrt %add3A_12 : vector<1x1024xf32>
    %mul3A = arith.mulf %rsqrt3A, %rsqrt3A : vector<1x1024xf32>
    %get3A_13 = arith.constant 0 : index
    %get3A_14 = arith.constant 0 : index
    %get3A_15 = vector.load %arg1[%get3A_13, %get3A_14] : memref<26x1024xf32, #tpu.memory_space<vmem>>, vector<26x1024xf32>
    %get3A_16 = arith.constant 0 : index
    %get3A_17 = arith.constant 0 : index
    %get3A_18 = vector.load %arg2[%get3A_16, %get3A_17] : memref<26x1024xf32, #tpu.memory_space<vmem>>, vector<26x1024xf32>
    %get3A_19 = arith.constant 0 : index
    %get3A_20 = arith.constant 0 : index
    %get3A_21 = vector.load %arg3[%get3A_19, %get3A_20] : memref<16x26xf32, #tpu.memory_space<vmem>>, vector<16x26xf32>
    %dot_general3A = arith.constant dense<0.000000e+00> : vector<16x1024xf32>
    %dot_general3A_22 = tpu.matmul %get3A_21, %get3A_15, %dot_general3A {dimension_numbers = #tpu.dot_dimension_numbers<[1], [0], [0], [1], [0, 0, 1, 1], [], []>, transpose_lhs_hint = false} : vector<16x26xf32>, vector<26x1024xf32>, vector<16x1024xf32> -> vector<16x1024xf32>
    %get3A_23 = arith.constant 0 : index
    %get3A_24 = arith.constant 0 : index
    %get3A_25 = vector.load %arg9[%get3A_23, %get3A_24] : memref<16x26xf32, #tpu.memory_space<vmem>>, vector<16x26xf32>
    %dot_general3A_26 = arith.constant dense<0.000000e+00> : vector<16x1024xf32>
    %dot_general3A_27 = tpu.matmul %get3A_25, %get3A_18, %dot_general3A_26 {dimension_numbers = #tpu.dot_dimension_numbers<[1], [0], [0], [1], [0, 0, 1, 1], [], []>, transpose_lhs_hint = false} : vector<16x26xf32>, vector<26x1024xf32>, vector<16x1024xf32> -> vector<16x1024xf32>
    %concatenate3A = tpu.concatenate %dot_general3A_22, %dot_general3A_27 in 0 : vector<16x1024xf32>, vector<16x1024xf32> -> vector<32x1024xf32>
    %mul3A_28 = vector.broadcast %rsqrt3A : vector<1x1024xf32> to vector<32x1024xf32>
    %mul3A_29 = arith.mulf %concatenate3A, %mul3A_28 : vector<32x1024xf32>
    %dot_general3A_30 = arith.constant dense<0.000000e+00> : vector<32x1024xf32>
    %dot_general3A_31 = tpu.matmul %mul3A_29, %add3A, %dot_general3A_30 {dimension_numbers = #tpu.dot_dimension_numbers<[1], [0], [0], [1], [0, 0, 1, 1], [], []>, transpose_lhs_hint = false} : vector<32x1024xf32>, vector<1024x1024xf32>, vector<32x1024xf32> -> vector<32x1024xf32>
    %mul3A_32 = vector.broadcast %rsqrt3A : vector<1x1024xf32> to vector<32x1024xf32>
    %mul3A_33 = arith.mulf %mul3A_32, %dot_general3A_31 : vector<32x1024xf32>
    %mul3A_34 = vector.broadcast %mul3A : vector<1x1024xf32> to vector<32x1024xf32>
    %mul3A_35 = arith.mulf %mul3A_34, %concatenate3A : vector<32x1024xf32>
    %add3A_36 = arith.addf %mul3A_33, %mul3A_35 : vector<32x1024xf32>
    %slice3A = vector.extract_strided_slice %add3A_36 {offsets = [0, 0], sizes = [16, 1024], strides = [1, 1]} : vector<32x1024xf32> to vector<16x1024xf32>
    %get3A_37 = arith.constant 0 : index
    %get3A_38 = arith.constant 0 : index
    %get3A_39 = vector.load %arg4[%get3A_37, %get3A_38] : memref<16x1xf32, #tpu.memory_space<vmem>>, vector<16x1xf32>
    %add3A_40 = vector.broadcast %get3A_39 : vector<16x1xf32> to vector<16x1024xf32>
    %add3A_41 = arith.addf %slice3A, %add3A_40 : vector<16x1024xf32>
    %slice3A_42 = vector.extract_strided_slice %add3A_36 {offsets = [16, 0], sizes = [16, 1024], strides = [1, 1]} : vector<32x1024xf32> to vector<16x1024xf32>
    %get3A_43 = arith.constant 0 : index
    %get3A_44 = arith.constant 0 : index
    %get3A_45 = vector.load %arg10[%get3A_43, %get3A_44] : memref<16x1xf32, #tpu.memory_space<vmem>>, vector<16x1xf32>
    %add3A_46 = vector.broadcast %get3A_45 : vector<16x1xf32> to vector<16x1024xf32>
    %add3A_47 = arith.addf %slice3A_42, %add3A_46 : vector<16x1024xf32>
    %ge3A = arith.constant 0.000000e+00 : f32
    %ge3A_48 = vector.broadcast %ge3A : f32 to vector<16x1024xf32>
    %ge3A_49 = arith.cmpf oge, %add3A_41, %ge3A_48 : vector<16x1024xf32>
    %mul3A_50 = arith.constant 0.00999999977 : f32
    %mul3A_51 = vector.broadcast %mul3A_50 : f32 to vector<16x1024xf32>
    %mul3A_52 = arith.mulf %mul3A_51, %add3A_41 : vector<16x1024xf32>
    %select_n3A = arith.select %ge3A_49, %add3A_41, %mul3A_52 : vector<16x1024xi1>, vector<16x1024xf32>
    %ge3A_53 = arith.constant 0.000000e+00 : f32
    %ge3A_54 = vector.broadcast %ge3A_53 : f32 to vector<16x1024xf32>
    %ge3A_55 = arith.cmpf oge, %add3A_47, %ge3A_54 : vector<16x1024xf32>
    %mul3A_56 = arith.constant 0.00999999977 : f32
    %mul3A_57 = vector.broadcast %mul3A_56 : f32 to vector<16x1024xf32>
    %mul3A_58 = arith.mulf %mul3A_57, %add3A_47 : vector<16x1024xf32>
    %select_n3A_59 = arith.select %ge3A_55, %add3A_47, %mul3A_58 : vector<16x1024xi1>, vector<16x1024xf32>
    %get3A_60 = arith.constant 0 : index
    %get3A_61 = arith.constant 0 : index
    %get3A_62 = vector.load %arg5[%get3A_60, %get3A_61] : memref<32x16xf32, #tpu.memory_space<vmem>>, vector<32x16xf32>
    %dot_general3A_63 = arith.constant dense<0.000000e+00> : vector<32x1024xf32>
    %dot_general3A_64 = tpu.matmul %get3A_62, %select_n3A, %dot_general3A_63 {dimension_numbers = #tpu.dot_dimension_numbers<[1], [0], [0], [1], [0, 0, 1, 1], [], []>, transpose_lhs_hint = false} : vector<32x16xf32>, vector<16x1024xf32>, vector<32x1024xf32> -> vector<32x1024xf32>
    %get3A_65 = arith.constant 0 : index
    %get3A_66 = arith.constant 0 : index
    %get3A_67 = vector.load %arg11[%get3A_65, %get3A_66] : memref<32x16xf32, #tpu.memory_space<vmem>>, vector<32x16xf32>
    %dot_general3A_68 = arith.constant dense<0.000000e+00> : vector<32x1024xf32>
    %dot_general3A_69 = tpu.matmul %get3A_67, %select_n3A_59, %dot_general3A_68 {dimension_numbers = #tpu.dot_dimension_numbers<[1], [0], [0], [1], [0, 0, 1, 1], [], []>, transpose_lhs_hint = false} : vector<32x16xf32>, vector<16x1024xf32>, vector<32x1024xf32> -> vector<32x1024xf32>
    %concatenate3A_70 = tpu.concatenate %dot_general3A_64, %dot_general3A_69 in 0 : vector<32x1024xf32>, vector<32x1024xf32> -> vector<64x1024xf32>
    %mul3A_71 = vector.broadcast %rsqrt3A : vector<1x1024xf32> to vector<64x1024xf32>
    %mul3A_72 = arith.mulf %concatenate3A_70, %mul3A_71 : vector<64x1024xf32>
    %dot_general3A_73 = arith.constant dense<0.000000e+00> : vector<64x1024xf32>
    %dot_general3A_74 = tpu.matmul %mul3A_72, %add3A, %dot_general3A_73 {dimension_numbers = #tpu.dot_dimension_numbers<[1], [0], [0], [1], [0, 0, 1, 1], [], []>, transpose_lhs_hint = false} : vector<64x1024xf32>, vector<1024x1024xf32>, vector<64x1024xf32> -> vector<64x1024xf32>
    %mul3A_75 = vector.broadcast %rsqrt3A : vector<1x1024xf32> to vector<64x1024xf32>
    %mul3A_76 = arith.mulf %mul3A_75, %dot_general3A_74 : vector<64x1024xf32>
    %mul3A_77 = vector.broadcast %mul3A : vector<1x1024xf32> to vector<64x1024xf32>
    %mul3A_78 = arith.mulf %mul3A_77, %concatenate3A_70 : vector<64x1024xf32>
    %add3A_79 = arith.addf %mul3A_76, %mul3A_78 : vector<64x1024xf32>
    %slice3A_80 = vector.extract_strided_slice %add3A_79 {offsets = [0, 0], sizes = [32, 1024], strides = [1, 1]} : vector<64x1024xf32> to vector<32x1024xf32>
    %get3A_81 = arith.constant 0 : index
    %get3A_82 = arith.constant 0 : index
    %get3A_83 = vector.load %arg6[%get3A_81, %get3A_82] : memref<32x1xf32, #tpu.memory_space<vmem>>, vector<32x1xf32>
    %add3A_84 = vector.broadcast %get3A_83 : vector<32x1xf32> to vector<32x1024xf32>
    %add3A_85 = arith.addf %slice3A_80, %add3A_84 : vector<32x1024xf32>
    %slice3A_86 = vector.extract_strided_slice %add3A_79 {offsets = [32, 0], sizes = [32, 1024], strides = [1, 1]} : vector<64x1024xf32> to vector<32x1024xf32>
    %get3A_87 = arith.constant 0 : index
    %get3A_88 = arith.constant 0 : index
    %get3A_89 = vector.load %arg12[%get3A_87, %get3A_88] : memref<32x1xf32, #tpu.memory_space<vmem>>, vector<32x1xf32>
    %add3A_90 = vector.broadcast %get3A_89 : vector<32x1xf32> to vector<32x1024xf32>
    %add3A_91 = arith.addf %slice3A_86, %add3A_90 : vector<32x1024xf32>
    %get3A_92 = arith.constant 0 : index
    %get3A_93 = arith.constant 0 : index
    %get3A_94 = vector.load %arg7[%get3A_92, %get3A_93] : memref<26x32xf32, #tpu.memory_space<vmem>>, vector<26x32xf32>
    %ge3A_95 = arith.constant 0.000000e+00 : f32
    %ge3A_96 = vector.broadcast %ge3A_95 : f32 to vector<32x1024xf32>
    %ge3A_97 = arith.cmpf oge, %add3A_85, %ge3A_96 : vector<32x1024xf32>
    %mul3A_98 = arith.constant 0.00999999977 : f32
    %mul3A_99 = vector.broadcast %mul3A_98 : f32 to vector<32x1024xf32>
    %mul3A_100 = arith.mulf %mul3A_99, %add3A_85 : vector<32x1024xf32>
    %select_n3A_101 = arith.select %ge3A_97, %add3A_85, %mul3A_100 : vector<32x1024xi1>, vector<32x1024xf32>
    %dot_general3A_102 = arith.constant dense<0.000000e+00> : vector<26x1024xf32>
    %dot_general3A_103 = tpu.matmul %get3A_94, %select_n3A_101, %dot_general3A_102 {dimension_numbers = #tpu.dot_dimension_numbers<[1], [0], [0], [1], [0, 0, 1, 1], [], []>, transpose_lhs_hint = false} : vector<26x32xf32>, vector<32x1024xf32>, vector<26x1024xf32> -> vector<26x1024xf32>
    %get3A_104 = arith.constant 0 : index
    %get3A_105 = arith.constant 0 : index
    %get3A_106 = vector.load %arg8[%get3A_104, %get3A_105] : memref<26x1xf32, #tpu.memory_space<vmem>>, vector<26x1xf32>
    %add3A_107 = vector.broadcast %get3A_106 : vector<26x1xf32> to vector<26x1024xf32>
    %add3A_108 = arith.addf %dot_general3A_103, %add3A_107 : vector<26x1024xf32>
    %get3A_109 = arith.constant 0 : index
    %get3A_110 = arith.constant 0 : index
    %get3A_111 = vector.load %arg13[%get3A_109, %get3A_110] : memref<26x32xf32, #tpu.memory_space<vmem>>, vector<26x32xf32>
    %ge3A_112 = arith.constant 0.000000e+00 : f32
    %ge3A_113 = vector.broadcast %ge3A_112 : f32 to vector<32x1024xf32>
    %ge3A_114 = arith.cmpf oge, %add3A_91, %ge3A_113 : vector<32x1024xf32>
    %mul3A_115 = arith.constant 0.00999999977 : f32
    %mul3A_116 = vector.broadcast %mul3A_115 : f32 to vector<32x1024xf32>
    %mul3A_117 = arith.mulf %mul3A_116, %add3A_91 : vector<32x1024xf32>
    %select_n3A_118 = arith.select %ge3A_114, %add3A_91, %mul3A_117 : vector<32x1024xi1>, vector<32x1024xf32>
    %dot_general3A_119 = arith.constant dense<0.000000e+00> : vector<26x1024xf32>
    %dot_general3A_120 = tpu.matmul %get3A_111, %select_n3A_118, %dot_general3A_119 {dimension_numbers = #tpu.dot_dimension_numbers<[1], [0], [0], [1], [0, 0, 1, 1], [], []>, transpose_lhs_hint = false} : vector<26x32xf32>, vector<32x1024xf32>, vector<26x1024xf32> -> vector<26x1024xf32>
    %get3A_121 = arith.constant 0 : index
    %get3A_122 = arith.constant 0 : index
    %get3A_123 = vector.load %arg14[%get3A_121, %get3A_122] : memref<26x1xf32, #tpu.memory_space<vmem>>, vector<26x1xf32>
    %add3A_124 = vector.broadcast %get3A_123 : vector<26x1xf32> to vector<26x1024xf32>
    %add3A_125 = arith.addf %dot_general3A_120, %add3A_124 : vector<26x1024xf32>
    %get3A_126 = arith.constant 0 : index
    %get3A_127 = arith.constant 0 : index
    %get3A_128 = vector.load %arg15[%get3A_126, %get3A_127] : memref<52x1xf32, #tpu.memory_space<vmem>>, vector<52x1xf32>
    %neg3A = arith.constant 0.000000e+00 : f32
    %neg3A_129 = vector.broadcast %neg3A : f32 to vector<52x1xf32>
    %neg3A_130 = arith.subf %neg3A_129, %get3A_128 : vector<52x1xf32>
    %get3A_131 = arith.constant 0 : index
    %get3A_132 = arith.constant 0 : index
    %get3A_133 = vector.load %arg16[%get3A_131, %get3A_132] : memref<52x13xf32, #tpu.memory_space<vmem>>, vector<52x13xf32>
    %slice3A_134 = vector.extract_strided_slice %add3A_108 {offsets = [0, 0], sizes = [13, 1024], strides = [1, 1]} : vector<26x1024xf32> to vector<13x1024xf32>
    %dot_general3A_135 = arith.constant dense<0.000000e+00> : vector<52x1024xf32>
    %dot_general3A_136 = tpu.matmul %get3A_133, %slice3A_134, %dot_general3A_135 {dimension_numbers = #tpu.dot_dimension_numbers<[1], [0], [0], [1], [0, 0, 1, 1], [], []>, transpose_lhs_hint = false} : vector<52x13xf32>, vector<13x1024xf32>, vector<52x1024xf32> -> vector<52x1024xf32>
    %add3A_137 = vector.broadcast %neg3A_130 : vector<52x1xf32> to vector<52x1024xf32>
    %add3A_138 = arith.addf %add3A_137, %dot_general3A_136 : vector<52x1024xf32>
    %get3A_139 = arith.constant 0 : index
    %get3A_140 = arith.constant 0 : index
    %get3A_141 = vector.load %arg17[%get3A_139, %get3A_140] : memref<52x1xf32, #tpu.memory_space<vmem>>, vector<52x1xf32>
    %add3A_142 = vector.broadcast %get3A_141 : vector<52x1xf32> to vector<52x1024xf32>
    %add3A_143 = arith.addf %add3A_138, %add3A_142 : vector<52x1024xf32>
    %slice3A_144 = vector.extract_strided_slice %add3A_125 {offsets = [0, 0], sizes = [13, 1024], strides = [1, 1]} : vector<26x1024xf32> to vector<13x1024xf32>
    %slice3A_145 = vector.extract_strided_slice %add3A_143 {offsets = [0, 0], sizes = [13, 1024], strides = [1, 1]} : vector<52x1024xf32> to vector<13x1024xf32>
    %logistic3A = arith.negf %slice3A_145 : vector<13x1024xf32>
    %logistic3A_146 = math.exp %logistic3A : vector<13x1024xf32>
    %logistic3A_147 = arith.constant 1.000000e+00 : f32
    %logistic3A_148 = vector.broadcast %logistic3A_147 : f32 to vector<13x1024xf32>
    %logistic3A_149 = arith.addf %logistic3A_148, %logistic3A_146 : vector<13x1024xf32>
    %logistic3A_150 = arith.divf %logistic3A_148, %logistic3A_149 : vector<13x1024xf32>
    %slice3A_151 = vector.extract_strided_slice %add3A_143 {offsets = [13, 0], sizes = [13, 1024], strides = [1, 1]} : vector<52x1024xf32> to vector<13x1024xf32>
    %logistic3A_152 = arith.negf %slice3A_151 : vector<13x1024xf32>
    %logistic3A_153 = math.exp %logistic3A_152 : vector<13x1024xf32>
    %logistic3A_154 = arith.constant 1.000000e+00 : f32
    %logistic3A_155 = vector.broadcast %logistic3A_154 : f32 to vector<13x1024xf32>
    %logistic3A_156 = arith.addf %logistic3A_155, %logistic3A_153 : vector<13x1024xf32>
    %logistic3A_157 = arith.divf %logistic3A_155, %logistic3A_156 : vector<13x1024xf32>
    %slice3A_158 = vector.extract_strided_slice %add3A_143 {offsets = [26, 0], sizes = [13, 1024], strides = [1, 1]} : vector<52x1024xf32> to vector<13x1024xf32>
    %tanh3A = math.tanh %slice3A_158 : vector<13x1024xf32>
    %slice3A_159 = vector.extract_strided_slice %add3A_143 {offsets = [39, 0], sizes = [13, 1024], strides = [1, 1]} : vector<52x1024xf32> to vector<13x1024xf32>
    %logistic3A_160 = arith.negf %slice3A_159 : vector<13x1024xf32>
    %logistic3A_161 = math.exp %logistic3A_160 : vector<13x1024xf32>
    %logistic3A_162 = arith.constant 1.000000e+00 : f32
    %logistic3A_163 = vector.broadcast %logistic3A_162 : f32 to vector<13x1024xf32>
    %logistic3A_164 = arith.addf %logistic3A_163, %logistic3A_161 : vector<13x1024xf32>
    %logistic3A_165 = arith.divf %logistic3A_163, %logistic3A_164 : vector<13x1024xf32>
    %mul3A_166 = arith.mulf %logistic3A_157, %slice3A_144 : vector<13x1024xf32>
    %mul3A_167 = arith.mulf %logistic3A_150, %tanh3A : vector<13x1024xf32>
    %add3A_168 = arith.addf %mul3A_166, %mul3A_167 : vector<13x1024xf32>
    %tanh3A_169 = math.tanh %add3A_168 : vector<13x1024xf32>
    %mul3A_170 = arith.mulf %logistic3A_165, %tanh3A_169 : vector<13x1024xf32>
    %get3A_171 = arith.constant 0 : index
    %get3A_172 = arith.constant 0 : index
    %get3A_173 = vector.load %arg18[%get3A_171, %get3A_172] : memref<52x1xf32, #tpu.memory_space<vmem>>, vector<52x1xf32>
    %neg3A_174 = arith.constant 0.000000e+00 : f32
    %neg3A_175 = vector.broadcast %neg3A_174 : f32 to vector<52x1xf32>
    %neg3A_176 = arith.subf %neg3A_175, %get3A_173 : vector<52x1xf32>
    %get3A_177 = arith.constant 0 : index
    %get3A_178 = arith.constant 0 : index
    %get3A_179 = vector.load %arg19[%get3A_177, %get3A_178] : memref<52x13xf32, #tpu.memory_space<vmem>>, vector<52x13xf32>
    %slice3A_180 = vector.extract_strided_slice %add3A_108 {offsets = [13, 0], sizes = [13, 1024], strides = [1, 1]} : vector<26x1024xf32> to vector<13x1024xf32>
    %dot_general3A_181 = arith.constant dense<0.000000e+00> : vector<52x1024xf32>
    %dot_general3A_182 = tpu.matmul %get3A_179, %slice3A_180, %dot_general3A_181 {dimension_numbers = #tpu.dot_dimension_numbers<[1], [0], [0], [1], [0, 0, 1, 1], [], []>, transpose_lhs_hint = false} : vector<52x13xf32>, vector<13x1024xf32>, vector<52x1024xf32> -> vector<52x1024xf32>
    %add3A_183 = vector.broadcast %neg3A_176 : vector<52x1xf32> to vector<52x1024xf32>
    %add3A_184 = arith.addf %add3A_183, %dot_general3A_182 : vector<52x1024xf32>
    %get3A_185 = arith.constant 0 : index
    %get3A_186 = arith.constant 0 : index
    %get3A_187 = vector.load %arg20[%get3A_185, %get3A_186] : memref<52x1xf32, #tpu.memory_space<vmem>>, vector<52x1xf32>
    %add3A_188 = vector.broadcast %get3A_187 : vector<52x1xf32> to vector<52x1024xf32>
    %add3A_189 = arith.addf %add3A_184, %add3A_188 : vector<52x1024xf32>
    %slice3A_190 = vector.extract_strided_slice %add3A_125 {offsets = [13, 0], sizes = [13, 1024], strides = [1, 1]} : vector<26x1024xf32> to vector<13x1024xf32>
    %slice3A_191 = vector.extract_strided_slice %add3A_189 {offsets = [0, 0], sizes = [13, 1024], strides = [1, 1]} : vector<52x1024xf32> to vector<13x1024xf32>
    %logistic3A_192 = arith.negf %slice3A_191 : vector<13x1024xf32>
    %logistic3A_193 = math.exp %logistic3A_192 : vector<13x1024xf32>
    %logistic3A_194 = arith.constant 1.000000e+00 : f32
    %logistic3A_195 = vector.broadcast %logistic3A_194 : f32 to vector<13x1024xf32>
    %logistic3A_196 = arith.addf %logistic3A_195, %logistic3A_193 : vector<13x1024xf32>
    %logistic3A_197 = arith.divf %logistic3A_195, %logistic3A_196 : vector<13x1024xf32>
    %slice3A_198 = vector.extract_strided_slice %add3A_189 {offsets = [13, 0], sizes = [13, 1024], strides = [1, 1]} : vector<52x1024xf32> to vector<13x1024xf32>
    %logistic3A_199 = arith.negf %slice3A_198 : vector<13x1024xf32>
    %logistic3A_200 = math.exp %logistic3A_199 : vector<13x1024xf32>
    %logistic3A_201 = arith.constant 1.000000e+00 : f32
    %logistic3A_202 = vector.broadcast %logistic3A_201 : f32 to vector<13x1024xf32>
    %logistic3A_203 = arith.addf %logistic3A_202, %logistic3A_200 : vector<13x1024xf32>
    %logistic3A_204 = arith.divf %logistic3A_202, %logistic3A_203 : vector<13x1024xf32>
    %slice3A_205 = vector.extract_strided_slice %add3A_189 {offsets = [26, 0], sizes = [13, 1024], strides = [1, 1]} : vector<52x1024xf32> to vector<13x1024xf32>
    %tanh3A_206 = math.tanh %slice3A_205 : vector<13x1024xf32>
    %slice3A_207 = vector.extract_strided_slice %add3A_189 {offsets = [39, 0], sizes = [13, 1024], strides = [1, 1]} : vector<52x1024xf32> to vector<13x1024xf32>
    %logistic3A_208 = arith.negf %slice3A_207 : vector<13x1024xf32>
    %logistic3A_209 = math.exp %logistic3A_208 : vector<13x1024xf32>
    %logistic3A_210 = arith.constant 1.000000e+00 : f32
    %logistic3A_211 = vector.broadcast %logistic3A_210 : f32 to vector<13x1024xf32>
    %logistic3A_212 = arith.addf %logistic3A_211, %logistic3A_209 : vector<13x1024xf32>
    %logistic3A_213 = arith.divf %logistic3A_211, %logistic3A_212 : vector<13x1024xf32>
    %mul3A_214 = arith.mulf %logistic3A_204, %slice3A_190 : vector<13x1024xf32>
    %mul3A_215 = arith.mulf %logistic3A_197, %tanh3A_206 : vector<13x1024xf32>
    %add3A_216 = arith.addf %mul3A_214, %mul3A_215 : vector<13x1024xf32>
    %tanh3A_217 = math.tanh %add3A_216 : vector<13x1024xf32>
    %mul3A_218 = arith.mulf %logistic3A_213, %tanh3A_217 : vector<13x1024xf32>
    %get3A_219 = arith.constant 0 : index
    %get3A_220 = arith.constant 0 : index
    %get3A_221 = vector.load %arg21[%get3A_219, %get3A_220] : memref<64x26xf32, #tpu.memory_space<vmem>>, vector<64x26xf32>
    %concatenate3A_222 = tpu.concatenate %mul3A_170, %mul3A_218 in 0 : vector<13x1024xf32>, vector<13x1024xf32> -> vector<26x1024xf32>
    %dot_general3A_223 = arith.constant dense<0.000000e+00> : vector<64x1024xf32>
    %dot_general3A_224 = tpu.matmul %get3A_221, %concatenate3A_222, %dot_general3A_223 {dimension_numbers = #tpu.dot_dimension_numbers<[1], [0], [0], [1], [0, 0, 1, 1], [], []>, transpose_lhs_hint = false} : vector<64x26xf32>, vector<26x1024xf32>, vector<64x1024xf32> -> vector<64x1024xf32>
    %get3A_225 = arith.constant 0 : index
    %get3A_226 = arith.constant 0 : index
    %get3A_227 = vector.load %arg22[%get3A_225, %get3A_226] : memref<64x1xf32, #tpu.memory_space<vmem>>, vector<64x1xf32>
    %add3A_228 = vector.broadcast %get3A_227 : vector<64x1xf32> to vector<64x1024xf32>
    %add3A_229 = arith.addf %dot_general3A_224, %add3A_228 : vector<64x1024xf32>
    %swap3A = arith.constant 0 : index
    %swap3A_230 = arith.constant 0 : index
    %swap3A_231 = vector.load %arg23[%swap3A, %swap3A_230] : memref<64x1024xf32, #tpu.memory_space<vmem>>, vector<64x1024xf32>
    tpu.vector_store %arg23[%swap3A, %swap3A_230], %add3A_229 {strides = array<i32>} : memref<64x1024xf32, #tpu.memory_space<vmem>>, vector<64x1024xf32>,
    return
  }
}

</mosaic_0001>

<sc_bundles>
// kernel: kernel.6.cloned.1.call-start
scs
__scs_entry_jumppad:
0x0: {  	(pc) =	sbr.rel $0x88, $3  }
0x1: {  	(tag) =	ssettag $0x0;
	lr =	simm.s32 $0x1  }
0x2: {  	[smem:$0x3F74] =	sst lr;
	_ =	strace $0xD0000000  }
0x3: {  	_ = 	snop  }
0x4: {  	_ = 	snop  }
0x5: {  	_ = 	snop  }
0x6: {  	_ = 	snop  }
0x7: {  	_ = 	snop  }
__scs_overlays_trampoline_lowered:
0x8: {  	[smem:$0x3F83] =	sst s0  }
0x9: {  	[smem:$0x3F84] =	sst s1  }
0xa: {  	[smem:$0x3F85] =	sst s2  }
0xb: {  	[smem:$0x3F86] =	sst s3  }
0xc: {  	[smem:$0x3F87] =	sst s4  }
0xd: {  	[smem:$0x3F88] =	sst s5  }
0xe: {  	[smem:$0x3F89] =	sst s6  }
0xf: {  	[smem:$0x3F8A] =	sst s7  }
0x10: {  	[smem:$0x3F8B] =	sst s8  }
0x11: {  	[smem:$0x3F8C] =	sst s9;
	s0 =	simm.s32 @!p0 $0x0  }
0x12: {  	s1 =	sld [smem:$0x3F72];
	s0 =	simm.s32 @p0 $0x1  }
0x13: {  	[smem:$0x3F8D] =	sst s0;
	s0 =	simm.s32 @!p1 $0x0  }
0x14: {  	s2 =	sld [smem:$0x3F71];
	s0 =	simm.s32 @p1 $0x1  }
0x15: {  	[smem:$0x3F8E] =	sst s0;
	s0 =	simm.s32 @!p2 $0x0  }
0x16: {  	s3 =	sld [smem:$0x3FDB];
	s0 =	simm.s32 @p2 $0x1  }
0x17: {  	s4 =	simm.s32 $0x1BF5;
	[smem:$0x3F90] =	sst s0  }
0x18: {  	s0 =	sld [smem:$0x3F73];
	_ =	swait.ge [sflag:s4], $0x0  }
0x19: {  	s7 =	sld [smem:$0x3F74]  }
0x1a: {  	s8 =	sadd.s32 $0xFFFFE003, lr  }
0x1b: {  	s9 =	sadd.s32 $0xFFFFFEF7, lr;
	s5 =	simm.s32 $0xFFFFFFFF;
	p2 =	slt.u32 s8, $0xFFFFF086  }
0x1c: {  	p1 =	slt.u32 s9, $0xF7A;
	s5 =	simm.s32 @!p2 $0x0  }
0x1d: {  	s5 =	simm.s32 @p1 $0x1;
	p0 =	seq.s32 s7, s2  }
0x1e: {  	s7 =	smul.u32 @!p0 $0xF7A, s2;
	p2 =	seq.s32 @!p0 s5, $0x0  }
0x1f: {  	s9 =	smul.u32 $0xF7A, s1;
	s8 =	simm.s32 @!p0 $0x1BF5;
	p2 =	por !p2, p0  }
0x20: {  	[sflag:s8] =	ssyncset.s32 @!p0 $0xFFFFF086;
	s6 =	sadd.s32 @!p0 s3, s7;
	s7 =	simm.s32 @!p0 $0x108  }
0x21: {  	s3 =	sadd.s32 s3, s9;
	s6 =	sadd.s32 @!p0 $0x88, s6;
	s7 =	simm.s32 @p2 $0x1082  }
0x22: {  	[simem:s7], [sflag:s8] =	dma.local @!p0 [hbm:s6], $0xF7A  }
0x23: {  	s9 =	sor.u32 $0xD0000000, s2;
	s6 =	simm.s32 $0x108;
	_ =	swait.ge @!p0 [sflag:s8], $0x0  }
0x24: {  	s3 =	sadd.s32 $0x88, s3;
	s6 =	simm.s32 @!p1 $0x1082;
	[sflag:s4] =	ssyncset.s32 $0xFFFFF086  }
0x25: {  	[simem:s6], [sflag:s4] =	dma.local [hbm:s3], $0xF7A  }
0x26: {  	[smem:$0x3F74] =	sst s1;
	(tag) =	ssettag s2;
	_ =	strace s9  }
0x27: {  	s1 =	sld [smem:$0x3F84]  }
0x28: {  	s2 =	sld [smem:$0x3F85]  }
0x29: {  	s4 =	sld [smem:$0x3F87]  }
0x2a: {  	p0 =	seq.s32 s5, $0x0;
	s5 =	sld [smem:$0x3F88]  }
0x2b: {  	s6 =	sld [smem:$0x3F89]  }
0x2c: {  	s7 =	sld [smem:$0x3F8A]  }
0x2d: {  	s3 =	simm.s32 $0x108;
	s8 =	sld [smem:$0x3F8B]  }
0x2e: {  	s3 =	simm.s32 @!p0 $0x1082;
	s9 =	sld [smem:$0x3F8C]  }
0x2f: {  	lr =	sadd.s32 s0, s3;
	s0 =	sld [smem:$0x3F83]  }
0x30: {  	s3 =	sld [smem:$0x3F86]  }
0x31: {  	[smem:$0x3F8F] =	sst s10  }
0x32: {  	s10 =	sld [smem:$0x3F8D];
	_ =	sdelay $0x3  }
0x33: {  	p0 =	seq.s32 s10, $0x1;
	s10 =	sld [smem:$0x3F8F];
	_ =	sdelay $0x3  }
0x34: {  	[smem:$0x3F8F] =	sst s10  }
0x35: {  	s10 =	sld [smem:$0x3F8E];
	_ =	sdelay $0x3  }
0x36: {  	p1 =	seq.s32 s10, $0x1;
	s10 =	sld [smem:$0x3F8F];
	_ =	sdelay $0x3  }
0x37: {  	[smem:$0x3F8F] =	sst s10  }
0x38: {  	s10 =	sld [smem:$0x3F90]  }
0x39: {  	_ = 	snop;
	(pc) =	sbr.ind lr, $3  }
0x3a: {  	_ = 	snop  }
0x3b: {  	_ = 	snop  }
0x3c: {  	p2 =	seq.s32 s10, $0x1;
	s10 =	sld [smem:$0x3F8F]  }
0x3d: {  	_ =	shalt  }
0x3e: {  	_ =	shalt  }
0x3f: {  	_ =	shalt  }
0x40: {  	_ =	shalt  }
0x41: {  	_ =	shalt  }
0x42: {  	_ =	shalt  }
0x43: {  	_ =	shalt  }
0x44: {  	_ =	shalt  }
0x45: {  	_ =	shalt  }
0x46: {  	_ =	shalt  }
0x47: {  	_ =	shalt  }
0x48: {  	_ =	shalt  }
0x49: {  	_ =	shalt  }
0x4a: {  	_ =	shalt  }
0x4b: {  	_ =	shalt  }
0x4c: {  	_ =	shalt  }
0x4d: {  	_ =	shalt  }
0x4e: {  	_ =	shalt  }
0x4f: {  	_ =	shalt  }
0x50: {  	_ =	shalt  }
0x51: {  	_ =	shalt  }
0x52: {  	_ =	shalt  }
0x53: {  	_ =	shalt  }
0x54: {  	_ =	shalt  }
0x55: {  	_ =	shalt  }
0x56: {  	_ =	shalt  }
0x57: {  	_ =	shalt  }
0x58: {  	_ =	shalt  }
0x59: {  	_ =	shalt  }
0x5a: {  	_ =	shalt  }
0x5b: {  	_ =	shalt  }
0x5c: {  	_ =	shalt  }
0x5d: {  	_ =	shalt  }
0x5e: {  	_ =	shalt  }
0x5f: {  	_ =	shalt  }
0x60: {  	_ =	shalt  }
0x61: {  	_ =	shalt  }
0x62: {  	_ =	shalt  }
0x63: {  	_ =	shalt  }
0x64: {  	_ =	shalt  }
0x65: {  	_ =	shalt  }
0x66: {  	_ =	shalt  }
0x67: {  	_ =	shalt  }
0x68: {  	_ =	shalt  }
0x69: {  	_ =	shalt  }
0x6a: {  	_ =	shalt  }
0x6b: {  	_ =	shalt  }
0x6c: {  	_ =	shalt  }
0x6d: {  	_ =	shalt  }
0x6e: {  	_ =	shalt  }
0x6f: {  	_ =	shalt  }
0x70: {  	_ =	shalt  }
0x71: {  	_ =	shalt  }
0x72: {  	_ =	shalt  }
0x73: {  	_ =	shalt  }
0x74: {  	_ =	shalt  }
0x75: {  	_ =	shalt  }
0x76: {  	_ =	shalt  }
0x77: {  	_ =	shalt  }
0x78: {  	_ =	shalt  }
0x79: {  	_ =	shalt  }
0x7a: {  	_ =	shalt  }
0x7b: {  	_ =	shalt  }
0x7c: {  	_ =	shalt  }
0x7d: {  	_ =	shalt  }
0x7e: {  	_ =	shalt  }
0x7f: {  	_ =	shalt  }
0x80: {  	_ =	shalt  }
0x81: {  	_ =	shalt  }
0x82: {  	_ =	shalt  }
0x83: {  	_ =	shalt  }
0x84: {  	_ =	shalt  }
0x85: {  	_ =	shalt  }
0x86: {  	_ =	shalt  }
0x87: {  	_ =	shalt  }
.Lfunc_end0:
.L_simem_size_0:
called_computation_lowered:
.L_overlay_start_0:
0x88: {  	s2 =	sld [smem:$0x3FD9]  }
0x89: {  	s3 =	sld [smem:$0x3FFE];
	_ =	sdelay $0x1  }
0x8a: {  	s1 =	srdreg.scid  }
0x8b: {  	s0 =	sand.u32 $0x1, s1  }
0x8c: {  	s17 =	sshll.u32 s0, $0xA;
	s2 =	sadd.s32 s3, s2  }
0x8d: {  	s2 =	sadd.s32 s2, s17  }
0x8e: {  	[smem:$0x3F9B] =	sst s2  }
0x8f: {  	_ = 	snop  }
0x90: {  	s2 =	sld [smem:$0x3F9D];
	(tm) =	ssettm $0x1  }
0x91: {  	s18 =	sld [smem:$0x3FFB];
	_ =	sdelay $0x3  }
0x92: {  	_ =	strace s18  }
0x93: {  	s3 =	sld [smem:$0x3FFC];
	_ =	sdelay $0x3  }
0x94: {  	_ =	strace s3  }
0x95: {  	s3 =	sld [smem:$0x3FFD];
	_ =	sdelay $0x3  }
0x96: {  	_ =	strace s3  }
0x97: {  	_ =	strace $0x8FFFFFFF  }
0x98: {  	s19 =	sld [smem:$0x3FDB];
	_ =	sdelay $0x1  }
0x99: {  	s4 =	simm.s32 $_scs_section_size  }
0x9a: {  	s5 =	simm.s32 $_size__tile_overlayer_lowered;
	s6 =	simm.s32 $_tile_overlayer_lowered  }
0x9b: {  	s22 =	simm.s32 $0x1BFF;
	s21 =	sshll.u32 s6, $0x1;
	s3 =	sadd.s32 s4, s19  }
0x9c: {  	s7 =	simm.s32 $0x0;
	s20 =	sshll.u32 s5, $0x1;
	s5 =	sadd.s32 s21, s3  }
0x9d: {  	[timem:s7], [sflag:s22] =	dma.local [hbm:s5], s20  }
0x9e: {  	_ =	swait.ge [sflag:s22], s20  }
0x9f: {  	s4 =	ssub.s32 $0x0, s20;
	[sflag:s22] =	ssyncset.done $0x0  }
0xa0: {  	[sflag:s22] =	ssyncadd.s32 s4;
	_ =	sdelay $0x1  }
0xa1: {  	s23 =	simm.s32 $0x1B8B  }
0xa2: {  	_ =	swait.ge [sflag:s23], $0x1  }
0xa3: {  	[sflag:s23] =	ssyncset.done $0x0  }
0xa4: {  	s25 =	simm.s32 $0x1B8E;
	s24 =	sld [smem:$0x3FFE];
	[sflag:s23] =	ssyncadd.s32 $0xFFFFFFFF  }
0xa5: {  	s26 =	simm.s32 $execute0_lowered;
	[smem:$0x3FD2] =	sst s25  }
0xa6: {  	s5 =	sshll.u32 s26, $0x1;
	_ =	strace $0x80000046;
	[dreg:$0x1] =	wrdreg $0xFFFFFFFF  }
0xa7: {  	s28 =	simm.s32 $_size_execute0_lowered;
	s3 =	sadd.s32 s3, s5;
	[dreg:$0x0] =	wrdreg $0x0  }
0xa8: {  	s5 =	sshll.u32 s28, $0x1;
	[dreg:$0x2] =	wrdreg s3  }
0xa9: {  	[dreg:$0x3] =	wrdreg s5  }
0xaa: {  	[dreg:$0x4] =	wrdreg $0xC0  }
0xab: {  	_ =	task [dreg:s7], $0x5FFFF  }
0xac: {  	[dreg:$0x1] =	wrdreg $0xFFFFFFFF  }
0xad: {  	[dreg:$0x0] =	wrdreg $0x60  }
0xae: {  	[dreg:$0x2] =	wrdreg s2  }
0xaf: {  	[dreg:$0x3] =	wrdreg s24  }
0xb0: {  	[dreg:$0x4] =	wrdreg $0xE800  }
0xb1: {  	[dreg:$0x5] =	wrdreg $0x9  }
0xb2: {  	_ =	task.clear_ibuf [dreg:s7], $0x6FFFF;
	_ =	strace $0x90000046  }
0xb3: {  	s29 =	simm.s32 $0x9;
	_ =	strace $0x80000048  }
0xb4: {  	_ =	swait.ge [sflag:s29], $0x1  }
0xb5: {  	[sflag:s29] =	ssyncadd.s32 $0xFFFFFFFF  }
0xb6: {  	_ =	strace $0x90000048  }
0xb7: {  	_ =	sfence  }
0xb8: {  	s30 =	sld [smem:$0x0];
	_ =	sdelay $0x2  }
0xb9: {  	s31 =	sshll.u32 s1, $0xD;
	s1 =	sshrl.u32 s1, $0x2  }
0xba: {  	s3 =	sand.u32 $0x4000, s31;
	s1 =	sadd.s32 s1, s30  }
0xbb: {  	s0 =	sor.u32 s3, s0;
	s1 =	sshll.u32 s1, $0x11  }
0xbc: {  	s0 =	sor.u32 s1, s0  }
0xbd: {  	s0 =	sadd.s32 $0x8F2B, s0  }
0xbe: {  	[sflag:s0] =	ssyncadd.remote.s32 $0x1  }
0xbf: {  	_ =	sfence.sel $0xFFFF  }
0xc0: {  	[dreg:$0x0] =	wrdreg $0xFFFFFFFF;
	(pc) =	sbr.abs _section_cstart, $3  }
0xc1: {  	[dreg:$0x1] =	wrdreg $0xFFFFFFFF  }
0xc2: {  	_ =	task.clear_ibuf [dreg:s7], $0x2FFFF;
	_ =	strace $0x9FFFFFFF  }
0xc3: {  	(tm) =	ssettm $0x7FFFFFFF  }
tec
execute0_lowered:
.L_overlay_start_1:
0x0: {  	(tag) =	ssettag $0x1  }
0x1: {  	s4 =	rddreg [dreg:$0x0];
	s0 =	srdreg.scid  }
0x2: {  	s6 =	rddreg [dreg:$0x1];
	s7 =	sand.u32 $0x1, s0;
	s0 =	stileid.u32  }
0x3: {  	s2 =	rddreg [dreg:$0x2];
	s5 =	sshll.u32 s7, $0xB;
	s8 =	sshll.u32 s0, $0x7  }
0x4: {  	s1 =	rddreg [dreg:$0x3];
	s5 =	sor.u32 s8, s5  }
0x5: {  	s3 =	simm.s32 $0x0;
	s26 =	sshll.u32 s0, $0x10;
	s4 =	sadd.s32 s4, s5  }
0x6: {  	[smem:$0x7FF] =	sst s3;
	s5 =	sadd.s32 s26, s2;
	s29 =	sadd.s32 $0x10, s4  }
0x7: {  	_ =	strace $0x80000047;
	s30 =	sadd.s32 $0x800, s5;
	[dreg:$0x4] =	wrdreg s29  }
0x8: {  	s31 =	sadd.s32 $0x1000, s5;
	[dreg:$0x5] =	wrdreg s30  }
0x9: {  	s9 =	sadd.s32 $0x1800, s5;
	[dreg:$0x6] =	wrdreg s31  }
0xa: {  	s10 =	sadd.s32 $0x2000, s5;
	[dreg:$0x7] =	wrdreg s9  }
0xb: {  	s11 =	sadd.s32 $0x2800, s5;
	[dreg:$0x8] =	wrdreg s10  }
0xc: {  	s12 =	sadd.s32 $0x3000, s5;
	[dreg:$0x9] =	wrdreg s11  }
0xd: {  	s13 =	sadd.s32 $0x3800, s5;
	[dreg:$0xa] =	wrdreg s12  }
0xe: {  	s14 =	sadd.s32 $0x4000, s5;
	[dreg:$0xb] =	wrdreg s13  }
0xf: {  	s15 =	sadd.s32 $0x4800, s5;
	[dreg:$0xc] =	wrdreg s14  }
0x10: {  	s16 =	sadd.s32 $0x5000, s5;
	[dreg:$0xd] =	wrdreg s15  }
0x11: {  	s17 =	sadd.s32 $0x5800, s5;
	[dreg:$0xe] =	wrdreg s16  }
0x12: {  	s18 =	sadd.s32 $0x6000, s5;
	[dreg:$0xf] =	wrdreg s17  }
0x13: {  	s19 =	sadd.s32 $0x6800, s5;
	[dreg:$0x10] =	wrdreg s18  }
0x14: {  	s20 =	sadd.s32 $0x7000, s5;
	[dreg:$0x11] =	wrdreg s19  }
0x15: {  	s21 =	sadd.s32 $0x7800, s5;
	[dreg:$0x12] =	wrdreg s20  }
0x16: {  	s22 =	sadd.s32 $0x8000, s5;
	[dreg:$0x13] =	wrdreg s21  }
0x17: {  	s23 =	sadd.s32 $0x8800, s5;
	[dreg:$0x14] =	wrdreg s22  }
0x18: {  	s28 =	simm.s32 $0x10;
	s24 =	sadd.s32 $0x9000, s5;
	[dreg:$0x15] =	wrdreg s23  }
0x19: {  	s25 =	sadd.s32 $0x9800, s5;
	s26 =	sadd.s32 $0xA000, s5;
	[dreg:$0x16] =	wrdreg s24  }
0x1a: {  	s8 =	sadd.s32 $0xD000, s5;
	[dreg:$0x17] =	wrdreg s25;
	s9 =	sshll.u32 s7, $0x4  }
0x1b: {  	[dreg:$0x18] =	wrdreg s26;
	s29 =	sadd.s32 $0xA800, s5;
	s7 =	ssub.s32 $0x2, s7  }
0x1c: {  	s30 =	sadd.s32 $0xB000, s5;
	s31 =	sadd.s32 $0xB800, s5;
	s14 =	sshll.u32 s0, $0xE  }
0x1d: {  	s11 =	sadd.s32 $0xE800, s5;
	s12 =	sadd.s32 $0xF000, s5;
	s16 =	simm.s32 $0x80  }
0x1e: {  	s17 =	simm.s32 $0x100;
	s18 =	simm.s32 $0x1;
	s19 =	simm.s32 $0x200  }
0x1f: {  	s20 =	simm.s32 $0x680;
	s21 =	simm.s32 $0x400;
	s22 =	simm.s32 $0x600  }
0x20: {  	s23 =	simm.s32 $0x480;
	s24 =	simm.s32 $0x500;
	[dreg:$0x19] =	wrdreg s29  }
0x21: {  	s25 =	simm.s32 $0x580;
	s26 =	simm.s32 $0x20;
	[dreg:$0x1a] =	wrdreg s30  }
0x22: {  	s10 =	sshrl.u32 s7, $0x1;
	s13 =	sadd.s32 s9, s6;
	[dreg:$0x1b] =	wrdreg s31  }
0x23: {  	s6 =	sadd.s32 $0xC000, s5;
	s9 =	sadd.s32 $0xD800, s5;
	s15 =	ssub.s32 s7, s10  }
0x24: {  	s7 =	sadd.s32 $0xC800, s5;
	s10 =	sadd.s32 $0xE000, s5;
	s14 =	sadd.s32 s14, s13  }
0x25: {  	v0 =	vimm.f32 $0.0e+00;
	v1 =	vimm.f32 $1.000000000e+00;
	s13 =	sadd.s32 $0xF800, s5;
	s14 =	sadd.s32 $0x6E00, s14;
	s15 =	smax.u32 s15, $0x1  }
.LBB2_1:
0x26: {  	[tilespmem:$0x680] =	vst v0  }
0x27: {  	[tilespmem:$0x690] =	vst v0  }
0x28: {  	[tilespmem:$0x6A0] =	vst v0  }
0x29: {  	[tilespmem:$0x6B0] =	vst v0  }
0x2a: {  	[tilespmem:$0x6C0] =	vst v0  }
0x2b: {  	[tilespmem:$0x6D0] =	vst v0  }
0x2c: {  	[tilespmem:$0x6E0] =	vst v0  }
0x2d: {  	[tilespmem:$0x6F0] =	vst v0  }
0x2e: {  	[tilespmem:$0x700] =	vst v0  }
0x2f: {  	[tilespmem:$0x710] =	vst v0  }
0x30: {  	[tilespmem:$0x720] =	vst v0  }
0x31: {  	[tilespmem:$0x730] =	vst v0  }
0x32: {  	[tilespmem:$0x740] =	vst v0  }
0x33: {  	[tilespmem:$0x750] =	vst v0  }
0x34: {  	[tilespmem:$0x760] =	vst v0  }
0x35: {  	[tilespmem:$0x770] =	vst v0  }
0x36: {  	[tilespmem:$0x780] =	vst v0  }
0x37: {  	[tilespmem:$0x790] =	vst v0  }
0x38: {  	[tilespmem:$0x7A0] =	vst v0  }
0x39: {  	[tilespmem:$0x7B0] =	vst v0  }
0x3a: {  	[tilespmem:$0x7C0] =	vst v0  }
0x3b: {  	[tilespmem:$0x7D0] =	vst v0  }
0x3c: {  	[tilespmem:$0x7E0] =	vst v0  }
0x3d: {  	[tilespmem:$0x7F0] =	vst v0  }
0x3e: {  	[tilespmem:$0x800] =	vst v0  }
0x3f: {  	[tilespmem:$0x810] =	vst v0  }
0x40: {  	[tilespmem:$0x820] =	vst v0  }
0x41: {  	[tilespmem:$0x830] =	vst v0  }
0x42: {  	[tilespmem:$0x840] =	vst v0  }
0x43: {  	[tilespmem:$0x850] =	vst v0  }
0x44: {  	[tilespmem:$0x860] =	vst v0  }
0x45: {  	[tilespmem:$0x870] =	vst v0  }
0x46: {  	[tilespmem:$0x880] =	vst v0  }
0x47: {  	[tilespmem:$0x890] =	vst v0  }
0x48: {  	[tilespmem:$0x8A0] =	vst v0  }
0x49: {  	[tilespmem:$0x8B0] =	vst v0  }
0x4a: {  	[tilespmem:$0x8C0] =	vst v0  }
0x4b: {  	[tilespmem:$0x8D0] =	vst v0  }
0x4c: {  	[tilespmem:$0x8E0] =	vst v0  }
0x4d: {  	[tilespmem:$0x8F0] =	vst v0  }
0x4e: {  	[tilespmem:$0x900] =	vst v0  }
0x4f: {  	[tilespmem:$0x910] =	vst v0  }
0x50: {  	[tilespmem:$0x920] =	vst v0  }
0x51: {  	[tilespmem:$0x930] =	vst v0  }
0x52: {  	[tilespmem:$0x940] =	vst v0  }
0x53: {  	[tilespmem:$0x950] =	vst v0  }
0x54: {  	[tilespmem:$0x960] =	vst v0  }
0x55: {  	[tilespmem:$0x970] =	vst v0  }
0x56: {  	[tilespmem:$0x980] =	vst v0  }
0x57: {  	[tilespmem:$0x990] =	vst v0  }
0x58: {  	[tilespmem:$0x9A0] =	vst v0  }
0x59: {  	[tilespmem:$0x9B0] =	vst v0  }
0x5a: {  	[tilespmem:$0x9C0] =	vst v0  }
0x5b: {  	[tilespmem:$0x9D0] =	vst v0  }
0x5c: {  	[tilespmem:$0x9E0] =	vst v0  }
0x5d: {  	[tilespmem:$0x9F0] =	vst v0  }
0x5e: {  	[tilespmem:$0xA00] =	vst v0  }
0x5f: {  	[tilespmem:$0xA10] =	vst v0  }
0x60: {  	[tilespmem:$0xA20] =	vst v0  }
0x61: {  	[tilespmem:$0xA30] =	vst v0  }
0x62: {  	[tilespmem:$0xA40] =	vst v0  }
0x63: {  	[tilespmem:$0xA50] =	vst v0  }
0x64: {  	[tilespmem:$0xA60] =	vst v0  }
0x65: {  	[tilespmem:$0xA70] =	vst v0  }
0x66: {  	[tilespmem:$0xA80] =	vst v0  }
0x67: {  	[tilespmem:$0xA90] =	vst v0  }
0x68: {  	[tilespmem:$0xAA0] =	vst v0  }
0x69: {  	[tilespmem:$0xAB0] =	vst v0  }
0x6a: {  	[tilespmem:$0xAC0] =	vst v0  }
0x6b: {  	[tilespmem:$0xAD0] =	vst v0  }
0x6c: {  	[tilespmem:$0xAE0] =	vst v0  }
0x6d: {  	[tilespmem:$0xAF0] =	vst v0  }
0x6e: {  	[tilespmem:$0xB00] =	vst v0  }
0x6f: {  	[tilespmem:$0xB10] =	vst v0  }
0x70: {  	[tilespmem:$0xB20] =	vst v0  }
0x71: {  	[tilespmem:$0xB30] =	vst v0  }
0x72: {  	[tilespmem:$0xB40] =	vst v0  }
0x73: {  	[tilespmem:$0xB50] =	vst v0  }
0x74: {  	[tilespmem:$0xB60] =	vst v0  }
0x75: {  	[tilespmem:$0xB70] =	vst v0  }
0x76: {  	[tilespmem:$0xB80] =	vst v0  }
0x77: {  	[tilespmem:$0xB90] =	vst v0  }
0x78: {  	[tilespmem:$0xBA0] =	vst v0  }
0x79: {  	[tilespmem:$0xBB0] =	vst v0  }
0x7a: {  	[tilespmem:$0xBC0] =	vst v0  }
0x7b: {  	[tilespmem:$0xBD0] =	vst v0  }
0x7c: {  	[tilespmem:$0xBE0] =	vst v0  }
0x7d: {  	[tilespmem:$0xBF0] =	vst v0  }
0x7e: {  	[tilespmem:$0xC00] =	vst v0  }
0x7f: {  	[tilespmem:$0xC10] =	vst v0  }
0x80: {  	[tilespmem:$0xC20] =	vst v0  }
0x81: {  	[tilespmem:$0xC30] =	vst v0  }
0x82: {  	[tilespmem:$0xC40] =	vst v0  }
0x83: {  	[tilespmem:$0xC50] =	vst v0  }
0x84: {  	[tilespmem:$0xC60] =	vst v0  }
0x85: {  	[tilespmem:$0xC70] =	vst v0  }
0x86: {  	[tilespmem:$0xC80] =	vst v0  }
0x87: {  	[tilespmem:$0xC90] =	vst v0  }
0x88: {  	[tilespmem:$0xCA0] =	vst v0  }
0x89: {  	[tilespmem:$0xCB0] =	vst v0  }
0x8a: {  	[tilespmem:$0xCC0] =	vst v0  }
0x8b: {  	[tilespmem:$0xCD0] =	vst v0  }
0x8c: {  	[tilespmem:$0xCE0] =	vst v0  }
0x8d: {  	[tilespmem:$0xCF0] =	vst v0  }
0x8e: {  	[tilespmem:$0xD00] =	vst v0  }
0x8f: {  	[tilespmem:$0xD10] =	vst v0  }
0x90: {  	[tilespmem:$0xD20] =	vst v0  }
0x91: {  	[tilespmem:$0xD30] =	vst v0  }
0x92: {  	[tilespmem:$0xD40] =	vst v0  }
0x93: {  	[tilespmem:$0xD50] =	vst v0  }
0x94: {  	[tilespmem:$0xD60] =	vst v0  }
0x95: {  	[tilespmem:$0xD70] =	vst v0  }
0x96: {  	[tilespmem:$0xD80] =	vst v0  }
0x97: {  	[tilespmem:$0xD90] =	vst v0  }
0x98: {  	[tilespmem:$0xDA0] =	vst v0  }
0x99: {  	[tilespmem:$0xDB0] =	vst v0  }
0x9a: {  	[tilespmem:$0xDC0] =	vst v0  }
0x9b: {  	[tilespmem:$0xDD0] =	vst v0  }
0x9c: {  	[tilespmem:$0xDE0] =	vst v0  }
0x9d: {  	[tilespmem:$0xDF0] =	vst v0  }
0x9e: {  	[tilespmem:$0xE00] =	vst v0  }
0x9f: {  	[tilespmem:$0xE10] =	vst v0  }
0xa0: {  	[tilespmem:$0xE20] =	vst v0  }
0xa1: {  	[tilespmem:$0xE30] =	vst v0  }
0xa2: {  	[tilespmem:$0xE40] =	vst v0  }
0xa3: {  	[tilespmem:$0xE50] =	vst v0  }
0xa4: {  	[tilespmem:$0xE60] =	vst v0  }
0xa5: {  	[tilespmem:$0xE70] =	vst v0  }
0xa6: {  	[tilespmem:$0x600] =	vst v1  }
0xa7: {  	[tilespmem:$0x610] =	vst v1  }
0xa8: {  	[tilespmem:$0x620] =	vst v1  }
0xa9: {  	[tilespmem:$0x630] =	vst v1  }
0xaa: {  	[tilespmem:$0x640] =	vst v1  }
0xab: {  	[tilespmem:$0x650] =	vst v1  }
0xac: {  	[tilespmem:$0x660] =	vst v1  }
0xad: {  	[tilespmem:$0x670] =	vst v1  }
0xae: {  	[tilespmem:s3], [sflag:$0x1] =	stream.strided.gather [hbm4b:s4+s16], $0x200, s17, s16, $0x38;
	[tilespmem:$0x10E80] =	vst v63  }
0xaf: {  	_ =	swait.ge [sflag:s18], $0x200  }
0xb0: {  	[sflag:s18] =	ssyncset.done $0x0  }
0xb1: {  	s29 =	rddreg [dreg:$0x4];
	[sflag:s18] =	ssyncadd.s32 $0xFFFFFE00  }
0xb2: {  	[tilespmem:s19], [sflag:$0x1] =	stream.strided.gather [hbm4b:s29+s16], $0x200, s17, s16, $0x38;
	[tilespmem:$0x10E80] =	vst v63  }
0xb3: {  	_ =	swait.ge [sflag:s18], $0x200  }
0xb4: {  	[sflag:s18] =	ssyncset.done $0x0  }
0xb5: {  	[sflag:s18] =	ssyncadd.s32 $0xFFFFFE00  }
0xb6: {  	v2 =	vld [tilespmem:$0x0]  }
0xb7: {  	v3 =	vld [tilespmem:$0x200]  }
0xb8: {  	v4 =	vld [tilespmem:$0x10]  }
0xb9: {  	v5 =	vld [tilespmem:$0x210]  }
0xba: {  	v6 =	vld [tilespmem:$0x20]  }
0xbb: {  	v7 =	vld [tilespmem:$0x220]  }
0xbc: {  	v8 =	vld [tilespmem:$0x30]  }
0xbd: {  	v9 =	vld [tilespmem:$0x230]  }
0xbe: {  	v10 =	vld [tilespmem:$0x40]  }
0xbf: {  	v11 =	vld [tilespmem:$0x240]  }
0xc0: {  	v12 =	vld [tilespmem:$0x50]  }
0xc1: {  	v13 =	vld [tilespmem:$0x250]  }
0xc2: {  	v14 =	vld [tilespmem:$0x60]  }
0xc3: {  	v15 =	vld [tilespmem:$0x260]  }
0xc4: {  	v16 =	vld [tilespmem:$0x70]  }
0xc5: {  	v17 =	vld [tilespmem:$0x270]  }
0xc6: {  	v18 =	vld [tilespmem:$0x80]  }
0xc7: {  	v19 =	vld [tilespmem:$0x280]  }
0xc8: {  	v20 =	vld [tilespmem:$0x90]  }
0xc9: {  	v21 =	vld [tilespmem:$0x290]  }
0xca: {  	v22 =	vld [tilespmem:$0xA0]  }
0xcb: {  	v23 =	vld [tilespmem:$0x2A0]  }
0xcc: {  	v24 =	vld [tilespmem:$0xB0]  }
0xcd: {  	v25 =	vld [tilespmem:$0x2B0]  }
0xce: {  	v26 =	vld [tilespmem:$0xC0]  }
0xcf: {  	v27 =	vld [tilespmem:$0x2C0]  }
0xd0: {  	v28 =	vld [tilespmem:$0xD0]  }
0xd1: {  	v29 =	vld [tilespmem:$0x2D0]  }
0xd2: {  	v30 =	vld [tilespmem:$0xE0]  }
0xd3: {  	v31 =	vld [tilespmem:$0x2E0]  }
0xd4: {  	v32 =	vld [tilespmem:$0xF0]  }
0xd5: {  	v33 =	vld [tilespmem:$0x2F0]  }
0xd6: {  	v34 =	vld [tilespmem:$0x100]  }
0xd7: {  	v35 =	vld [tilespmem:$0x300]  }
0xd8: {  	v36 =	vld [tilespmem:$0x110]  }
0xd9: {  	v37 =	vld [tilespmem:$0x310]  }
0xda: {  	v38 =	vld [tilespmem:$0x120];
	v2 =	vshll.u32 v2, $0xA  }
0xdb: {  	v62 =	vld [tilespmem:$0x320];
	v2 =	vadd.s32 v3, v2;
	v3 =	vshll.u32 v4, $0xA  }
0xdc: {  	v63 =	vld [tilespmem:$0x130];
	[tilespmem:$0x400] =	vst v2;
	v2 =	vadd.s32 v5, v3;
	v3 =	vshll.u32 v6, $0xA  }
0xdd: {  	v39 =	vld [tilespmem:$0x330];
	[tilespmem:$0x410] =	vst v2;
	v2 =	vadd.s32 v7, v3;
	v3 =	vshll.u32 v8, $0xA  }
0xde: {  	v40 =	vld [tilespmem:$0x140];
	[tilespmem:$0x420] =	vst v2;
	v2 =	vadd.s32 v9, v3;
	v3 =	vshll.u32 v10, $0xA  }
0xdf: {  	v41 =	vld [tilespmem:$0x340];
	[tilespmem:$0x430] =	vst v2;
	v2 =	vadd.s32 v11, v3;
	v3 =	vshll.u32 v12, $0xA  }
0xe0: {  	v42 =	vld [tilespmem:$0x150];
	[tilespmem:$0x440] =	vst v2;
	v2 =	vadd.s32 v13, v3;
	v3 =	vshll.u32 v14, $0xA  }
0xe1: {  	v43 =	vld [tilespmem:$0x350];
	[tilespmem:$0x450] =	vst v2;
	v2 =	vadd.s32 v15, v3;
	v3 =	vshll.u32 v16, $0xA  }
0xe2: {  	v44 =	vld [tilespmem:$0x160];
	[tilespmem:$0x460] =	vst v2;
	v2 =	vadd.s32 v17, v3;
	v3 =	vshll.u32 v18, $0xA  }
0xe3: {  	v45 =	vld [tilespmem:$0x360];
	[tilespmem:$0x470] =	vst v2;
	v2 =	vadd.s32 v19, v3;
	v3 =	vshll.u32 v20, $0xA  }
0xe4: {  	v46 =	vld [tilespmem:$0x170];
	[tilespmem:$0x480] =	vst v2;
	v2 =	vadd.s32 v21, v3;
	v3 =	vshll.u32 v22, $0xA  }
0xe5: {  	v47 =	vld [tilespmem:$0x370];
	[tilespmem:$0x490] =	vst v2;
	v2 =	vadd.s32 v23, v3;
	v3 =	vshll.u32 v24, $0xA  }
0xe6: {  	v48 =	vld [tilespmem:$0x180];
	[tilespmem:$0x4A0] =	vst v2;
	v2 =	vadd.s32 v25, v3;
	v3 =	vshll.u32 v26, $0xA  }
0xe7: {  	v49 =	vld [tilespmem:$0x380];
	[tilespmem:$0x4B0] =	vst v2;
	v2 =	vadd.s32 v27, v3;
	v3 =	vshll.u32 v28, $0xA  }
0xe8: {  	v50 =	vld [tilespmem:$0x190];
	[tilespmem:$0x4C0] =	vst v2;
	v2 =	vadd.s32 v29, v3;
	v3 =	vshll.u32 v30, $0xA  }
0xe9: {  	v51 =	vld [tilespmem:$0x390];
	[tilespmem:$0x4D0] =	vst v2;
	v2 =	vadd.s32 v31, v3;
	v3 =	vshll.u32 v32, $0xA  }
0xea: {  	v52 =	vld [tilespmem:$0x1A0];
	[tilespmem:$0x4E0] =	vst v2;
	v2 =	vadd.s32 v33, v3;
	v3 =	vshll.u32 v34, $0xA  }
0xeb: {  	v53 =	vld [tilespmem:$0x3A0];
	[tilespmem:$0x4F0] =	vst v2;
	v2 =	vadd.s32 v35, v3;
	v3 =	vshll.u32 v36, $0xA  }
0xec: {  	v54 =	vld [tilespmem:$0x1B0];
	[tilespmem:$0x500] =	vst v2;
	v2 =	vadd.s32 v37, v3;
	v3 =	vshll.u32 v38, $0xA  }
0xed: {  	v55 =	vld [tilespmem:$0x3B0];
	[tilespmem:$0x510] =	vst v2;
	v2 =	vadd.s32 v62, v3;
	v3 =	vshll.u32 v63, $0xA  }
0xee: {  	v56 =	vld [tilespmem:$0x1C0];
	[tilespmem:$0x520] =	vst v2;
	v2 =	vadd.s32 v39, v3;
	v3 =	vshll.u32 v40, $0xA  }
0xef: {  	v57 =	vld [tilespmem:$0x3C0];
	[tilespmem:$0x530] =	vst v2;
	v2 =	vadd.s32 v41, v3;
	v3 =	vshll.u32 v42, $0xA  }
0xf0: {  	v58 =	vld [tilespmem:$0x1D0];
	[tilespmem:$0x540] =	vst v2;
	v2 =	vadd.s32 v43, v3;
	v3 =	vshll.u32 v44, $0xA  }
0xf1: {  	v59 =	vld [tilespmem:$0x3D0];
	[tilespmem:$0x550] =	vst v2;
	v2 =	vadd.s32 v45, v3;
	v3 =	vshll.u32 v46, $0xA  }
0xf2: {  	v60 =	vld [tilespmem:$0x1E0];
	[tilespmem:$0x560] =	vst v2;
	v2 =	vadd.s32 v47, v3;
	v3 =	vshll.u32 v48, $0xA  }
0xf3: {  	v61 =	vld [tilespmem:$0x3E0];
	[tilespmem:$0x570] =	vst v2;
	v2 =	vadd.s32 v49, v3;
	v3 =	vshll.u32 v50, $0xA  }
0xf4: {  	v62 =	vld [tilespmem:$0x1F0];
	[tilespmem:$0x580] =	vst v2;
	v2 =	vadd.s32 v51, v3;
	v3 =	vshll.u32 v52, $0xA  }
0xf5: {  	v63 =	vld [tilespmem:$0x3F0];
	[tilespmem:$0x590] =	vst v2;
	v2 =	vadd.s32 v53, v3;
	v3 =	vshll.u32 v54, $0xA  }
0xf6: {  	[tilespmem:$0x5A0] =	vst v2;
	v2 =	vadd.s32 v55, v3;
	v3 =	vshll.u32 v56, $0xA  }
0xf7: {  	[tilespmem:$0x5B0] =	vst v2;
	v2 =	vadd.s32 v57, v3;
	v3 =	vshll.u32 v58, $0xA  }
0xf8: {  	[tilespmem:$0x5C0] =	vst v2;
	v2 =	vadd.s32 v59, v3;
	v3 =	vshll.u32 v60, $0xA  }
0xf9: {  	[tilespmem:$0x5D0] =	vst v2;
	v2 =	vadd.s32 v61, v3;
	v3 =	vshll.u32 v62, $0xA  }
0xfa: {  	[tilespmem:$0x5E0] =	vst v2;
	v2 =	vadd.s32 v63, v3  }
0xfb: {  	[tilespmem:$0x5F0] =	vst v2  }
0xfc: {  	[spmem:s5] =	stream.linear.scatter [tilespmem:s20], [sflag:$0x1], $0x800, $0x38;
	[tilespmem:$0x10E80] =	vst v63  }
0xfd: {  	_ =	swait.ge [sflag:s18], $0x800  }
0xfe: {  	[sflag:s18] =	ssyncset.done $0x0  }
0xff: {  	s30 =	rddreg [dreg:$0x5];
	[sflag:s18] =	ssyncadd.s32 $0xFFFFF800  }
0x100: {  	[spmem:s30] =	stream.linear.scatter [tilespmem:s20], [sflag:$0x1], $0x800, $0x38;
	[tilespmem:$0x10E80] =	vst v63  }
0x101: {  	_ =	swait.ge [sflag:s18], $0x800  }
0x102: {  	[sflag:s18] =	ssyncset.done $0x0  }
0x103: {  	s31 =	rddreg [dreg:$0x6];
	[sflag:s18] =	ssyncadd.s32 $0xFFFFF800  }
0x104: {  	[spmem:s31] =	stream.linear.scatter [tilespmem:s20], [sflag:$0x1], $0x800, $0x38;
	[tilespmem:$0x10E80] =	vst v63  }
0x105: {  	_ =	swait.ge [sflag:s18], $0x800  }
0x106: {  	[sflag:s18] =	ssyncset.done $0x0  }
0x107: {  	s30 =	rddreg [dreg:$0x7];
	[sflag:s18] =	ssyncadd.s32 $0xFFFFF800  }
0x108: {  	[spmem:s30] =	stream.linear.scatter [tilespmem:s20], [sflag:$0x1], $0x800, $0x38;
	[tilespmem:$0x10E80] =	vst v63  }
0x109: {  	_ =	swait.ge [sflag:s18], $0x800  }
0x10a: {  	[sflag:s18] =	ssyncset.done $0x0  }
0x10b: {  	s31 =	rddreg [dreg:$0x8];
	[sflag:s18] =	ssyncadd.s32 $0xFFFFF800  }
0x10c: {  	[spmem:s31] =	stream.linear.scatter [tilespmem:s20], [sflag:$0x1], $0x800, $0x38;
	[tilespmem:$0x10E80] =	vst v63  }
0x10d: {  	_ =	swait.ge [sflag:s18], $0x800  }
0x10e: {  	[sflag:s18] =	ssyncset.done $0x0  }
0x10f: {  	s30 =	rddreg [dreg:$0x9];
	[sflag:s18] =	ssyncadd.s32 $0xFFFFF800  }
0x110: {  	[spmem:s30] =	stream.linear.scatter [tilespmem:s20], [sflag:$0x1], $0x800, $0x38;
	[tilespmem:$0x10E80] =	vst v63  }
0x111: {  	_ =	swait.ge [sflag:s18], $0x800  }
0x112: {  	[sflag:s18] =	ssyncset.done $0x0  }
0x113: {  	s31 =	rddreg [dreg:$0xa];
	[sflag:s18] =	ssyncadd.s32 $0xFFFFF800  }
0x114: {  	[spmem:s31] =	stream.linear.scatter [tilespmem:s20], [sflag:$0x1], $0x800, $0x38;
	[tilespmem:$0x10E80] =	vst v63  }
0x115: {  	_ =	swait.ge [sflag:s18], $0x800  }
0x116: {  	[sflag:s18] =	ssyncset.done $0x0  }
0x117: {  	s30 =	rddreg [dreg:$0xb];
	[sflag:s18] =	ssyncadd.s32 $0xFFFFF800  }
0x118: {  	[spmem:s30] =	stream.linear.scatter [tilespmem:s20], [sflag:$0x1], $0x800, $0x38;
	[tilespmem:$0x10E80] =	vst v63  }
0x119: {  	_ =	swait.ge [sflag:s18], $0x800  }
0x11a: {  	[sflag:s18] =	ssyncset.done $0x0  }
0x11b: {  	s31 =	rddreg [dreg:$0xc];
	[sflag:s18] =	ssyncadd.s32 $0xFFFFF800  }
0x11c: {  	[spmem:s31] =	stream.linear.scatter [tilespmem:s20], [sflag:$0x1], $0x800, $0x38;
	[tilespmem:$0x10E80] =	vst v63  }
0x11d: {  	_ =	swait.ge [sflag:s18], $0x800  }
0x11e: {  	[sflag:s18] =	ssyncset.done $0x0  }
0x11f: {  	s30 =	rddreg [dreg:$0xd];
	[sflag:s18] =	ssyncadd.s32 $0xFFFFF800  }
0x120: {  	[spmem:s30] =	stream.linear.scatter [tilespmem:s20], [sflag:$0x1], $0x800, $0x38;
	[tilespmem:$0x10E80] =	vst v63  }
0x121: {  	_ =	swait.ge [sflag:s18], $0x800  }
0x122: {  	[sflag:s18] =	ssyncset.done $0x0  }
0x123: {  	s31 =	rddreg [dreg:$0xe];
	[sflag:s18] =	ssyncadd.s32 $0xFFFFF800  }
0x124: {  	[spmem:s31] =	stream.linear.scatter [tilespmem:s20], [sflag:$0x1], $0x800, $0x38;
	[tilespmem:$0x10E80] =	vst v63  }
0x125: {  	_ =	swait.ge [sflag:s18], $0x800  }
0x126: {  	[sflag:s18] =	ssyncset.done $0x0  }
0x127: {  	s30 =	rddreg [dreg:$0xf];
	[sflag:s18] =	ssyncadd.s32 $0xFFFFF800  }
0x128: {  	[spmem:s30] =	stream.linear.scatter [tilespmem:s20], [sflag:$0x1], $0x800, $0x38;
	[tilespmem:$0x10E80] =	vst v63  }
0x129: {  	_ =	swait.ge [sflag:s18], $0x800  }
0x12a: {  	[sflag:s18] =	ssyncset.done $0x0  }
0x12b: {  	s31 =	rddreg [dreg:$0x10];
	[sflag:s18] =	ssyncadd.s32 $0xFFFFF800  }
0x12c: {  	[spmem:s31] =	stream.linear.scatter [tilespmem:s20], [sflag:$0x1], $0x800, $0x38;
	[tilespmem:$0x10E80] =	vst v63  }
0x12d: {  	_ =	swait.ge [sflag:s18], $0x800  }
0x12e: {  	[sflag:s18] =	ssyncset.done $0x0  }
0x12f: {  	s30 =	rddreg [dreg:$0x11];
	[sflag:s18] =	ssyncadd.s32 $0xFFFFF800  }
0x130: {  	[spmem:s30] =	stream.linear.scatter [tilespmem:s20], [sflag:$0x1], $0x800, $0x38;
	[tilespmem:$0x10E80] =	vst v63  }
0x131: {  	_ =	swait.ge [sflag:s18], $0x800  }
0x132: {  	[sflag:s18] =	ssyncset.done $0x0  }
0x133: {  	s31 =	rddreg [dreg:$0x12];
	[sflag:s18] =	ssyncadd.s32 $0xFFFFF800  }
0x134: {  	[spmem:s31] =	stream.linear.scatter [tilespmem:s20], [sflag:$0x1], $0x800, $0x38;
	[tilespmem:$0x10E80] =	vst v63  }
0x135: {  	_ =	swait.ge [sflag:s18], $0x800  }
0x136: {  	[sflag:s18] =	ssyncset.done $0x0  }
0x137: {  	s30 =	rddreg [dreg:$0x13];
	[sflag:s18] =	ssyncadd.s32 $0xFFFFF800  }
0x138: {  	[spmem:s30] =	stream.linear.scatter [tilespmem:s20], [sflag:$0x1], $0x800, $0x38;
	[tilespmem:$0x10E80] =	vst v63  }
0x139: {  	_ =	swait.ge [sflag:s18], $0x800  }
0x13a: {  	[sflag:s18] =	ssyncset.done $0x0  }
0x13b: {  	s31 =	rddreg [dreg:$0x14];
	[sflag:s18] =	ssyncadd.s32 $0xFFFFF800  }
0x13c: {  	[spmem:s31] =	stream.linear.scatter [tilespmem:s20], [sflag:$0x1], $0x800, $0x38;
	[tilespmem:$0x10E80] =	vst v63  }
0x13d: {  	_ =	swait.ge [sflag:s18], $0x800  }
0x13e: {  	[sflag:s18] =	ssyncset.done $0x0  }
0x13f: {  	s30 =	rddreg [dreg:$0x15];
	[sflag:s18] =	ssyncadd.s32 $0xFFFFF800  }
0x140: {  	[spmem:s30] =	stream.linear.scatter [tilespmem:s20], [sflag:$0x1], $0x800, $0x38;
	[tilespmem:$0x10E80] =	vst v63  }
0x141: {  	_ =	swait.ge [sflag:s18], $0x800  }
0x142: {  	[sflag:s18] =	ssyncset.done $0x0  }
0x143: {  	s31 =	rddreg [dreg:$0x16];
	[sflag:s18] =	ssyncadd.s32 $0xFFFFF800  }
0x144: {  	[spmem:s31] =	stream.linear.scatter [tilespmem:s20], [sflag:$0x1], $0x800, $0x38;
	[tilespmem:$0x10E80] =	vst v63  }
0x145: {  	_ =	swait.ge [sflag:s18], $0x800  }
0x146: {  	[sflag:s18] =	ssyncset.done $0x0  }
0x147: {  	s30 =	rddreg [dreg:$0x17];
	[sflag:s18] =	ssyncadd.s32 $0xFFFFF800  }
0x148: {  	[spmem:s30] =	stream.linear.scatter [tilespmem:s20], [sflag:$0x1], $0x800, $0x38;
	[tilespmem:$0x10E80] =	vst v63  }
0x149: {  	_ =	swait.ge [sflag:s18], $0x800  }
0x14a: {  	[sflag:s18] =	ssyncset.done $0x0  }
0x14b: {  	s31 =	rddreg [dreg:$0x18];
	[sflag:s18] =	ssyncadd.s32 $0xFFFFF800  }
0x14c: {  	[spmem:s31] =	stream.linear.scatter [tilespmem:s20], [sflag:$0x1], $0x800, $0x38;
	[tilespmem:$0x10E80] =	vst v63  }
0x14d: {  	_ =	swait.ge [sflag:s18], $0x800  }
0x14e: {  	[sflag:s18] =	ssyncset.done $0x0  }
0x14f: {  	s30 =	rddreg [dreg:$0x19];
	[sflag:s18] =	ssyncadd.s32 $0xFFFFF800  }
0x150: {  	[spmem:s30] =	stream.linear.scatter [tilespmem:s20], [sflag:$0x1], $0x800, $0x38;
	[tilespmem:$0x10E80] =	vst v63  }
0x151: {  	_ =	swait.ge [sflag:s18], $0x800  }
0x152: {  	[sflag:s18] =	ssyncset.done $0x0  }
0x153: {  	s31 =	rddreg [dreg:$0x1a];
	[sflag:s18] =	ssyncadd.s32 $0xFFFFF800  }
0x154: {  	[spmem:s31] =	stream.linear.scatter [tilespmem:s20], [sflag:$0x1], $0x800, $0x38;
	[tilespmem:$0x10E80] =	vst v63  }
0x155: {  	_ =	swait.ge [sflag:s18], $0x800  }
0x156: {  	[sflag:s18] =	ssyncset.done $0x0  }
0x157: {  	s30 =	rddreg [dreg:$0x1b];
	[sflag:s18] =	ssyncadd.s32 $0xFFFFF800  }
0x158: {  	[spmem:s30] =	stream.linear.scatter [tilespmem:s20], [sflag:$0x1], $0x800, $0x38;
	[tilespmem:$0x10E80] =	vst v63  }
0x159: {  	_ =	swait.ge [sflag:s18], $0x800  }
0x15a: {  	[sflag:s18] =	ssyncset.done $0x0  }
0x15b: {  	[sflag:s18] =	ssyncadd.s32 $0xFFFFF800  }
0x15c: {  	[spmem:s6] =	stream.linear.scatter [tilespmem:s20], [sflag:$0x1], $0x800, $0x38;
	[tilespmem:$0x10E80] =	vst v63  }
0x15d: {  	_ =	swait.ge [sflag:s18], $0x800  }
0x15e: {  	[sflag:s18] =	ssyncset.done $0x0  }
0x15f: {  	[sflag:s18] =	ssyncadd.s32 $0xFFFFF800  }
0x160: {  	[spmem:s7] =	stream.linear.scatter [tilespmem:s20], [sflag:$0x1], $0x800, $0x38;
	[tilespmem:$0x10E80] =	vst v63  }
0x161: {  	_ =	swait.ge [sflag:s18], $0x800  }
0x162: {  	[sflag:s18] =	ssyncset.done $0x0  }
0x163: {  	[sflag:s18] =	ssyncadd.s32 $0xFFFFF800  }
0x164: {  	[spmem:s8] =	stream.linear.scatter [tilespmem:s20], [sflag:$0x1], $0x800, $0x38;
	[tilespmem:$0x10E80] =	vst v63  }
0x165: {  	_ =	swait.ge [sflag:s18], $0x800  }
0x166: {  	[sflag:s18] =	ssyncset.done $0x0  }
0x167: {  	[sflag:s18] =	ssyncadd.s32 $0xFFFFF800  }
0x168: {  	[spmem:s9] =	stream.linear.scatter [tilespmem:s20], [sflag:$0x1], $0x800, $0x38;
	[tilespmem:$0x10E80] =	vst v63  }
0x169: {  	_ =	swait.ge [sflag:s18], $0x800  }
0x16a: {  	[sflag:s18] =	ssyncset.done $0x0  }
0x16b: {  	[sflag:s18] =	ssyncadd.s32 $0xFFFFF800  }
0x16c: {  	[spmem:s10] =	stream.linear.scatter [tilespmem:s20], [sflag:$0x1], $0x800, $0x38;
	[tilespmem:$0x10E80] =	vst v63  }
0x16d: {  	_ =	swait.ge [sflag:s18], $0x800  }
0x16e: {  	[sflag:s18] =	ssyncset.done $0x0  }
0x16f: {  	[sflag:s18] =	ssyncadd.s32 $0xFFFFF800  }
0x170: {  	[spmem:s11] =	stream.linear.scatter [tilespmem:s20], [sflag:$0x1], $0x800, $0x38;
	[tilespmem:$0x10E80] =	vst v63  }
0x171: {  	_ =	swait.ge [sflag:s18], $0x800  }
0x172: {  	[sflag:s18] =	ssyncset.done $0x0  }
0x173: {  	[sflag:s18] =	ssyncadd.s32 $0xFFFFF800  }
0x174: {  	[spmem:s12] =	stream.linear.scatter [tilespmem:s20], [sflag:$0x1], $0x800, $0x38;
	[tilespmem:$0x10E80] =	vst v63  }
0x175: {  	_ =	swait.ge [sflag:s18], $0x800  }
0x176: {  	[sflag:s18] =	ssyncset.done $0x0  }
0x177: {  	[sflag:s18] =	ssyncadd.s32 $0xFFFFF800  }
0x178: {  	[spmem:s13] =	stream.linear.scatter [tilespmem:s20], [sflag:$0x1], $0x800, $0x38;
	[tilespmem:$0x10E80] =	vst v63  }
0x179: {  	_ =	swait.ge [sflag:s18], $0x800  }
0x17a: {  	[sflag:s18] =	ssyncset.done $0x0  }
0x17b: {  	[sflag:s18] =	ssyncadd.s32 $0xFFFFF800  }
0x17c: {  	[bflag:$0x0] =	sbarrier.arrive $0xFFFF  }
0x17d: {  	[spmem:s2] =	stream.indirect.scatter.add.f32 [tilespmem:s22], [sflag:$0x1], $0x1, s21, s16, $0xb8;
	[tilespmem:$0x10E80] =	vst v63  }
0x17e: {  	_ =	swait.ge [sflag:s18], $0x80  }
0x17f: {  	[sflag:s18] =	ssyncset.done $0x0  }
0x180: {  	[sflag:s18] =	ssyncadd.s32 $0xFFFFFF80  }
0x181: {  	[spmem:s2] =	stream.indirect.scatter.add.f32 [tilespmem:s22], [sflag:$0x1], $0x1, s23, s16, $0xb8;
	[tilespmem:$0x10E80] =	vst v63  }
0x182: {  	_ =	swait.ge [sflag:s18], $0x80  }
0x183: {  	[sflag:s18] =	ssyncset.done $0x0  }
0x184: {  	[sflag:s18] =	ssyncadd.s32 $0xFFFFFF80  }
0x185: {  	[spmem:s2] =	stream.indirect.scatter.add.f32 [tilespmem:s22], [sflag:$0x1], $0x1, s24, s16, $0xb8;
	[tilespmem:$0x10E80] =	vst v63  }
0x186: {  	_ =	swait.ge [sflag:s18], $0x80  }
0x187: {  	[sflag:s18] =	ssyncset.done $0x0  }
0x188: {  	[sflag:s18] =	ssyncadd.s32 $0xFFFFFF80  }
0x189: {  	[spmem:s2] =	stream.indirect.scatter.add.f32 [tilespmem:s22], [sflag:$0x1], $0x1, s25, s16, $0xb8;
	[tilespmem:$0x10E80] =	vst v63  }
0x18a: {  	_ =	swait.ge [sflag:s18], $0x80  }
0x18b: {  	s31 =	sshll.u32 s0, $0x6;
	[sflag:s18] =	ssyncset.done $0x0  }
0x18c: {  	p0 =	sne.s32 s15, $0x1;
	s29 =	sor.u32 $0x1C01, s31;
	[sflag:s18] =	ssyncadd.s32 $0xFFFFFF80  }
.Ltmp0:
0x18d: {  	s30 =	sshrl.u32 s5, $0x3;
	[bflag:$0x0] =	sbarrier.arrive $0xFFFF;
	(pc) =	sbr.rel @p0 .LBB2_1-.Ltmp0, $4  }
0x18e: {  	[hbm:s14@s26], [sflag:s29] =	dma.strided [spmem:s30@s28], $0x2000, s18, $0x10   }
0x18f: {  	_ =	swait.ge [sflag:s18], $0x2000  }
0x190: {  	[sflag:s18] =	ssyncset.done $0x0  }
0x191: {  	s15 =	sadd.s32 $0xFFFFFFFF, s15;
	[sflag:s18] =	ssyncadd.s32 $0xFFFFE000  }
0x192: {  	_ =	sfence.sel $0x180000  }
0x193: {  	[bflag:$0x0] =	sbarrier.arrive $0xFFFF  }
0x194: {  	p0 =	sne.s32 s0, $0x0;
	_ =	strace $0x90000047  }
0x195: {  	s0 =	sadd.s32 @!p0 $0x100000, s1;
	[bflag:$0x2] =	sbarrier.arrive $0xFFFF  }
0x196: {  	[sflag:s0] =	ssyncadd.tile.s32 @!p0 $0x1;
	_ =	shalt  }
.Lfunc_end2:
_tile_overlayer_lowered:
.L_overlay_start_2:
0x197: {  	(tag) =	ssettag $0x2  }
0x198: {  	s0 =	rddreg [dreg:$0x0];
	s2 =	stileid.u32  }
0x199: {  	s1 =	rddreg [dreg:$0x1];
	p0 =	sne.s32 s2, $0x0  }
0x19a: {  	s3 =	rddreg [dreg:$0x2];
	[bflag:$0x3] =	sbarrier.arrive $0xFFFF;
	s2 =	simm.s32 @!p0 $0x1C01  }
0x19b: {  	[timem:s3], [sflag:s2] =	dma.local @!p0 [hbm:s0], s1  }
0x19c: {  	s0 =	simm.s32 @!p0 $0x1  }
0x19d: {  	_ =	swait.ge @!p0 [sflag:s0], s1  }
0x19e: {  	s1 =	ssub.s32 @!p0 $0x0, s1;
	[sflag:s0] =	ssyncset.done @!p0 $0x0  }
0x19f: {  	[sflag:s0] =	ssyncadd.s32 @!p0 s1  }
0x1a0: {  	[bflag:$0x3] =	sbarrier.arrive $0xFFFF  }
0x1a1: {  	_ =	shalt  }

</sc_bundles>
